<compile_context>
chip_gen: v7x
topology: tpu7x:2x2x1
jax: 0.10.2.dev20260603
libtpu: 0.0.44.dev20260713+nightly
codegen_flags: <defaults>
</compile_context>

<pallas_src>
import functools

import jax
import jax.numpy as jnp
from jax import lax
from jax.experimental import pallas as pl
from jax.experimental.pallas import tpu as pltpu
from jax.experimental.pallas import tpu_sc as plsc

N = 10000
E = 320000
D = 128

NC = 2
NS = 16
NW = NC * NS
CHUNK = 128

ROWS_PER_TILE = 632
ACC_ROWS = NS * ROWS_PER_TILE
CHUNKS_PER_TILE = 79
EDGES_PER_TILE = CHUNKS_PER_TILE * CHUNK
E_PAD = NW * EDGES_PER_TILE
NBUF = 2
TOT_CHUNKS = NW * CHUNKS_PER_TILE

_mesh = plsc.VectorSubcoreMesh(core_axis_name="c", subcore_axis_name="s")


@functools.partial(
    pl.kernel,
    out_type=jax.ShapeDtypeStruct((2 * ACC_ROWS, D), jnp.float32),
    mesh=_mesh,
    scratch_types=[
        pltpu.VMEM_SHARED((ACC_ROWS, D), jnp.float32),
        [pltpu.VMEM((CHUNK,), jnp.int32)] * NBUF,
        [pltpu.VMEM((CHUNK,), jnp.int32)] * NBUF,
        [pltpu.VMEM((CHUNK, D), jnp.float32)] * NBUF,
        pltpu.SemaphoreType.DMA,
        [pltpu.SemaphoreType.DMA] * NBUF,
    ],
)
def _sc_segsum(h_hbm, src_hbm, dst_hbm, zeros_hbm, out_hbm,
               acc, sidx, didx, rows, gsem, ssem):
    c = lax.axis_index("c")
    s = lax.axis_index("s")
    w = c * NS + s
    eb = w * EDGES_PER_TILE

    pltpu.sync_copy(zeros_hbm, acc.at[pl.ds(s * ROWS_PER_TILE, ROWS_PER_TILE)])
    plsc.subcore_barrier()

    def work(g, j):
        base = eb + g * CHUNK
        pltpu.sync_copy(src_hbm.at[pl.ds(base, CHUNK)], sidx[j])
        pltpu.sync_copy(dst_hbm.at[pl.ds(base, CHUNK)], didx[j])
        pltpu.async_copy(h_hbm.at[sidx[j]], rows[j], gsem).wait()
        pltpu.async_copy(rows[j], acc.at[didx[j]], ssem[j], add=True)

    def sdrain(j):
        pltpu.make_async_copy(rows[j], acc.at[didx[j]], ssem[j]).wait()

    for j in range(NBUF):
        work(j, j)

    def body(i, carry):
        for j in range(NBUF):
            sdrain(j)
            work(i * NBUF + j, j)
        return carry

    lax.fori_loop(1, CHUNKS_PER_TILE // NBUF, body, 0)
    sdrain(0)
    work(CHUNKS_PER_TILE - 1, 0)
    for j in range(NBUF):
        sdrain(j)
    plsc.subcore_barrier()

    pltpu.sync_copy(acc.at[pl.ds(s * ROWS_PER_TILE, ROWS_PER_TILE)],
                    out_hbm.at[pl.ds(c * ACC_ROWS + s * ROWS_PER_TILE,
                                     ROWS_PER_TILE)])


@functools.partial(
    pl.kernel,
    out_type=jax.ShapeDtypeStruct((2 * ACC_ROWS, D), jnp.float32),
    mesh=_mesh,
    scratch_types=[
        pltpu.VMEM_SHARED((ACC_ROWS, D), jnp.float32),
        [pltpu.VMEM((CHUNK,), jnp.int32)] * NBUF,
        pltpu.VMEM((CHUNK, D), jnp.float32),
        [pltpu.SemaphoreType.DMA] * NBUF,
    ],
)
def _sc_degree(dst_hbm, zeros_hbm, ones_hbm, out_hbm,
               accd, didx, ones_v, ssem):
    c = lax.axis_index("c")
    s = lax.axis_index("s")
    w = c * NS + s
    eb = w * EDGES_PER_TILE

    pltpu.sync_copy(zeros_hbm, accd.at[pl.ds(s * ROWS_PER_TILE, ROWS_PER_TILE)])
    pltpu.sync_copy(ones_hbm, ones_v)
    plsc.subcore_barrier()

    def sfire(g, j):
        pltpu.sync_copy(dst_hbm.at[pl.ds(eb + g * CHUNK, CHUNK)], didx[j])
        pltpu.async_copy(ones_v, accd.at[didx[j]], ssem[j], add=True)

    def sdrain(j):
        pltpu.make_async_copy(ones_v, accd.at[didx[j]], ssem[j]).wait()

    for j in range(NBUF):
        sfire(j, j)

    def body(i, carry):
        for j in range(NBUF):
            sdrain(j)
            sfire(i * NBUF + j, j)
        return carry

    lax.fori_loop(1, CHUNKS_PER_TILE // NBUF, body, 0)
    sdrain(0)
    sfire(CHUNKS_PER_TILE - 1, 0)
    for j in range(NBUF):
        sdrain(j)
    plsc.subcore_barrier()
    pltpu.sync_copy(accd.at[pl.ds(s * ROWS_PER_TILE, ROWS_PER_TILE)],
                    out_hbm.at[pl.ds(c * ACC_ROWS + s * ROWS_PER_TILE,
                                     ROWS_PER_TILE)])


ROWB = 2000


def _fc0_body(x_ref, w_ref, b_ref, o_ref):
    y = jnp.dot(x_ref[...], w_ref[...], preferred_element_type=jnp.float32)
    o_ref[...] = jnp.maximum(y + b_ref[...], 0.0)


def _tc_fc0(x, w, b):
    return pl.pallas_call(
        _fc0_body,
        grid=(N // ROWB,),
        in_specs=[
            pl.BlockSpec((ROWB, D), lambda i: (i, 0)),
            pl.BlockSpec((D, D), lambda i: (0, 0)),
            pl.BlockSpec((1, D), lambda i: (0, 0)),
        ],
        out_specs=pl.BlockSpec((ROWB, D), lambda i: (i, 0)),
        out_shape=jax.ShapeDtypeStruct((N, D), jnp.float32),
    )(x, w, b.reshape(1, D))


def _layer_body(eps_ref, h_ref, p0_ref, p1_ref, r_ref, w_ref, b_ref, o_ref,
                *, relu):
    agg = (p0_ref[...] + p1_ref[...]) * r_ref[...]
    x = (1.0 + eps_ref[0]) * h_ref[...] + agg
    y = jnp.dot(x, w_ref[...], preferred_element_type=jnp.float32) + b_ref[...]
    o_ref[...] = jnp.maximum(y, 0.0) if relu else y


def _tc_layer(h, p0, p1, rdeg, w, b, eps, relu):
    return pl.pallas_call(
        functools.partial(_layer_body, relu=relu),
        grid=(N // ROWB,),
        in_specs=[
            pl.BlockSpec(memory_space=pltpu.SMEM),
            pl.BlockSpec((ROWB, D), lambda i: (i, 0)),
            pl.BlockSpec((ROWB, D), lambda i: (i, 0)),
            pl.BlockSpec((ROWB, D), lambda i: (i, 0)),
            pl.BlockSpec((ROWB, 1), lambda i: (i, 0)),
            pl.BlockSpec((D, D), lambda i: (0, 0)),
            pl.BlockSpec((1, D), lambda i: (0, 0)),
        ],
        out_specs=pl.BlockSpec((ROWB, D), lambda i: (i, 0)),
        out_shape=jax.ShapeDtypeStruct((N, D), jnp.float32),
    )(eps.reshape(1), h, p0, p1, rdeg, w, b.reshape(1, D))


def kernel(features, edge_index, W0, b0, W1, b1, eps1, W2, b2, eps2, W3, b3, eps3):
    src = edge_index[0]
    dst = edge_index[1]
    pad = E_PAD - E
    ar = jnp.arange(pad, dtype=jnp.int32)
    src_p = jnp.concatenate([src, ar % N])
    dst_p = jnp.concatenate([dst, N + ar % (ACC_ROWS - N)])
    zeros_hbm = jnp.zeros((ROWS_PER_TILE, D), jnp.float32)
    ones_hbm = jnp.ones((CHUNK, D), jnp.float32)

    dp = _sc_degree(dst_p, zeros_hbm, ones_hbm)
    deg = dp[:N, 0] + dp[ACC_ROWS:ACC_ROWS + N, 0]
    rdeg = (1.0 / jnp.maximum(deg, 1.0)).reshape(N, 1)

    h = _tc_fc0(features, W0, b0)
    for w_, b_, eps_, relu in ((W1, b1, eps1, True),
                               (W2, b2, eps2, True),
                               (W3, b3, eps3, False)):
        p = _sc_segsum(h, src_p, dst_p, zeros_hbm)
        h = _tc_layer(h, p[:N], p[ACC_ROWS:ACC_ROWS + N], rdeg,
                      w_, b_, eps_, relu)
    return h

# --- scband reference (transcript-rebuilt; emitter-appended) ---
"""Pipeline reference for scband-gin-73538430042256 (READ-ONLY COPY).

The authoritative reference and input builder live on the scoring server;
editing this copy changes nothing except your own understanding.
"""

import jax, jax.numpy as jnp
import numpy as np

N = 10000
E = 320000
D_IN = 128
D_H = 128
D_OUT = 128


def setup_inputs(seed: int = 0) -> dict:
    key = jax.random.key(seed)
    ks = jax.random.split(key, 16)
    inp = {}
    inp["features"] = jax.random.normal(ks[0], (N, D_IN), dtype=jnp.float32)
    inp["edge_index"] = jax.random.randint(ks[1], (2, E), 0, N, dtype=jnp.int32)
    s = 0.05
    inp["W0"] = jax.random.normal(ks[2], (D_IN, D_H), dtype=jnp.float32) * s
    inp["b0"] = jnp.zeros((D_H,), dtype=jnp.float32)
    inp["W1"] = jax.random.normal(ks[3], (D_H, D_H), dtype=jnp.float32) * s
    inp["b1"] = jnp.zeros((D_H,), dtype=jnp.float32)
    inp["eps1"] = jnp.zeros((), dtype=jnp.float32)
    inp["W2"] = jax.random.normal(ks[4], (D_H, D_H), dtype=jnp.float32) * s
    inp["b2"] = jnp.zeros((D_H,), dtype=jnp.float32)
    inp["eps2"] = jnp.zeros((), dtype=jnp.float32)
    inp["W3"] = jax.random.normal(ks[5], (D_H, D_OUT), dtype=jnp.float32) * s
    inp["b3"] = jnp.zeros((D_OUT,), dtype=jnp.float32)
    inp["eps3"] = jnp.zeros((), dtype=jnp.float32)
    return inp


def _gin_conv(h, src, dst, W, b, eps):
    # mean aggregation over incoming neighbors (gather + scatter-add)
    msgs = jnp.take(h, src, axis=0)
    summed = jax.ops.segment_sum(msgs, dst, num_segments=N)
    deg = jax.ops.segment_sum(jnp.ones((src.shape[0],), dtype=h.dtype), dst, num_segments=N)
    agg = summed / jnp.clip(deg, 1.0)[:, None]
    return ((1.0 + eps) * h + agg) @ W + b


def reference(features, edge_index, W0, b0, W1, b1, eps1, W2, b2, eps2, W3, b3, eps3):
    src = edge_index[0]
    dst = edge_index[1]
    # fc_init + activation
    h = jax.nn.relu(features @ W0 + b0)
    # n_layers=2 hidden GINConv layers with relu, plus final output GINConv
    h = jax.nn.relu(_gin_conv(h, src, dst, W1, b1, eps1))
    h = jax.nn.relu(_gin_conv(h, src, dst, W2, b2, eps2))
    h = _gin_conv(h, src, dst, W3, b3, eps3)
    # h.squeeze(1) is a no-op for [N, D_OUT] with D_OUT != 1
    return h

if __name__ == "__main__":
    import jax
    _d = setup_inputs()
    print(jax.jit(kernel)(*tuple(_d.values())))

</pallas_src>

<mosaic_0001>
#map = affine_map<(d0, d1) -> (0)>
#map1 = affine_map<(d0, d1) -> (0, 0)>
module attributes {stable_mosaic.version = 14 : i64} {
  func.func @_sc_degree(%arg0: i32, %arg1: i32, %arg2: memref<323584xi32, #tpu.memory_space<hbm>>, %arg3: memref<632x128xf32, #tpu.memory_space<hbm>>, %arg4: memref<128x128xf32, #tpu.memory_space<hbm>>, %arg5: memref<20224x128xf32, #tpu.memory_space<hbm>>, %arg6: memref<10112x128xf32, #tpu.memory_space<vmem_shared>>, %arg7: memref<128xi32, #tpu.memory_space<vmem>>, %arg8: memref<128xi32, #tpu.memory_space<vmem>>, %arg9: memref<128x128xf32, #tpu.memory_space<vmem>>, %arg10: memref<!tpu.dma_semaphore, #tpu.memory_space<semaphore_mem>>, %arg11: memref<!tpu.dma_semaphore, #tpu.memory_space<semaphore_mem>>) attributes {dimension_semantics = [#tpu.dimension_semantics<core_parallel>, #tpu.dimension_semantics<subcore_parallel>], iteration_bounds = array<i64: 2, 16>, scalar_prefetch = 0 : i64, scratch_operands = 6 : i64, tpu.core_type = #tpu.core_type<sc_vector_subcore>, window_params = [{transform_indices = #map}, {transform_indices = #map1}, {transform_indices = #map1}, {transform_indices = #map1}]} {
    %mul3A = arith.constant 16 : i32
    %mul3A_0 = arith.muli %arg0, %mul3A : i32
    %add3A = arith.addi %mul3A_0, %arg1 : i32
    %mul3A_1 = arith.constant 10112 : i32
    %mul3A_2 = arith.muli %add3A, %mul3A_1 : i32
    %mul3A_3 = arith.constant 632 : i32
    %mul3A_4 = arith.muli %arg1, %mul3A_3 : i32
    "tpu.region"() ({
      %run_scoped3A = tpu.sem_alloc : memref<!tpu.dma_semaphore, #tpu.memory_space<semaphore_mem>>
      %dma_start3A_40 = arith.constant 0 : i32
      %dma_start3A_41 = tpu.memref_slice %arg6[%mul3A_4, %dma_start3A_40] : memref<10112x128xf32, #tpu.memory_space<vmem_shared>> -> memref<632x128xf32, #tpu.memory_space<vmem_shared>>
      tpu.enqueue_dma source(%arg3 : memref<632x128xf32, #tpu.memory_space<hbm>>) target(%dma_start3A_41 : memref<632x128xf32, #tpu.memory_space<vmem_shared>>) target_semaphore(%run_scoped3A : memref<!tpu.dma_semaphore, #tpu.memory_space<semaphore_mem>>)
      %dma_wait3A_42 = arith.constant 0 : i32
      %dma_wait3A_43 = tpu.memref_slice %arg6[%mul3A_4, %dma_wait3A_42] : memref<10112x128xf32, #tpu.memory_space<vmem_shared>> -> memref<632x128xf32, #tpu.memory_space<vmem_shared>>
      tpu.wait_dma2 semaphore(%run_scoped3A : memref<!tpu.dma_semaphore, #tpu.memory_space<semaphore_mem>>) src(%arg3 : memref<632x128xf32, #tpu.memory_space<hbm>>) dst(%dma_wait3A_43 : memref<632x128xf32, #tpu.memory_space<vmem_shared>>)
      tpu.yield
    }) : () -> ()
    "tpu.region"() ({
      %run_scoped3A = tpu.sem_alloc : memref<!tpu.dma_semaphore, #tpu.memory_space<semaphore_mem>>
      tpu.enqueue_dma source(%arg4 : memref<128x128xf32, #tpu.memory_space<hbm>>) target(%arg9 : memref<128x128xf32, #tpu.memory_space<vmem>>) target_semaphore(%run_scoped3A : memref<!tpu.dma_semaphore, #tpu.memory_space<semaphore_mem>>)
      tpu.wait_dma2 semaphore(%run_scoped3A : memref<!tpu.dma_semaphore, #tpu.memory_space<semaphore_mem>>) src(%arg4 : memref<128x128xf32, #tpu.memory_space<hbm>>) dst(%arg9 : memref<128x128xf32, #tpu.memory_space<vmem>>)
      tpu.yield
    }) : () -> ()
    %barrier3A = arith.constant 0 : index
    tpu.barrier barrier_id(%barrier3A)
    %add3A_5 = arith.constant 0 : i32
    %add3A_6 = arith.addi %mul3A_2, %add3A_5 : i32
    "tpu.region"() ({
      %run_scoped3A = tpu.sem_alloc : memref<!tpu.dma_semaphore, #tpu.memory_space<semaphore_mem>>
      %dma_start3A_40 = tpu.memref_slice %arg2[%add3A_6] : memref<323584xi32, #tpu.memory_space<hbm>> -> memref<128xi32, #tpu.memory_space<hbm>>
      %dma_start3A_41 = tpu.memref_slice %arg2[%add3A_6] : memref<323584xi32, #tpu.memory_space<hbm>> -> memref<128xi32, #tpu.memory_space<hbm>>
      tpu.enqueue_dma source(%dma_start3A_41 : memref<128xi32, #tpu.memory_space<hbm>>) target(%arg7 : memref<128xi32, #tpu.memory_space<vmem>>) target_semaphore(%run_scoped3A : memref<!tpu.dma_semaphore, #tpu.memory_space<semaphore_mem>>)
      %dma_wait3A_42 = tpu.memref_slice %arg2[%add3A_6] : memref<323584xi32, #tpu.memory_space<hbm>> -> memref<128xi32, #tpu.memory_space<hbm>>
      %dma_wait3A_43 = tpu.memref_slice %arg2[%add3A_6] : memref<323584xi32, #tpu.memory_space<hbm>> -> memref<128xi32, #tpu.memory_space<hbm>>
      tpu.wait_dma2 semaphore(%run_scoped3A : memref<!tpu.dma_semaphore, #tpu.memory_space<semaphore_mem>>) src(%dma_wait3A_43 : memref<128xi32, #tpu.memory_space<hbm>>) dst(%arg7 : memref<128xi32, #tpu.memory_space<vmem>>)
      tpu.yield
    }) : () -> ()
    %dma_start3A = arith.constant 0 : i32
    %dma_start3A_7 = arith.constant 0 : i32
    %dma_start3A_8 = tpu.memref_slice %arg6[%dma_start3A, %dma_start3A_7] : memref<10112x128xf32, #tpu.memory_space<vmem_shared>> -> memref<10112x128xf32, #tpu.memory_space<vmem_shared>>
    tpu.enqueue_indirect_dma source(%arg9 : memref<128x128xf32, #tpu.memory_space<vmem>>) target(%dma_start3A_8 : memref<10112x128xf32, #tpu.memory_space<vmem_shared>>) offsets(%arg7 : memref<128xi32, #tpu.memory_space<vmem>>) semaphore(%arg10 : memref<!tpu.dma_semaphore, #tpu.memory_space<semaphore_mem>>) {add = true}
    %add3A_9 = arith.constant 128 : i32
    %add3A_10 = arith.addi %mul3A_2, %add3A_9 : i32
    "tpu.region"() ({
      %run_scoped3A = tpu.sem_alloc : memref<!tpu.dma_semaphore, #tpu.memory_space<semaphore_mem>>
      %dma_start3A_40 = tpu.memref_slice %arg2[%add3A_10] : memref<323584xi32, #tpu.memory_space<hbm>> -> memref<128xi32, #tpu.memory_space<hbm>>
      %dma_start3A_41 = tpu.memref_slice %arg2[%add3A_10] : memref<323584xi32, #tpu.memory_space<hbm>> -> memref<128xi32, #tpu.memory_space<hbm>>
      tpu.enqueue_dma source(%dma_start3A_41 : memref<128xi32, #tpu.memory_space<hbm>>) target(%arg8 : memref<128xi32, #tpu.memory_space<vmem>>) target_semaphore(%run_scoped3A : memref<!tpu.dma_semaphore, #tpu.memory_space<semaphore_mem>>)
      %dma_wait3A_42 = tpu.memref_slice %arg2[%add3A_10] : memref<323584xi32, #tpu.memory_space<hbm>> -> memref<128xi32, #tpu.memory_space<hbm>>
      %dma_wait3A_43 = tpu.memref_slice %arg2[%add3A_10] : memref<323584xi32, #tpu.memory_space<hbm>> -> memref<128xi32, #tpu.memory_space<hbm>>
      tpu.wait_dma2 semaphore(%run_scoped3A : memref<!tpu.dma_semaphore, #tpu.memory_space<semaphore_mem>>) src(%dma_wait3A_43 : memref<128xi32, #tpu.memory_space<hbm>>) dst(%arg8 : memref<128xi32, #tpu.memory_space<vmem>>)
      tpu.yield
    }) : () -> ()
    %dma_start3A_11 = arith.constant 0 : i32
    %dma_start3A_12 = arith.constant 0 : i32
    %dma_start3A_13 = tpu.memref_slice %arg6[%dma_start3A_11, %dma_start3A_12] : memref<10112x128xf32, #tpu.memory_space<vmem_shared>> -> memref<10112x128xf32, #tpu.memory_space<vmem_shared>>
    tpu.enqueue_indirect_dma source(%arg9 : memref<128x128xf32, #tpu.memory_space<vmem>>) target(%dma_start3A_13 : memref<10112x128xf32, #tpu.memory_space<vmem_shared>>) offsets(%arg8 : memref<128xi32, #tpu.memory_space<vmem>>) semaphore(%arg11 : memref<!tpu.dma_semaphore, #tpu.memory_space<semaphore_mem>>) {add = true}
    %scan3A = arith.constant 0 : i32
    %scan3A_14 = arith.constant 1 : i32
    %scan3A_15 = arith.constant 38 : i32
    %scan3A_16 = arith.addi %scan3A_14, %scan3A_15 : i32
    %scan3A_17 = arith.constant 1 : i32
    scf.for %scan3A_40 = %scan3A_14 to %scan3A_16 step %scan3A_17  : i32 {
      %dma_wait3A_41 = arith.constant 0 : i32
      %dma_wait3A_42 = arith.constant 0 : i32
      %dma_wait3A_43 = tpu.memref_slice %arg6[%dma_wait3A_41, %dma_wait3A_42] : memref<10112x128xf32, #tpu.memory_space<vmem_shared>> -> memref<10112x128xf32, #tpu.memory_space<vmem_shared>>
      tpu.wait_indirect_dma semaphore(%arg10 : memref<!tpu.dma_semaphore, #tpu.memory_space<semaphore_mem>>) src(%arg9 : memref<128x128xf32, #tpu.memory_space<vmem>>) dst(%dma_wait3A_43 : memref<10112x128xf32, #tpu.memory_space<vmem_shared>>)
      %mul3A_44 = arith.constant 2 : i32
      %mul3A_45 = arith.muli %scan3A_40, %mul3A_44 : i32
      %add3A_46 = arith.constant 0 : i32
      %add3A_47 = arith.addi %mul3A_45, %add3A_46 : i32
      %mul3A_48 = arith.constant 128 : i32
      %mul3A_49 = arith.muli %add3A_47, %mul3A_48 : i32
      %add3A_50 = arith.addi %mul3A_2, %mul3A_49 : i32
      "tpu.region"() ({
        %run_scoped3A = tpu.sem_alloc : memref<!tpu.dma_semaphore, #tpu.memory_space<semaphore_mem>>
        %dma_start3A_67 = tpu.memref_slice %arg2[%add3A_50] : memref<323584xi32, #tpu.memory_space<hbm>> -> memref<128xi32, #tpu.memory_space<hbm>>
        %dma_start3A_68 = tpu.memref_slice %arg2[%add3A_50] : memref<323584xi32, #tpu.memory_space<hbm>> -> memref<128xi32, #tpu.memory_space<hbm>>
        tpu.enqueue_dma source(%dma_start3A_68 : memref<128xi32, #tpu.memory_space<hbm>>) target(%arg7 : memref<128xi32, #tpu.memory_space<vmem>>) target_semaphore(%run_scoped3A : memref<!tpu.dma_semaphore, #tpu.memory_space<semaphore_mem>>)
        %dma_wait3A_69 = tpu.memref_slice %arg2[%add3A_50] : memref<323584xi32, #tpu.memory_space<hbm>> -> memref<128xi32, #tpu.memory_space<hbm>>
        %dma_wait3A_70 = tpu.memref_slice %arg2[%add3A_50] : memref<323584xi32, #tpu.memory_space<hbm>> -> memref<128xi32, #tpu.memory_space<hbm>>
        tpu.wait_dma2 semaphore(%run_scoped3A : memref<!tpu.dma_semaphore, #tpu.memory_space<semaphore_mem>>) src(%dma_wait3A_70 : memref<128xi32, #tpu.memory_space<hbm>>) dst(%arg7 : memref<128xi32, #tpu.memory_space<vmem>>)
        tpu.yield
      }) : () -> ()
      %dma_start3A_51 = arith.constant 0 : i32
      %dma_start3A_52 = arith.constant 0 : i32
      %dma_start3A_53 = tpu.memref_slice %arg6[%dma_start3A_51, %dma_start3A_52] : memref<10112x128xf32, #tpu.memory_space<vmem_shared>> -> memref<10112x128xf32, #tpu.memory_space<vmem_shared>>
      tpu.enqueue_indirect_dma source(%arg9 : memref<128x128xf32, #tpu.memory_space<vmem>>) target(%dma_start3A_53 : memref<10112x128xf32, #tpu.memory_space<vmem_shared>>) offsets(%arg7 : memref<128xi32, #tpu.memory_space<vmem>>) semaphore(%arg10 : memref<!tpu.dma_semaphore, #tpu.memory_space<semaphore_mem>>) {add = true}
      %dma_wait3A_54 = arith.constant 0 : i32
      %dma_wait3A_55 = arith.constant 0 : i32
      %dma_wait3A_56 = tpu.memref_slice %arg6[%dma_wait3A_54, %dma_wait3A_55] : memref<10112x128xf32, #tpu.memory_space<vmem_shared>> -> memref<10112x128xf32, #tpu.memory_space<vmem_shared>>
      tpu.wait_indirect_dma semaphore(%arg11 : memref<!tpu.dma_semaphore, #tpu.memory_space<semaphore_mem>>) src(%arg9 : memref<128x128xf32, #tpu.memory_space<vmem>>) dst(%dma_wait3A_56 : memref<10112x128xf32, #tpu.memory_space<vmem_shared>>)
      %mul3A_57 = arith.constant 2 : i32
      %mul3A_58 = arith.muli %scan3A_40, %mul3A_57 : i32
      %add3A_59 = arith.constant 1 : i32
      %add3A_60 = arith.addi %mul3A_58, %add3A_59 : i32
      %mul3A_61 = arith.constant 128 : i32
      %mul3A_62 = arith.muli %add3A_60, %mul3A_61 : i32
      %add3A_63 = arith.addi %mul3A_2, %mul3A_62 : i32
      "tpu.region"() ({
        %run_scoped3A = tpu.sem_alloc : memref<!tpu.dma_semaphore, #tpu.memory_space<semaphore_mem>>
        %dma_start3A_67 = tpu.memref_slice %arg2[%add3A_63] : memref<323584xi32, #tpu.memory_space<hbm>> -> memref<128xi32, #tpu.memory_space<hbm>>
        %dma_start3A_68 = tpu.memref_slice %arg2[%add3A_63] : memref<323584xi32, #tpu.memory_space<hbm>> -> memref<128xi32, #tpu.memory_space<hbm>>
        tpu.enqueue_dma source(%dma_start3A_68 : memref<128xi32, #tpu.memory_space<hbm>>) target(%arg8 : memref<128xi32, #tpu.memory_space<vmem>>) target_semaphore(%run_scoped3A : memref<!tpu.dma_semaphore, #tpu.memory_space<semaphore_mem>>)
        %dma_wait3A_69 = tpu.memref_slice %arg2[%add3A_63] : memref<323584xi32, #tpu.memory_space<hbm>> -> memref<128xi32, #tpu.memory_space<hbm>>
        %dma_wait3A_70 = tpu.memref_slice %arg2[%add3A_63] : memref<323584xi32, #tpu.memory_space<hbm>> -> memref<128xi32, #tpu.memory_space<hbm>>
        tpu.wait_dma2 semaphore(%run_scoped3A : memref<!tpu.dma_semaphore, #tpu.memory_space<semaphore_mem>>) src(%dma_wait3A_70 : memref<128xi32, #tpu.memory_space<hbm>>) dst(%arg8 : memref<128xi32, #tpu.memory_space<vmem>>)
        tpu.yield
      }) : () -> ()
      %dma_start3A_64 = arith.constant 0 : i32
      %dma_start3A_65 = arith.constant 0 : i32
      %dma_start3A_66 = tpu.memref_slice %arg6[%dma_start3A_64, %dma_start3A_65] : memref<10112x128xf32, #tpu.memory_space<vmem_shared>> -> memref<10112x128xf32, #tpu.memory_space<vmem_shared>>
      tpu.enqueue_indirect_dma source(%arg9 : memref<128x128xf32, #tpu.memory_space<vmem>>) target(%dma_start3A_66 : memref<10112x128xf32, #tpu.memory_space<vmem_shared>>) offsets(%arg8 : memref<128xi32, #tpu.memory_space<vmem>>) semaphore(%arg11 : memref<!tpu.dma_semaphore, #tpu.memory_space<semaphore_mem>>) {add = true}
    }
    %scan3A_18 = arith.constant 38 : i32
    %dma_wait3A = arith.constant 0 : i32
    %dma_wait3A_19 = arith.constant 0 : i32
    %dma_wait3A_20 = tpu.memref_slice %arg6[%dma_wait3A, %dma_wait3A_19] : memref<10112x128xf32, #tpu.memory_space<vmem_shared>> -> memref<10112x128xf32, #tpu.memory_space<vmem_shared>>
    tpu.wait_indirect_dma semaphore(%arg10 : memref<!tpu.dma_semaphore, #tpu.memory_space<semaphore_mem>>) src(%arg9 : memref<128x128xf32, #tpu.memory_space<vmem>>) dst(%dma_wait3A_20 : memref<10112x128xf32, #tpu.memory_space<vmem_shared>>)
    %add3A_21 = arith.constant 9984 : i32
    %add3A_22 = arith.addi %mul3A_2, %add3A_21 : i32
    "tpu.region"() ({
      %run_scoped3A = tpu.sem_alloc : memref<!tpu.dma_semaphore, #tpu.memory_space<semaphore_mem>>
      %dma_start3A_40 = tpu.memref_slice %arg2[%add3A_22] : memref<323584xi32, #tpu.memory_space<hbm>> -> memref<128xi32, #tpu.memory_space<hbm>>
      %dma_start3A_41 = tpu.memref_slice %arg2[%add3A_22] : memref<323584xi32, #tpu.memory_space<hbm>> -> memref<128xi32, #tpu.memory_space<hbm>>
      tpu.enqueue_dma source(%dma_start3A_41 : memref<128xi32, #tpu.memory_space<hbm>>) target(%arg7 : memref<128xi32, #tpu.memory_space<vmem>>) target_semaphore(%run_scoped3A : memref<!tpu.dma_semaphore, #tpu.memory_space<semaphore_mem>>)
      %dma_wait3A_42 = tpu.memref_slice %arg2[%add3A_22] : memref<323584xi32, #tpu.memory_space<hbm>> -> memref<128xi32, #tpu.memory_space<hbm>>
      %dma_wait3A_43 = tpu.memref_slice %arg2[%add3A_22] : memref<323584xi32, #tpu.memory_space<hbm>> -> memref<128xi32, #tpu.memory_space<hbm>>
      tpu.wait_dma2 semaphore(%run_scoped3A : memref<!tpu.dma_semaphore, #tpu.memory_space<semaphore_mem>>) src(%dma_wait3A_43 : memref<128xi32, #tpu.memory_space<hbm>>) dst(%arg7 : memref<128xi32, #tpu.memory_space<vmem>>)
      tpu.yield
    }) : () -> ()
    %dma_start3A_23 = arith.constant 0 : i32
    %dma_start3A_24 = arith.constant 0 : i32
    %dma_start3A_25 = tpu.memref_slice %arg6[%dma_start3A_23, %dma_start3A_24] : memref<10112x128xf32, #tpu.memory_space<vmem_shared>> -> memref<10112x128xf32, #tpu.memory_space<vmem_shared>>
    tpu.enqueue_indirect_dma source(%arg9 : memref<128x128xf32, #tpu.memory_space<vmem>>) target(%dma_start3A_25 : memref<10112x128xf32, #tpu.memory_space<vmem_shared>>) offsets(%arg7 : memref<128xi32, #tpu.memory_space<vmem>>) semaphore(%arg10 : memref<!tpu.dma_semaphore, #tpu.memory_space<semaphore_mem>>) {add = true}
    %dma_wait3A_26 = arith.constant 0 : i32
    %dma_wait3A_27 = arith.constant 0 : i32
    %dma_wait3A_28 = tpu.memref_slice %arg6[%dma_wait3A_26, %dma_wait3A_27] : memref<10112x128xf32, #tpu.memory_space<vmem_shared>> -> memref<10112x128xf32, #tpu.memory_space<vmem_shared>>
    tpu.wait_indirect_dma semaphore(%arg10 : memref<!tpu.dma_semaphore, #tpu.memory_space<semaphore_mem>>) src(%arg9 : memref<128x128xf32, #tpu.memory_space<vmem>>) dst(%dma_wait3A_28 : memref<10112x128xf32, #tpu.memory_space<vmem_shared>>)
    %dma_wait3A_29 = arith.constant 0 : i32
    %dma_wait3A_30 = arith.constant 0 : i32
    %dma_wait3A_31 = tpu.memref_slice %arg6[%dma_wait3A_29, %dma_wait3A_30] : memref<10112x128xf32, #tpu.memory_space<vmem_shared>> -> memref<10112x128xf32, #tpu.memory_space<vmem_shared>>
    tpu.wait_indirect_dma semaphore(%arg11 : memref<!tpu.dma_semaphore, #tpu.memory_space<semaphore_mem>>) src(%arg9 : memref<128x128xf32, #tpu.memory_space<vmem>>) dst(%dma_wait3A_31 : memref<10112x128xf32, #tpu.memory_space<vmem_shared>>)
    %barrier3A_32 = arith.constant 0 : index
    tpu.barrier barrier_id(%barrier3A_32)
    %mul3A_33 = arith.constant 632 : i32
    %mul3A_34 = arith.muli %arg1, %mul3A_33 : i32
    %mul3A_35 = arith.constant 10112 : i32
    %mul3A_36 = arith.muli %arg0, %mul3A_35 : i32
    %mul3A_37 = arith.constant 632 : i32
    %mul3A_38 = arith.muli %arg1, %mul3A_37 : i32
    %add3A_39 = arith.addi %mul3A_36, %mul3A_38 : i32
    "tpu.region"() ({
      %run_scoped3A = tpu.sem_alloc : memref<!tpu.dma_semaphore, #tpu.memory_space<semaphore_mem>>
      %dma_start3A_40 = arith.constant 0 : i32
      %dma_start3A_41 = tpu.memref_slice %arg5[%add3A_39, %dma_start3A_40] : memref<20224x128xf32, #tpu.memory_space<hbm>> -> memref<632x128xf32, #tpu.memory_space<hbm>>
      %dma_start3A_42 = arith.constant 0 : i32
      %dma_start3A_43 = tpu.memref_slice %arg6[%mul3A_34, %dma_start3A_42] : memref<10112x128xf32, #tpu.memory_space<vmem_shared>> -> memref<632x128xf32, #tpu.memory_space<vmem_shared>>
      tpu.enqueue_dma source(%dma_start3A_43 : memref<632x128xf32, #tpu.memory_space<vmem_shared>>) target(%dma_start3A_41 : memref<632x128xf32, #tpu.memory_space<hbm>>) target_semaphore(%run_scoped3A : memref<!tpu.dma_semaphore, #tpu.memory_space<semaphore_mem>>)
      %dma_wait3A_44 = arith.constant 0 : i32
      %dma_wait3A_45 = tpu.memref_slice %arg5[%add3A_39, %dma_wait3A_44] : memref<20224x128xf32, #tpu.memory_space<hbm>> -> memref<632x128xf32, #tpu.memory_space<hbm>>
      %dma_wait3A_46 = arith.constant 0 : i32
      %dma_wait3A_47 = tpu.memref_slice %arg6[%mul3A_34, %dma_wait3A_46] : memref<10112x128xf32, #tpu.memory_space<vmem_shared>> -> memref<632x128xf32, #tpu.memory_space<vmem_shared>>
      tpu.wait_dma2 semaphore(%run_scoped3A : memref<!tpu.dma_semaphore, #tpu.memory_space<semaphore_mem>>) src(%dma_wait3A_47 : memref<632x128xf32, #tpu.memory_space<vmem_shared>>) dst(%dma_wait3A_45 : memref<632x128xf32, #tpu.memory_space<hbm>>)
      tpu.yield
    }) : () -> ()
    return
  }
}

#map = affine_map<(d0, d1) -> (0, 0)>
#map1 = affine_map<(d0, d1) -> (0)>
module attributes {stable_mosaic.version = 14 : i64} {
  func.func @_sc_segsum(%arg0: i32, %arg1: i32, %arg2: memref<10000x128xf32, #tpu.memory_space<hbm>>, %arg3: memref<323584xi32, #tpu.memory_space<hbm>>, %arg4: memref<323584xi32, #tpu.memory_space<hbm>>, %arg5: memref<632x128xf32, #tpu.memory_space<hbm>>, %arg6: memref<20224x128xf32, #tpu.memory_space<hbm>>, %arg7: memref<10112x128xf32, #tpu.memory_space<vmem_shared>>, %arg8: memref<128xi32, #tpu.memory_space<vmem>>, %arg9: memref<128xi32, #tpu.memory_space<vmem>>, %arg10: memref<128xi32, #tpu.memory_space<vmem>>, %arg11: memref<128xi32, #tpu.memory_space<vmem>>, %arg12: memref<128x128xf32, #tpu.memory_space<vmem>>, %arg13: memref<128x128xf32, #tpu.memory_space<vmem>>, %arg14: memref<!tpu.dma_semaphore, #tpu.memory_space<semaphore_mem>>, %arg15: memref<!tpu.dma_semaphore, #tpu.memory_space<semaphore_mem>>, %arg16: memref<!tpu.dma_semaphore, #tpu.memory_space<semaphore_mem>>) attributes {dimension_semantics = [#tpu.dimension_semantics<core_parallel>, #tpu.dimension_semantics<subcore_parallel>], iteration_bounds = array<i64: 2, 16>, scalar_prefetch = 0 : i64, scratch_operands = 10 : i64, tpu.core_type = #tpu.core_type<sc_vector_subcore>, window_params = [{transform_indices = #map}, {transform_indices = #map1}, {transform_indices = #map1}, {transform_indices = #map}, {transform_indices = #map}]} {
    %mul3A = arith.constant 16 : i32
    %mul3A_0 = arith.muli %arg0, %mul3A : i32
    %add3A = arith.addi %mul3A_0, %arg1 : i32
    %mul3A_1 = arith.constant 10112 : i32
    %mul3A_2 = arith.muli %add3A, %mul3A_1 : i32
    %mul3A_3 = arith.constant 632 : i32
    %mul3A_4 = arith.muli %arg1, %mul3A_3 : i32
    "tpu.region"() ({
      %run_scoped3A = tpu.sem_alloc : memref<!tpu.dma_semaphore, #tpu.memory_space<semaphore_mem>>
      %dma_start3A_58 = arith.constant 0 : i32
      %dma_start3A_59 = tpu.memref_slice %arg7[%mul3A_4, %dma_start3A_58] : memref<10112x128xf32, #tpu.memory_space<vmem_shared>> -> memref<632x128xf32, #tpu.memory_space<vmem_shared>>
      tpu.enqueue_dma source(%arg5 : memref<632x128xf32, #tpu.memory_space<hbm>>) target(%dma_start3A_59 : memref<632x128xf32, #tpu.memory_space<vmem_shared>>) target_semaphore(%run_scoped3A : memref<!tpu.dma_semaphore, #tpu.memory_space<semaphore_mem>>)
      %dma_wait3A_60 = arith.constant 0 : i32
      %dma_wait3A_61 = tpu.memref_slice %arg7[%mul3A_4, %dma_wait3A_60] : memref<10112x128xf32, #tpu.memory_space<vmem_shared>> -> memref<632x128xf32, #tpu.memory_space<vmem_shared>>
      tpu.wait_dma2 semaphore(%run_scoped3A : memref<!tpu.dma_semaphore, #tpu.memory_space<semaphore_mem>>) src(%arg5 : memref<632x128xf32, #tpu.memory_space<hbm>>) dst(%dma_wait3A_61 : memref<632x128xf32, #tpu.memory_space<vmem_shared>>)
      tpu.yield
    }) : () -> ()
    %barrier3A = arith.constant 0 : index
    tpu.barrier barrier_id(%barrier3A)
    %add3A_5 = arith.constant 0 : i32
    %add3A_6 = arith.addi %mul3A_2, %add3A_5 : i32
    "tpu.region"() ({
      %run_scoped3A = tpu.sem_alloc : memref<!tpu.dma_semaphore, #tpu.memory_space<semaphore_mem>>
      %dma_start3A_58 = tpu.memref_slice %arg3[%add3A_6] : memref<323584xi32, #tpu.memory_space<hbm>> -> memref<128xi32, #tpu.memory_space<hbm>>
      %dma_start3A_59 = tpu.memref_slice %arg3[%add3A_6] : memref<323584xi32, #tpu.memory_space<hbm>> -> memref<128xi32, #tpu.memory_space<hbm>>
      tpu.enqueue_dma source(%dma_start3A_59 : memref<128xi32, #tpu.memory_space<hbm>>) target(%arg8 : memref<128xi32, #tpu.memory_space<vmem>>) target_semaphore(%run_scoped3A : memref<!tpu.dma_semaphore, #tpu.memory_space<semaphore_mem>>)
      %dma_wait3A_60 = tpu.memref_slice %arg3[%add3A_6] : memref<323584xi32, #tpu.memory_space<hbm>> -> memref<128xi32, #tpu.memory_space<hbm>>
      %dma_wait3A_61 = tpu.memref_slice %arg3[%add3A_6] : memref<323584xi32, #tpu.memory_space<hbm>> -> memref<128xi32, #tpu.memory_space<hbm>>
      tpu.wait_dma2 semaphore(%run_scoped3A : memref<!tpu.dma_semaphore, #tpu.memory_space<semaphore_mem>>) src(%dma_wait3A_61 : memref<128xi32, #tpu.memory_space<hbm>>) dst(%arg8 : memref<128xi32, #tpu.memory_space<vmem>>)
      tpu.yield
    }) : () -> ()
    "tpu.region"() ({
      %run_scoped3A = tpu.sem_alloc : memref<!tpu.dma_semaphore, #tpu.memory_space<semaphore_mem>>
      %dma_start3A_58 = tpu.memref_slice %arg4[%add3A_6] : memref<323584xi32, #tpu.memory_space<hbm>> -> memref<128xi32, #tpu.memory_space<hbm>>
      %dma_start3A_59 = tpu.memref_slice %arg4[%add3A_6] : memref<323584xi32, #tpu.memory_space<hbm>> -> memref<128xi32, #tpu.memory_space<hbm>>
      tpu.enqueue_dma source(%dma_start3A_59 : memref<128xi32, #tpu.memory_space<hbm>>) target(%arg10 : memref<128xi32, #tpu.memory_space<vmem>>) target_semaphore(%run_scoped3A : memref<!tpu.dma_semaphore, #tpu.memory_space<semaphore_mem>>)
      %dma_wait3A_60 = tpu.memref_slice %arg4[%add3A_6] : memref<323584xi32, #tpu.memory_space<hbm>> -> memref<128xi32, #tpu.memory_space<hbm>>
      %dma_wait3A_61 = tpu.memref_slice %arg4[%add3A_6] : memref<323584xi32, #tpu.memory_space<hbm>> -> memref<128xi32, #tpu.memory_space<hbm>>
      tpu.wait_dma2 semaphore(%run_scoped3A : memref<!tpu.dma_semaphore, #tpu.memory_space<semaphore_mem>>) src(%dma_wait3A_61 : memref<128xi32, #tpu.memory_space<hbm>>) dst(%arg10 : memref<128xi32, #tpu.memory_space<vmem>>)
      tpu.yield
    }) : () -> ()
    %dma_start3A = arith.constant 0 : i32
    %dma_start3A_7 = arith.constant 0 : i32
    %dma_start3A_8 = tpu.memref_slice %arg2[%dma_start3A, %dma_start3A_7] : memref<10000x128xf32, #tpu.memory_space<hbm>> -> memref<10000x128xf32, #tpu.memory_space<hbm>>
    tpu.enqueue_indirect_dma source(%dma_start3A_8 : memref<10000x128xf32, #tpu.memory_space<hbm>>) target(%arg12 : memref<128x128xf32, #tpu.memory_space<vmem>>) offsets(%arg8 : memref<128xi32, #tpu.memory_space<vmem>>) semaphore(%arg14 : memref<!tpu.dma_semaphore, #tpu.memory_space<semaphore_mem>>)
    %dma_wait3A = arith.constant 0 : i32
    %dma_wait3A_9 = arith.constant 0 : i32
    %dma_wait3A_10 = tpu.memref_slice %arg2[%dma_wait3A, %dma_wait3A_9] : memref<10000x128xf32, #tpu.memory_space<hbm>> -> memref<10000x128xf32, #tpu.memory_space<hbm>>
    tpu.wait_indirect_dma semaphore(%arg14 : memref<!tpu.dma_semaphore, #tpu.memory_space<semaphore_mem>>) src(%dma_wait3A_10 : memref<10000x128xf32, #tpu.memory_space<hbm>>) dst(%arg12 : memref<128x128xf32, #tpu.memory_space<vmem>>)
    %dma_start3A_11 = arith.constant 0 : i32
    %dma_start3A_12 = arith.constant 0 : i32
    %dma_start3A_13 = tpu.memref_slice %arg7[%dma_start3A_11, %dma_start3A_12] : memref<10112x128xf32, #tpu.memory_space<vmem_shared>> -> memref<10112x128xf32, #tpu.memory_space<vmem_shared>>
    tpu.enqueue_indirect_dma source(%arg12 : memref<128x128xf32, #tpu.memory_space<vmem>>) target(%dma_start3A_13 : memref<10112x128xf32, #tpu.memory_space<vmem_shared>>) offsets(%arg10 : memref<128xi32, #tpu.memory_space<vmem>>) semaphore(%arg15 : memref<!tpu.dma_semaphore, #tpu.memory_space<semaphore_mem>>) {add = true}
    %add3A_14 = arith.constant 128 : i32
    %add3A_15 = arith.addi %mul3A_2, %add3A_14 : i32
    "tpu.region"() ({
      %run_scoped3A = tpu.sem_alloc : memref<!tpu.dma_semaphore, #tpu.memory_space<semaphore_mem>>
      %dma_start3A_58 = tpu.memref_slice %arg3[%add3A_15] : memref<323584xi32, #tpu.memory_space<hbm>> -> memref<128xi32, #tpu.memory_space<hbm>>
      %dma_start3A_59 = tpu.memref_slice %arg3[%add3A_15] : memref<323584xi32, #tpu.memory_space<hbm>> -> memref<128xi32, #tpu.memory_space<hbm>>
      tpu.enqueue_dma source(%dma_start3A_59 : memref<128xi32, #tpu.memory_space<hbm>>) target(%arg9 : memref<128xi32, #tpu.memory_space<vmem>>) target_semaphore(%run_scoped3A : memref<!tpu.dma_semaphore, #tpu.memory_space<semaphore_mem>>)
      %dma_wait3A_60 = tpu.memref_slice %arg3[%add3A_15] : memref<323584xi32, #tpu.memory_space<hbm>> -> memref<128xi32, #tpu.memory_space<hbm>>
      %dma_wait3A_61 = tpu.memref_slice %arg3[%add3A_15] : memref<323584xi32, #tpu.memory_space<hbm>> -> memref<128xi32, #tpu.memory_space<hbm>>
      tpu.wait_dma2 semaphore(%run_scoped3A : memref<!tpu.dma_semaphore, #tpu.memory_space<semaphore_mem>>) src(%dma_wait3A_61 : memref<128xi32, #tpu.memory_space<hbm>>) dst(%arg9 : memref<128xi32, #tpu.memory_space<vmem>>)
      tpu.yield
    }) : () -> ()
    "tpu.region"() ({
      %run_scoped3A = tpu.sem_alloc : memref<!tpu.dma_semaphore, #tpu.memory_space<semaphore_mem>>
      %dma_start3A_58 = tpu.memref_slice %arg4[%add3A_15] : memref<323584xi32, #tpu.memory_space<hbm>> -> memref<128xi32, #tpu.memory_space<hbm>>
      %dma_start3A_59 = tpu.memref_slice %arg4[%add3A_15] : memref<323584xi32, #tpu.memory_space<hbm>> -> memref<128xi32, #tpu.memory_space<hbm>>
      tpu.enqueue_dma source(%dma_start3A_59 : memref<128xi32, #tpu.memory_space<hbm>>) target(%arg11 : memref<128xi32, #tpu.memory_space<vmem>>) target_semaphore(%run_scoped3A : memref<!tpu.dma_semaphore, #tpu.memory_space<semaphore_mem>>)
      %dma_wait3A_60 = tpu.memref_slice %arg4[%add3A_15] : memref<323584xi32, #tpu.memory_space<hbm>> -> memref<128xi32, #tpu.memory_space<hbm>>
      %dma_wait3A_61 = tpu.memref_slice %arg4[%add3A_15] : memref<323584xi32, #tpu.memory_space<hbm>> -> memref<128xi32, #tpu.memory_space<hbm>>
      tpu.wait_dma2 semaphore(%run_scoped3A : memref<!tpu.dma_semaphore, #tpu.memory_space<semaphore_mem>>) src(%dma_wait3A_61 : memref<128xi32, #tpu.memory_space<hbm>>) dst(%arg11 : memref<128xi32, #tpu.memory_space<vmem>>)
      tpu.yield
    }) : () -> ()
    %dma_start3A_16 = arith.constant 0 : i32
    %dma_start3A_17 = arith.constant 0 : i32
    %dma_start3A_18 = tpu.memref_slice %arg2[%dma_start3A_16, %dma_start3A_17] : memref<10000x128xf32, #tpu.memory_space<hbm>> -> memref<10000x128xf32, #tpu.memory_space<hbm>>
    tpu.enqueue_indirect_dma source(%dma_start3A_18 : memref<10000x128xf32, #tpu.memory_space<hbm>>) target(%arg13 : memref<128x128xf32, #tpu.memory_space<vmem>>) offsets(%arg9 : memref<128xi32, #tpu.memory_space<vmem>>) semaphore(%arg14 : memref<!tpu.dma_semaphore, #tpu.memory_space<semaphore_mem>>)
    %dma_wait3A_19 = arith.constant 0 : i32
    %dma_wait3A_20 = arith.constant 0 : i32
    %dma_wait3A_21 = tpu.memref_slice %arg2[%dma_wait3A_19, %dma_wait3A_20] : memref<10000x128xf32, #tpu.memory_space<hbm>> -> memref<10000x128xf32, #tpu.memory_space<hbm>>
    tpu.wait_indirect_dma semaphore(%arg14 : memref<!tpu.dma_semaphore, #tpu.memory_space<semaphore_mem>>) src(%dma_wait3A_21 : memref<10000x128xf32, #tpu.memory_space<hbm>>) dst(%arg13 : memref<128x128xf32, #tpu.memory_space<vmem>>)
    %dma_start3A_22 = arith.constant 0 : i32
    %dma_start3A_23 = arith.constant 0 : i32
    %dma_start3A_24 = tpu.memref_slice %arg7[%dma_start3A_22, %dma_start3A_23] : memref<10112x128xf32, #tpu.memory_space<vmem_shared>> -> memref<10112x128xf32, #tpu.memory_space<vmem_shared>>
    tpu.enqueue_indirect_dma source(%arg13 : memref<128x128xf32, #tpu.memory_space<vmem>>) target(%dma_start3A_24 : memref<10112x128xf32, #tpu.memory_space<vmem_shared>>) offsets(%arg11 : memref<128xi32, #tpu.memory_space<vmem>>) semaphore(%arg16 : memref<!tpu.dma_semaphore, #tpu.memory_space<semaphore_mem>>) {add = true}
    %scan3A = arith.constant 0 : i32
    %scan3A_25 = arith.constant 1 : i32
    %scan3A_26 = arith.constant 38 : i32
    %scan3A_27 = arith.addi %scan3A_25, %scan3A_26 : i32
    %scan3A_28 = arith.constant 1 : i32
    scf.for %scan3A_58 = %scan3A_25 to %scan3A_27 step %scan3A_28  : i32 {
      %dma_wait3A_59 = arith.constant 0 : i32
      %dma_wait3A_60 = arith.constant 0 : i32
      %dma_wait3A_61 = tpu.memref_slice %arg7[%dma_wait3A_59, %dma_wait3A_60] : memref<10112x128xf32, #tpu.memory_space<vmem_shared>> -> memref<10112x128xf32, #tpu.memory_space<vmem_shared>>
      tpu.wait_indirect_dma semaphore(%arg15 : memref<!tpu.dma_semaphore, #tpu.memory_space<semaphore_mem>>) src(%arg12 : memref<128x128xf32, #tpu.memory_space<vmem>>) dst(%dma_wait3A_61 : memref<10112x128xf32, #tpu.memory_space<vmem_shared>>)
      %mul3A_62 = arith.constant 2 : i32
      %mul3A_63 = arith.muli %scan3A_58, %mul3A_62 : i32
      %add3A_64 = arith.constant 0 : i32
      %add3A_65 = arith.addi %mul3A_63, %add3A_64 : i32
      %mul3A_66 = arith.constant 128 : i32
      %mul3A_67 = arith.muli %add3A_65, %mul3A_66 : i32
      %add3A_68 = arith.addi %mul3A_2, %mul3A_67 : i32
      "tpu.region"() ({
        %run_scoped3A = tpu.sem_alloc : memref<!tpu.dma_semaphore, #tpu.memory_space<semaphore_mem>>
        %dma_start3A_97 = tpu.memref_slice %arg3[%add3A_68] : memref<323584xi32, #tpu.memory_space<hbm>> -> memref<128xi32, #tpu.memory_space<hbm>>
        %dma_start3A_98 = tpu.memref_slice %arg3[%add3A_68] : memref<323584xi32, #tpu.memory_space<hbm>> -> memref<128xi32, #tpu.memory_space<hbm>>
        tpu.enqueue_dma source(%dma_start3A_98 : memref<128xi32, #tpu.memory_space<hbm>>) target(%arg8 : memref<128xi32, #tpu.memory_space<vmem>>) target_semaphore(%run_scoped3A : memref<!tpu.dma_semaphore, #tpu.memory_space<semaphore_mem>>)
        %dma_wait3A_99 = tpu.memref_slice %arg3[%add3A_68] : memref<323584xi32, #tpu.memory_space<hbm>> -> memref<128xi32, #tpu.memory_space<hbm>>
        %dma_wait3A_100 = tpu.memref_slice %arg3[%add3A_68] : memref<323584xi32, #tpu.memory_space<hbm>> -> memref<128xi32, #tpu.memory_space<hbm>>
        tpu.wait_dma2 semaphore(%run_scoped3A : memref<!tpu.dma_semaphore, #tpu.memory_space<semaphore_mem>>) src(%dma_wait3A_100 : memref<128xi32, #tpu.memory_space<hbm>>) dst(%arg8 : memref<128xi32, #tpu.memory_space<vmem>>)
        tpu.yield
      }) : () -> ()
      "tpu.region"() ({
        %run_scoped3A = tpu.sem_alloc : memref<!tpu.dma_semaphore, #tpu.memory_space<semaphore_mem>>
        %dma_start3A_97 = tpu.memref_slice %arg4[%add3A_68] : memref<323584xi32, #tpu.memory_space<hbm>> -> memref<128xi32, #tpu.memory_space<hbm>>
        %dma_start3A_98 = tpu.memref_slice %arg4[%add3A_68] : memref<323584xi32, #tpu.memory_space<hbm>> -> memref<128xi32, #tpu.memory_space<hbm>>
        tpu.enqueue_dma source(%dma_start3A_98 : memref<128xi32, #tpu.memory_space<hbm>>) target(%arg10 : memref<128xi32, #tpu.memory_space<vmem>>) target_semaphore(%run_scoped3A : memref<!tpu.dma_semaphore, #tpu.memory_space<semaphore_mem>>)
        %dma_wait3A_99 = tpu.memref_slice %arg4[%add3A_68] : memref<323584xi32, #tpu.memory_space<hbm>> -> memref<128xi32, #tpu.memory_space<hbm>>
        %dma_wait3A_100 = tpu.memref_slice %arg4[%add3A_68] : memref<323584xi32, #tpu.memory_space<hbm>> -> memref<128xi32, #tpu.memory_space<hbm>>
        tpu.wait_dma2 semaphore(%run_scoped3A : memref<!tpu.dma_semaphore, #tpu.memory_space<semaphore_mem>>) src(%dma_wait3A_100 : memref<128xi32, #tpu.memory_space<hbm>>) dst(%arg10 : memref<128xi32, #tpu.memory_space<vmem>>)
        tpu.yield
      }) : () -> ()
      %dma_start3A_69 = arith.constant 0 : i32
      %dma_start3A_70 = arith.constant 0 : i32
      %dma_start3A_71 = tpu.memref_slice %arg2[%dma_start3A_69, %dma_start3A_70] : memref<10000x128xf32, #tpu.memory_space<hbm>> -> memref<10000x128xf32, #tpu.memory_space<hbm>>
      tpu.enqueue_indirect_dma source(%dma_start3A_71 : memref<10000x128xf32, #tpu.memory_space<hbm>>) target(%arg12 : memref<128x128xf32, #tpu.memory_space<vmem>>) offsets(%arg8 : memref<128xi32, #tpu.memory_space<vmem>>) semaphore(%arg14 : memref<!tpu.dma_semaphore, #tpu.memory_space<semaphore_mem>>)
      %dma_wait3A_72 = arith.constant 0 : i32
      %dma_wait3A_73 = arith.constant 0 : i32
      %dma_wait3A_74 = tpu.memref_slice %arg2[%dma_wait3A_72, %dma_wait3A_73] : memref<10000x128xf32, #tpu.memory_space<hbm>> -> memref<10000x128xf32, #tpu.memory_space<hbm>>
      tpu.wait_indirect_dma semaphore(%arg14 : memref<!tpu.dma_semaphore, #tpu.memory_space<semaphore_mem>>) src(%dma_wait3A_74 : memref<10000x128xf32, #tpu.memory_space<hbm>>) dst(%arg12 : memref<128x128xf32, #tpu.memory_space<vmem>>)
      %dma_start3A_75 = arith.constant 0 : i32
      %dma_start3A_76 = arith.constant 0 : i32
      %dma_start3A_77 = tpu.memref_slice %arg7[%dma_start3A_75, %dma_start3A_76] : memref<10112x128xf32, #tpu.memory_space<vmem_shared>> -> memref<10112x128xf32, #tpu.memory_space<vmem_shared>>
      tpu.enqueue_indirect_dma source(%arg12 : memref<128x128xf32, #tpu.memory_space<vmem>>) target(%dma_start3A_77 : memref<10112x128xf32, #tpu.memory_space<vmem_shared>>) offsets(%arg10 : memref<128xi32, #tpu.memory_space<vmem>>) semaphore(%arg15 : memref<!tpu.dma_semaphore, #tpu.memory_space<semaphore_mem>>) {add = true}
      %dma_wait3A_78 = arith.constant 0 : i32
      %dma_wait3A_79 = arith.constant 0 : i32
      %dma_wait3A_80 = tpu.memref_slice %arg7[%dma_wait3A_78, %dma_wait3A_79] : memref<10112x128xf32, #tpu.memory_space<vmem_shared>> -> memref<10112x128xf32, #tpu.memory_space<vmem_shared>>
      tpu.wait_indirect_dma semaphore(%arg16 : memref<!tpu.dma_semaphore, #tpu.memory_space<semaphore_mem>>) src(%arg13 : memref<128x128xf32, #tpu.memory_space<vmem>>) dst(%dma_wait3A_80 : memref<10112x128xf32, #tpu.memory_space<vmem_shared>>)
      %mul3A_81 = arith.constant 2 : i32
      %mul3A_82 = arith.muli %scan3A_58, %mul3A_81 : i32
      %add3A_83 = arith.constant 1 : i32
      %add3A_84 = arith.addi %mul3A_82, %add3A_83 : i32
      %mul3A_85 = arith.constant 128 : i32
      %mul3A_86 = arith.muli %add3A_84, %mul3A_85 : i32
      %add3A_87 = arith.addi %mul3A_2, %mul3A_86 : i32
      "tpu.region"() ({
        %run_scoped3A = tpu.sem_alloc : memref<!tpu.dma_semaphore, #tpu.memory_space<semaphore_mem>>
        %dma_start3A_97 = tpu.memref_slice %arg3[%add3A_87] : memref<323584xi32, #tpu.memory_space<hbm>> -> memref<128xi32, #tpu.memory_space<hbm>>
        %dma_start3A_98 = tpu.memref_slice %arg3[%add3A_87] : memref<323584xi32, #tpu.memory_space<hbm>> -> memref<128xi32, #tpu.memory_space<hbm>>
        tpu.enqueue_dma source(%dma_start3A_98 : memref<128xi32, #tpu.memory_space<hbm>>) target(%arg9 : memref<128xi32, #tpu.memory_space<vmem>>) target_semaphore(%run_scoped3A : memref<!tpu.dma_semaphore, #tpu.memory_space<semaphore_mem>>)
        %dma_wait3A_99 = tpu.memref_slice %arg3[%add3A_87] : memref<323584xi32, #tpu.memory_space<hbm>> -> memref<128xi32, #tpu.memory_space<hbm>>
        %dma_wait3A_100 = tpu.memref_slice %arg3[%add3A_87] : memref<323584xi32, #tpu.memory_space<hbm>> -> memref<128xi32, #tpu.memory_space<hbm>>
        tpu.wait_dma2 semaphore(%run_scoped3A : memref<!tpu.dma_semaphore, #tpu.memory_space<semaphore_mem>>) src(%dma_wait3A_100 : memref<128xi32, #tpu.memory_space<hbm>>) dst(%arg9 : memref<128xi32, #tpu.memory_space<vmem>>)
        tpu.yield
      }) : () -> ()
      "tpu.region"() ({
        %run_scoped3A = tpu.sem_alloc : memref<!tpu.dma_semaphore, #tpu.memory_space<semaphore_mem>>
        %dma_start3A_97 = tpu.memref_slice %arg4[%add3A_87] : memref<323584xi32, #tpu.memory_space<hbm>> -> memref<128xi32, #tpu.memory_space<hbm>>
        %dma_start3A_98 = tpu.memref_slice %arg4[%add3A_87] : memref<323584xi32, #tpu.memory_space<hbm>> -> memref<128xi32, #tpu.memory_space<hbm>>
        tpu.enqueue_dma source(%dma_start3A_98 : memref<128xi32, #tpu.memory_space<hbm>>) target(%arg11 : memref<128xi32, #tpu.memory_space<vmem>>) target_semaphore(%run_scoped3A : memref<!tpu.dma_semaphore, #tpu.memory_space<semaphore_mem>>)
        %dma_wait3A_99 = tpu.memref_slice %arg4[%add3A_87] : memref<323584xi32, #tpu.memory_space<hbm>> -> memref<128xi32, #tpu.memory_space<hbm>>
        %dma_wait3A_100 = tpu.memref_slice %arg4[%add3A_87] : memref<323584xi32, #tpu.memory_space<hbm>> -> memref<128xi32, #tpu.memory_space<hbm>>
        tpu.wait_dma2 semaphore(%run_scoped3A : memref<!tpu.dma_semaphore, #tpu.memory_space<semaphore_mem>>) src(%dma_wait3A_100 : memref<128xi32, #tpu.memory_space<hbm>>) dst(%arg11 : memref<128xi32, #tpu.memory_space<vmem>>)
        tpu.yield
      }) : () -> ()
      %dma_start3A_88 = arith.constant 0 : i32
      %dma_start3A_89 = arith.constant 0 : i32
      %dma_start3A_90 = tpu.memref_slice %arg2[%dma_start3A_88, %dma_start3A_89] : memref<10000x128xf32, #tpu.memory_space<hbm>> -> memref<10000x128xf32, #tpu.memory_space<hbm>>
      tpu.enqueue_indirect_dma source(%dma_start3A_90 : memref<10000x128xf32, #tpu.memory_space<hbm>>) target(%arg13 : memref<128x128xf32, #tpu.memory_space<vmem>>) offsets(%arg9 : memref<128xi32, #tpu.memory_space<vmem>>) semaphore(%arg14 : memref<!tpu.dma_semaphore, #tpu.memory_space<semaphore_mem>>)
      %dma_wait3A_91 = arith.constant 0 : i32
      %dma_wait3A_92 = arith.constant 0 : i32
      %dma_wait3A_93 = tpu.memref_slice %arg2[%dma_wait3A_91, %dma_wait3A_92] : memref<10000x128xf32, #tpu.memory_space<hbm>> -> memref<10000x128xf32, #tpu.memory_space<hbm>>
      tpu.wait_indirect_dma semaphore(%arg14 : memref<!tpu.dma_semaphore, #tpu.memory_space<semaphore_mem>>) src(%dma_wait3A_93 : memref<10000x128xf32, #tpu.memory_space<hbm>>) dst(%arg13 : memref<128x128xf32, #tpu.memory_space<vmem>>)
      %dma_start3A_94 = arith.constant 0 : i32
      %dma_start3A_95 = arith.constant 0 : i32
      %dma_start3A_96 = tpu.memref_slice %arg7[%dma_start3A_94, %dma_start3A_95] : memref<10112x128xf32, #tpu.memory_space<vmem_shared>> -> memref<10112x128xf32, #tpu.memory_space<vmem_shared>>
      tpu.enqueue_indirect_dma source(%arg13 : memref<128x128xf32, #tpu.memory_space<vmem>>) target(%dma_start3A_96 : memref<10112x128xf32, #tpu.memory_space<vmem_shared>>) offsets(%arg11 : memref<128xi32, #tpu.memory_space<vmem>>) semaphore(%arg16 : memref<!tpu.dma_semaphore, #tpu.memory_space<semaphore_mem>>) {add = true}
    }
    %scan3A_29 = arith.constant 38 : i32
    %dma_wait3A_30 = arith.constant 0 : i32
    %dma_wait3A_31 = arith.constant 0 : i32
    %dma_wait3A_32 = tpu.memref_slice %arg7[%dma_wait3A_30, %dma_wait3A_31] : memref<10112x128xf32, #tpu.memory_space<vmem_shared>> -> memref<10112x128xf32, #tpu.memory_space<vmem_shared>>
    tpu.wait_indirect_dma semaphore(%arg15 : memref<!tpu.dma_semaphore, #tpu.memory_space<semaphore_mem>>) src(%arg12 : memref<128x128xf32, #tpu.memory_space<vmem>>) dst(%dma_wait3A_32 : memref<10112x128xf32, #tpu.memory_space<vmem_shared>>)
    %add3A_33 = arith.constant 9984 : i32
    %add3A_34 = arith.addi %mul3A_2, %add3A_33 : i32
    "tpu.region"() ({
      %run_scoped3A = tpu.sem_alloc : memref<!tpu.dma_semaphore, #tpu.memory_space<semaphore_mem>>
      %dma_start3A_58 = tpu.memref_slice %arg3[%add3A_34] : memref<323584xi32, #tpu.memory_space<hbm>> -> memref<128xi32, #tpu.memory_space<hbm>>
      %dma_start3A_59 = tpu.memref_slice %arg3[%add3A_34] : memref<323584xi32, #tpu.memory_space<hbm>> -> memref<128xi32, #tpu.memory_space<hbm>>
      tpu.enqueue_dma source(%dma_start3A_59 : memref<128xi32, #tpu.memory_space<hbm>>) target(%arg8 : memref<128xi32, #tpu.memory_space<vmem>>) target_semaphore(%run_scoped3A : memref<!tpu.dma_semaphore, #tpu.memory_space<semaphore_mem>>)
      %dma_wait3A_60 = tpu.memref_slice %arg3[%add3A_34] : memref<323584xi32, #tpu.memory_space<hbm>> -> memref<128xi32, #tpu.memory_space<hbm>>
      %dma_wait3A_61 = tpu.memref_slice %arg3[%add3A_34] : memref<323584xi32, #tpu.memory_space<hbm>> -> memref<128xi32, #tpu.memory_space<hbm>>
      tpu.wait_dma2 semaphore(%run_scoped3A : memref<!tpu.dma_semaphore, #tpu.memory_space<semaphore_mem>>) src(%dma_wait3A_61 : memref<128xi32, #tpu.memory_space<hbm>>) dst(%arg8 : memref<128xi32, #tpu.memory_space<vmem>>)
      tpu.yield
    }) : () -> ()
    "tpu.region"() ({
      %run_scoped3A = tpu.sem_alloc : memref<!tpu.dma_semaphore, #tpu.memory_space<semaphore_mem>>
      %dma_start3A_58 = tpu.memref_slice %arg4[%add3A_34] : memref<323584xi32, #tpu.memory_space<hbm>> -> memref<128xi32, #tpu.memory_space<hbm>>
      %dma_start3A_59 = tpu.memref_slice %arg4[%add3A_34] : memref<323584xi32, #tpu.memory_space<hbm>> -> memref<128xi32, #tpu.memory_space<hbm>>
      tpu.enqueue_dma source(%dma_start3A_59 : memref<128xi32, #tpu.memory_space<hbm>>) target(%arg10 : memref<128xi32, #tpu.memory_space<vmem>>) target_semaphore(%run_scoped3A : memref<!tpu.dma_semaphore, #tpu.memory_space<semaphore_mem>>)
      %dma_wait3A_60 = tpu.memref_slice %arg4[%add3A_34] : memref<323584xi32, #tpu.memory_space<hbm>> -> memref<128xi32, #tpu.memory_space<hbm>>
      %dma_wait3A_61 = tpu.memref_slice %arg4[%add3A_34] : memref<323584xi32, #tpu.memory_space<hbm>> -> memref<128xi32, #tpu.memory_space<hbm>>
      tpu.wait_dma2 semaphore(%run_scoped3A : memref<!tpu.dma_semaphore, #tpu.memory_space<semaphore_mem>>) src(%dma_wait3A_61 : memref<128xi32, #tpu.memory_space<hbm>>) dst(%arg10 : memref<128xi32, #tpu.memory_space<vmem>>)
      tpu.yield
    }) : () -> ()
    %dma_start3A_35 = arith.constant 0 : i32
    %dma_start3A_36 = arith.constant 0 : i32
    %dma_start3A_37 = tpu.memref_slice %arg2[%dma_start3A_35, %dma_start3A_36] : memref<10000x128xf32, #tpu.memory_space<hbm>> -> memref<10000x128xf32, #tpu.memory_space<hbm>>
    tpu.enqueue_indirect_dma source(%dma_start3A_37 : memref<10000x128xf32, #tpu.memory_space<hbm>>) target(%arg12 : memref<128x128xf32, #tpu.memory_space<vmem>>) offsets(%arg8 : memref<128xi32, #tpu.memory_space<vmem>>) semaphore(%arg14 : memref<!tpu.dma_semaphore, #tpu.memory_space<semaphore_mem>>)
    %dma_wait3A_38 = arith.constant 0 : i32
    %dma_wait3A_39 = arith.constant 0 : i32
    %dma_wait3A_40 = tpu.memref_slice %arg2[%dma_wait3A_38, %dma_wait3A_39] : memref<10000x128xf32, #tpu.memory_space<hbm>> -> memref<10000x128xf32, #tpu.memory_space<hbm>>
    tpu.wait_indirect_dma semaphore(%arg14 : memref<!tpu.dma_semaphore, #tpu.memory_space<semaphore_mem>>) src(%dma_wait3A_40 : memref<10000x128xf32, #tpu.memory_space<hbm>>) dst(%arg12 : memref<128x128xf32, #tpu.memory_space<vmem>>)
    %dma_start3A_41 = arith.constant 0 : i32
    %dma_start3A_42 = arith.constant 0 : i32
    %dma_start3A_43 = tpu.memref_slice %arg7[%dma_start3A_41, %dma_start3A_42] : memref<10112x128xf32, #tpu.memory_space<vmem_shared>> -> memref<10112x128xf32, #tpu.memory_space<vmem_shared>>
    tpu.enqueue_indirect_dma source(%arg12 : memref<128x128xf32, #tpu.memory_space<vmem>>) target(%dma_start3A_43 : memref<10112x128xf32, #tpu.memory_space<vmem_shared>>) offsets(%arg10 : memref<128xi32, #tpu.memory_space<vmem>>) semaphore(%arg15 : memref<!tpu.dma_semaphore, #tpu.memory_space<semaphore_mem>>) {add = true}
    %dma_wait3A_44 = arith.constant 0 : i32
    %dma_wait3A_45 = arith.constant 0 : i32
    %dma_wait3A_46 = tpu.memref_slice %arg7[%dma_wait3A_44, %dma_wait3A_45] : memref<10112x128xf32, #tpu.memory_space<vmem_shared>> -> memref<10112x128xf32, #tpu.memory_space<vmem_shared>>
    tpu.wait_indirect_dma semaphore(%arg15 : memref<!tpu.dma_semaphore, #tpu.memory_space<semaphore_mem>>) src(%arg12 : memref<128x128xf32, #tpu.memory_space<vmem>>) dst(%dma_wait3A_46 : memref<10112x128xf32, #tpu.memory_space<vmem_shared>>)
    %dma_wait3A_47 = arith.constant 0 : i32
    %dma_wait3A_48 = arith.constant 0 : i32
    %dma_wait3A_49 = tpu.memref_slice %arg7[%dma_wait3A_47, %dma_wait3A_48] : memref<10112x128xf32, #tpu.memory_space<vmem_shared>> -> memref<10112x128xf32, #tpu.memory_space<vmem_shared>>
    tpu.wait_indirect_dma semaphore(%arg16 : memref<!tpu.dma_semaphore, #tpu.memory_space<semaphore_mem>>) src(%arg13 : memref<128x128xf32, #tpu.memory_space<vmem>>) dst(%dma_wait3A_49 : memref<10112x128xf32, #tpu.memory_space<vmem_shared>>)
    %barrier3A_50 = arith.constant 0 : index
    tpu.barrier barrier_id(%barrier3A_50)
    %mul3A_51 = arith.constant 632 : i32
    %mul3A_52 = arith.muli %arg1, %mul3A_51 : i32
    %mul3A_53 = arith.constant 10112 : i32
    %mul3A_54 = arith.muli %arg0, %mul3A_53 : i32
    %mul3A_55 = arith.constant 632 : i32
    %mul3A_56 = arith.muli %arg1, %mul3A_55 : i32
    %add3A_57 = arith.addi %mul3A_54, %mul3A_56 : i32
    "tpu.region"() ({
      %run_scoped3A = tpu.sem_alloc : memref<!tpu.dma_semaphore, #tpu.memory_space<semaphore_mem>>
      %dma_start3A_58 = arith.constant 0 : i32
      %dma_start3A_59 = tpu.memref_slice %arg6[%add3A_57, %dma_start3A_58] : memref<20224x128xf32, #tpu.memory_space<hbm>> -> memref<632x128xf32, #tpu.memory_space<hbm>>
      %dma_start3A_60 = arith.constant 0 : i32
      %dma_start3A_61 = tpu.memref_slice %arg7[%mul3A_52, %dma_start3A_60] : memref<10112x128xf32, #tpu.memory_space<vmem_shared>> -> memref<632x128xf32, #tpu.memory_space<vmem_shared>>
      tpu.enqueue_dma source(%dma_start3A_61 : memref<632x128xf32, #tpu.memory_space<vmem_shared>>) target(%dma_start3A_59 : memref<632x128xf32, #tpu.memory_space<hbm>>) target_semaphore(%run_scoped3A : memref<!tpu.dma_semaphore, #tpu.memory_space<semaphore_mem>>)
      %dma_wait3A_62 = arith.constant 0 : i32
      %dma_wait3A_63 = tpu.memref_slice %arg6[%add3A_57, %dma_wait3A_62] : memref<20224x128xf32, #tpu.memory_space<hbm>> -> memref<632x128xf32, #tpu.memory_space<hbm>>
      %dma_wait3A_64 = arith.constant 0 : i32
      %dma_wait3A_65 = tpu.memref_slice %arg7[%mul3A_52, %dma_wait3A_64] : memref<10112x128xf32, #tpu.memory_space<vmem_shared>> -> memref<632x128xf32, #tpu.memory_space<vmem_shared>>
      tpu.wait_dma2 semaphore(%run_scoped3A : memref<!tpu.dma_semaphore, #tpu.memory_space<semaphore_mem>>) src(%dma_wait3A_65 : memref<632x128xf32, #tpu.memory_space<vmem_shared>>) dst(%dma_wait3A_63 : memref<632x128xf32, #tpu.memory_space<hbm>>)
      tpu.yield
    }) : () -> ()
    return
  }
}

#map = affine_map<(d0, d1) -> (0, 0)>
#map1 = affine_map<(d0, d1) -> (0)>
module attributes {stable_mosaic.version = 14 : i64} {
  func.func @_sc_segsum(%arg0: i32, %arg1: i32, %arg2: memref<10000x128xf32, #tpu.memory_space<hbm>>, %arg3: memref<323584xi32, #tpu.memory_space<hbm>>, %arg4: memref<323584xi32, #tpu.memory_space<hbm>>, %arg5: memref<632x128xf32, #tpu.memory_space<hbm>>, %arg6: memref<20224x128xf32, #tpu.memory_space<hbm>>, %arg7: memref<10112x128xf32, #tpu.memory_space<vmem_shared>>, %arg8: memref<128xi32, #tpu.memory_space<vmem>>, %arg9: memref<128xi32, #tpu.memory_space<vmem>>, %arg10: memref<128xi32, #tpu.memory_space<vmem>>, %arg11: memref<128xi32, #tpu.memory_space<vmem>>, %arg12: memref<128x128xf32, #tpu.memory_space<vmem>>, %arg13: memref<128x128xf32, #tpu.memory_space<vmem>>, %arg14: memref<!tpu.dma_semaphore, #tpu.memory_space<semaphore_mem>>, %arg15: memref<!tpu.dma_semaphore, #tpu.memory_space<semaphore_mem>>, %arg16: memref<!tpu.dma_semaphore, #tpu.memory_space<semaphore_mem>>) attributes {dimension_semantics = [#tpu.dimension_semantics<core_parallel>, #tpu.dimension_semantics<subcore_parallel>], iteration_bounds = array<i64: 2, 16>, scalar_prefetch = 0 : i64, scratch_operands = 10 : i64, tpu.core_type = #tpu.core_type<sc_vector_subcore>, window_params = [{transform_indices = #map}, {transform_indices = #map1}, {transform_indices = #map1}, {transform_indices = #map}, {transform_indices = #map}]} {
    %mul3A = arith.constant 16 : i32
    %mul3A_0 = arith.muli %arg0, %mul3A : i32
    %add3A = arith.addi %mul3A_0, %arg1 : i32
    %mul3A_1 = arith.constant 10112 : i32
    %mul3A_2 = arith.muli %add3A, %mul3A_1 : i32
    %mul3A_3 = arith.constant 632 : i32
    %mul3A_4 = arith.muli %arg1, %mul3A_3 : i32
    "tpu.region"() ({
      %run_scoped3A = tpu.sem_alloc : memref<!tpu.dma_semaphore, #tpu.memory_space<semaphore_mem>>
      %dma_start3A_58 = arith.constant 0 : i32
      %dma_start3A_59 = tpu.memref_slice %arg7[%mul3A_4, %dma_start3A_58] : memref<10112x128xf32, #tpu.memory_space<vmem_shared>> -> memref<632x128xf32, #tpu.memory_space<vmem_shared>>
      tpu.enqueue_dma source(%arg5 : memref<632x128xf32, #tpu.memory_space<hbm>>) target(%dma_start3A_59 : memref<632x128xf32, #tpu.memory_space<vmem_shared>>) target_semaphore(%run_scoped3A : memref<!tpu.dma_semaphore, #tpu.memory_space<semaphore_mem>>)
      %dma_wait3A_60 = arith.constant 0 : i32
      %dma_wait3A_61 = tpu.memref_slice %arg7[%mul3A_4, %dma_wait3A_60] : memref<10112x128xf32, #tpu.memory_space<vmem_shared>> -> memref<632x128xf32, #tpu.memory_space<vmem_shared>>
      tpu.wait_dma2 semaphore(%run_scoped3A : memref<!tpu.dma_semaphore, #tpu.memory_space<semaphore_mem>>) src(%arg5 : memref<632x128xf32, #tpu.memory_space<hbm>>) dst(%dma_wait3A_61 : memref<632x128xf32, #tpu.memory_space<vmem_shared>>)
      tpu.yield
    }) : () -> ()
    %barrier3A = arith.constant 0 : index
    tpu.barrier barrier_id(%barrier3A)
    %add3A_5 = arith.constant 0 : i32
    %add3A_6 = arith.addi %mul3A_2, %add3A_5 : i32
    "tpu.region"() ({
      %run_scoped3A = tpu.sem_alloc : memref<!tpu.dma_semaphore, #tpu.memory_space<semaphore_mem>>
      %dma_start3A_58 = tpu.memref_slice %arg3[%add3A_6] : memref<323584xi32, #tpu.memory_space<hbm>> -> memref<128xi32, #tpu.memory_space<hbm>>
      %dma_start3A_59 = tpu.memref_slice %arg3[%add3A_6] : memref<323584xi32, #tpu.memory_space<hbm>> -> memref<128xi32, #tpu.memory_space<hbm>>
      tpu.enqueue_dma source(%dma_start3A_59 : memref<128xi32, #tpu.memory_space<hbm>>) target(%arg8 : memref<128xi32, #tpu.memory_space<vmem>>) target_semaphore(%run_scoped3A : memref<!tpu.dma_semaphore, #tpu.memory_space<semaphore_mem>>)
      %dma_wait3A_60 = tpu.memref_slice %arg3[%add3A_6] : memref<323584xi32, #tpu.memory_space<hbm>> -> memref<128xi32, #tpu.memory_space<hbm>>
      %dma_wait3A_61 = tpu.memref_slice %arg3[%add3A_6] : memref<323584xi32, #tpu.memory_space<hbm>> -> memref<128xi32, #tpu.memory_space<hbm>>
      tpu.wait_dma2 semaphore(%run_scoped3A : memref<!tpu.dma_semaphore, #tpu.memory_space<semaphore_mem>>) src(%dma_wait3A_61 : memref<128xi32, #tpu.memory_space<hbm>>) dst(%arg8 : memref<128xi32, #tpu.memory_space<vmem>>)
      tpu.yield
    }) : () -> ()
    "tpu.region"() ({
      %run_scoped3A = tpu.sem_alloc : memref<!tpu.dma_semaphore, #tpu.memory_space<semaphore_mem>>
      %dma_start3A_58 = tpu.memref_slice %arg4[%add3A_6] : memref<323584xi32, #tpu.memory_space<hbm>> -> memref<128xi32, #tpu.memory_space<hbm>>
      %dma_start3A_59 = tpu.memref_slice %arg4[%add3A_6] : memref<323584xi32, #tpu.memory_space<hbm>> -> memref<128xi32, #tpu.memory_space<hbm>>
      tpu.enqueue_dma source(%dma_start3A_59 : memref<128xi32, #tpu.memory_space<hbm>>) target(%arg10 : memref<128xi32, #tpu.memory_space<vmem>>) target_semaphore(%run_scoped3A : memref<!tpu.dma_semaphore, #tpu.memory_space<semaphore_mem>>)
      %dma_wait3A_60 = tpu.memref_slice %arg4[%add3A_6] : memref<323584xi32, #tpu.memory_space<hbm>> -> memref<128xi32, #tpu.memory_space<hbm>>
      %dma_wait3A_61 = tpu.memref_slice %arg4[%add3A_6] : memref<323584xi32, #tpu.memory_space<hbm>> -> memref<128xi32, #tpu.memory_space<hbm>>
      tpu.wait_dma2 semaphore(%run_scoped3A : memref<!tpu.dma_semaphore, #tpu.memory_space<semaphore_mem>>) src(%dma_wait3A_61 : memref<128xi32, #tpu.memory_space<hbm>>) dst(%arg10 : memref<128xi32, #tpu.memory_space<vmem>>)
      tpu.yield
    }) : () -> ()
    %dma_start3A = arith.constant 0 : i32
    %dma_start3A_7 = arith.constant 0 : i32
    %dma_start3A_8 = tpu.memref_slice %arg2[%dma_start3A, %dma_start3A_7] : memref<10000x128xf32, #tpu.memory_space<hbm>> -> memref<10000x128xf32, #tpu.memory_space<hbm>>
    tpu.enqueue_indirect_dma source(%dma_start3A_8 : memref<10000x128xf32, #tpu.memory_space<hbm>>) target(%arg12 : memref<128x128xf32, #tpu.memory_space<vmem>>) offsets(%arg8 : memref<128xi32, #tpu.memory_space<vmem>>) semaphore(%arg14 : memref<!tpu.dma_semaphore, #tpu.memory_space<semaphore_mem>>)
    %dma_wait3A = arith.constant 0 : i32
    %dma_wait3A_9 = arith.constant 0 : i32
    %dma_wait3A_10 = tpu.memref_slice %arg2[%dma_wait3A, %dma_wait3A_9] : memref<10000x128xf32, #tpu.memory_space<hbm>> -> memref<10000x128xf32, #tpu.memory_space<hbm>>
    tpu.wait_indirect_dma semaphore(%arg14 : memref<!tpu.dma_semaphore, #tpu.memory_space<semaphore_mem>>) src(%dma_wait3A_10 : memref<10000x128xf32, #tpu.memory_space<hbm>>) dst(%arg12 : memref<128x128xf32, #tpu.memory_space<vmem>>)
    %dma_start3A_11 = arith.constant 0 : i32
    %dma_start3A_12 = arith.constant 0 : i32
    %dma_start3A_13 = tpu.memref_slice %arg7[%dma_start3A_11, %dma_start3A_12] : memref<10112x128xf32, #tpu.memory_space<vmem_shared>> -> memref<10112x128xf32, #tpu.memory_space<vmem_shared>>
    tpu.enqueue_indirect_dma source(%arg12 : memref<128x128xf32, #tpu.memory_space<vmem>>) target(%dma_start3A_13 : memref<10112x128xf32, #tpu.memory_space<vmem_shared>>) offsets(%arg10 : memref<128xi32, #tpu.memory_space<vmem>>) semaphore(%arg15 : memref<!tpu.dma_semaphore, #tpu.memory_space<semaphore_mem>>) {add = true}
    %add3A_14 = arith.constant 128 : i32
    %add3A_15 = arith.addi %mul3A_2, %add3A_14 : i32
    "tpu.region"() ({
      %run_scoped3A = tpu.sem_alloc : memref<!tpu.dma_semaphore, #tpu.memory_space<semaphore_mem>>
      %dma_start3A_58 = tpu.memref_slice %arg3[%add3A_15] : memref<323584xi32, #tpu.memory_space<hbm>> -> memref<128xi32, #tpu.memory_space<hbm>>
      %dma_start3A_59 = tpu.memref_slice %arg3[%add3A_15] : memref<323584xi32, #tpu.memory_space<hbm>> -> memref<128xi32, #tpu.memory_space<hbm>>
      tpu.enqueue_dma source(%dma_start3A_59 : memref<128xi32, #tpu.memory_space<hbm>>) target(%arg9 : memref<128xi32, #tpu.memory_space<vmem>>) target_semaphore(%run_scoped3A : memref<!tpu.dma_semaphore, #tpu.memory_space<semaphore_mem>>)
      %dma_wait3A_60 = tpu.memref_slice %arg3[%add3A_15] : memref<323584xi32, #tpu.memory_space<hbm>> -> memref<128xi32, #tpu.memory_space<hbm>>
      %dma_wait3A_61 = tpu.memref_slice %arg3[%add3A_15] : memref<323584xi32, #tpu.memory_space<hbm>> -> memref<128xi32, #tpu.memory_space<hbm>>
      tpu.wait_dma2 semaphore(%run_scoped3A : memref<!tpu.dma_semaphore, #tpu.memory_space<semaphore_mem>>) src(%dma_wait3A_61 : memref<128xi32, #tpu.memory_space<hbm>>) dst(%arg9 : memref<128xi32, #tpu.memory_space<vmem>>)
      tpu.yield
    }) : () -> ()
    "tpu.region"() ({
      %run_scoped3A = tpu.sem_alloc : memref<!tpu.dma_semaphore, #tpu.memory_space<semaphore_mem>>
      %dma_start3A_58 = tpu.memref_slice %arg4[%add3A_15] : memref<323584xi32, #tpu.memory_space<hbm>> -> memref<128xi32, #tpu.memory_space<hbm>>
      %dma_start3A_59 = tpu.memref_slice %arg4[%add3A_15] : memref<323584xi32, #tpu.memory_space<hbm>> -> memref<128xi32, #tpu.memory_space<hbm>>
      tpu.enqueue_dma source(%dma_start3A_59 : memref<128xi32, #tpu.memory_space<hbm>>) target(%arg11 : memref<128xi32, #tpu.memory_space<vmem>>) target_semaphore(%run_scoped3A : memref<!tpu.dma_semaphore, #tpu.memory_space<semaphore_mem>>)
      %dma_wait3A_60 = tpu.memref_slice %arg4[%add3A_15] : memref<323584xi32, #tpu.memory_space<hbm>> -> memref<128xi32, #tpu.memory_space<hbm>>
      %dma_wait3A_61 = tpu.memref_slice %arg4[%add3A_15] : memref<323584xi32, #tpu.memory_space<hbm>> -> memref<128xi32, #tpu.memory_space<hbm>>
      tpu.wait_dma2 semaphore(%run_scoped3A : memref<!tpu.dma_semaphore, #tpu.memory_space<semaphore_mem>>) src(%dma_wait3A_61 : memref<128xi32, #tpu.memory_space<hbm>>) dst(%arg11 : memref<128xi32, #tpu.memory_space<vmem>>)
      tpu.yield
    }) : () -> ()
    %dma_start3A_16 = arith.constant 0 : i32
    %dma_start3A_17 = arith.constant 0 : i32
    %dma_start3A_18 = tpu.memref_slice %arg2[%dma_start3A_16, %dma_start3A_17] : memref<10000x128xf32, #tpu.memory_space<hbm>> -> memref<10000x128xf32, #tpu.memory_space<hbm>>
    tpu.enqueue_indirect_dma source(%dma_start3A_18 : memref<10000x128xf32, #tpu.memory_space<hbm>>) target(%arg13 : memref<128x128xf32, #tpu.memory_space<vmem>>) offsets(%arg9 : memref<128xi32, #tpu.memory_space<vmem>>) semaphore(%arg14 : memref<!tpu.dma_semaphore, #tpu.memory_space<semaphore_mem>>)
    %dma_wait3A_19 = arith.constant 0 : i32
    %dma_wait3A_20 = arith.constant 0 : i32
    %dma_wait3A_21 = tpu.memref_slice %arg2[%dma_wait3A_19, %dma_wait3A_20] : memref<10000x128xf32, #tpu.memory_space<hbm>> -> memref<10000x128xf32, #tpu.memory_space<hbm>>
    tpu.wait_indirect_dma semaphore(%arg14 : memref<!tpu.dma_semaphore, #tpu.memory_space<semaphore_mem>>) src(%dma_wait3A_21 : memref<10000x128xf32, #tpu.memory_space<hbm>>) dst(%arg13 : memref<128x128xf32, #tpu.memory_space<vmem>>)
    %dma_start3A_22 = arith.constant 0 : i32
    %dma_start3A_23 = arith.constant 0 : i32
    %dma_start3A_24 = tpu.memref_slice %arg7[%dma_start3A_22, %dma_start3A_23] : memref<10112x128xf32, #tpu.memory_space<vmem_shared>> -> memref<10112x128xf32, #tpu.memory_space<vmem_shared>>
    tpu.enqueue_indirect_dma source(%arg13 : memref<128x128xf32, #tpu.memory_space<vmem>>) target(%dma_start3A_24 : memref<10112x128xf32, #tpu.memory_space<vmem_shared>>) offsets(%arg11 : memref<128xi32, #tpu.memory_space<vmem>>) semaphore(%arg16 : memref<!tpu.dma_semaphore, #tpu.memory_space<semaphore_mem>>) {add = true}
    %scan3A = arith.constant 0 : i32
    %scan3A_25 = arith.constant 1 : i32
    %scan3A_26 = arith.constant 38 : i32
    %scan3A_27 = arith.addi %scan3A_25, %scan3A_26 : i32
    %scan3A_28 = arith.constant 1 : i32
    scf.for %scan3A_58 = %scan3A_25 to %scan3A_27 step %scan3A_28  : i32 {
      %dma_wait3A_59 = arith.constant 0 : i32
      %dma_wait3A_60 = arith.constant 0 : i32
      %dma_wait3A_61 = tpu.memref_slice %arg7[%dma_wait3A_59, %dma_wait3A_60] : memref<10112x128xf32, #tpu.memory_space<vmem_shared>> -> memref<10112x128xf32, #tpu.memory_space<vmem_shared>>
      tpu.wait_indirect_dma semaphore(%arg15 : memref<!tpu.dma_semaphore, #tpu.memory_space<semaphore_mem>>) src(%arg12 : memref<128x128xf32, #tpu.memory_space<vmem>>) dst(%dma_wait3A_61 : memref<10112x128xf32, #tpu.memory_space<vmem_shared>>)
      %mul3A_62 = arith.constant 2 : i32
      %mul3A_63 = arith.muli %scan3A_58, %mul3A_62 : i32
      %add3A_64 = arith.constant 0 : i32
      %add3A_65 = arith.addi %mul3A_63, %add3A_64 : i32
      %mul3A_66 = arith.constant 128 : i32
      %mul3A_67 = arith.muli %add3A_65, %mul3A_66 : i32
      %add3A_68 = arith.addi %mul3A_2, %mul3A_67 : i32
      "tpu.region"() ({
        %run_scoped3A = tpu.sem_alloc : memref<!tpu.dma_semaphore, #tpu.memory_space<semaphore_mem>>
        %dma_start3A_97 = tpu.memref_slice %arg3[%add3A_68] : memref<323584xi32, #tpu.memory_space<hbm>> -> memref<128xi32, #tpu.memory_space<hbm>>
        %dma_start3A_98 = tpu.memref_slice %arg3[%add3A_68] : memref<323584xi32, #tpu.memory_space<hbm>> -> memref<128xi32, #tpu.memory_space<hbm>>
        tpu.enqueue_dma source(%dma_start3A_98 : memref<128xi32, #tpu.memory_space<hbm>>) target(%arg8 : memref<128xi32, #tpu.memory_space<vmem>>) target_semaphore(%run_scoped3A : memref<!tpu.dma_semaphore, #tpu.memory_space<semaphore_mem>>)
        %dma_wait3A_99 = tpu.memref_slice %arg3[%add3A_68] : memref<323584xi32, #tpu.memory_space<hbm>> -> memref<128xi32, #tpu.memory_space<hbm>>
        %dma_wait3A_100 = tpu.memref_slice %arg3[%add3A_68] : memref<323584xi32, #tpu.memory_space<hbm>> -> memref<128xi32, #tpu.memory_space<hbm>>
        tpu.wait_dma2 semaphore(%run_scoped3A : memref<!tpu.dma_semaphore, #tpu.memory_space<semaphore_mem>>) src(%dma_wait3A_100 : memref<128xi32, #tpu.memory_space<hbm>>) dst(%arg8 : memref<128xi32, #tpu.memory_space<vmem>>)
        tpu.yield
      }) : () -> ()
      "tpu.region"() ({
        %run_scoped3A = tpu.sem_alloc : memref<!tpu.dma_semaphore, #tpu.memory_space<semaphore_mem>>
        %dma_start3A_97 = tpu.memref_slice %arg4[%add3A_68] : memref<323584xi32, #tpu.memory_space<hbm>> -> memref<128xi32, #tpu.memory_space<hbm>>
        %dma_start3A_98 = tpu.memref_slice %arg4[%add3A_68] : memref<323584xi32, #tpu.memory_space<hbm>> -> memref<128xi32, #tpu.memory_space<hbm>>
        tpu.enqueue_dma source(%dma_start3A_98 : memref<128xi32, #tpu.memory_space<hbm>>) target(%arg10 : memref<128xi32, #tpu.memory_space<vmem>>) target_semaphore(%run_scoped3A : memref<!tpu.dma_semaphore, #tpu.memory_space<semaphore_mem>>)
        %dma_wait3A_99 = tpu.memref_slice %arg4[%add3A_68] : memref<323584xi32, #tpu.memory_space<hbm>> -> memref<128xi32, #tpu.memory_space<hbm>>
        %dma_wait3A_100 = tpu.memref_slice %arg4[%add3A_68] : memref<323584xi32, #tpu.memory_space<hbm>> -> memref<128xi32, #tpu.memory_space<hbm>>
        tpu.wait_dma2 semaphore(%run_scoped3A : memref<!tpu.dma_semaphore, #tpu.memory_space<semaphore_mem>>) src(%dma_wait3A_100 : memref<128xi32, #tpu.memory_space<hbm>>) dst(%arg10 : memref<128xi32, #tpu.memory_space<vmem>>)
        tpu.yield
      }) : () -> ()
      %dma_start3A_69 = arith.constant 0 : i32
      %dma_start3A_70 = arith.constant 0 : i32
      %dma_start3A_71 = tpu.memref_slice %arg2[%dma_start3A_69, %dma_start3A_70] : memref<10000x128xf32, #tpu.memory_space<hbm>> -> memref<10000x128xf32, #tpu.memory_space<hbm>>
      tpu.enqueue_indirect_dma source(%dma_start3A_71 : memref<10000x128xf32, #tpu.memory_space<hbm>>) target(%arg12 : memref<128x128xf32, #tpu.memory_space<vmem>>) offsets(%arg8 : memref<128xi32, #tpu.memory_space<vmem>>) semaphore(%arg14 : memref<!tpu.dma_semaphore, #tpu.memory_space<semaphore_mem>>)
      %dma_wait3A_72 = arith.constant 0 : i32
      %dma_wait3A_73 = arith.constant 0 : i32
      %dma_wait3A_74 = tpu.memref_slice %arg2[%dma_wait3A_72, %dma_wait3A_73] : memref<10000x128xf32, #tpu.memory_space<hbm>> -> memref<10000x128xf32, #tpu.memory_space<hbm>>
      tpu.wait_indirect_dma semaphore(%arg14 : memref<!tpu.dma_semaphore, #tpu.memory_space<semaphore_mem>>) src(%dma_wait3A_74 : memref<10000x128xf32, #tpu.memory_space<hbm>>) dst(%arg12 : memref<128x128xf32, #tpu.memory_space<vmem>>)
      %dma_start3A_75 = arith.constant 0 : i32
      %dma_start3A_76 = arith.constant 0 : i32
      %dma_start3A_77 = tpu.memref_slice %arg7[%dma_start3A_75, %dma_start3A_76] : memref<10112x128xf32, #tpu.memory_space<vmem_shared>> -> memref<10112x128xf32, #tpu.memory_space<vmem_shared>>
      tpu.enqueue_indirect_dma source(%arg12 : memref<128x128xf32, #tpu.memory_space<vmem>>) target(%dma_start3A_77 : memref<10112x128xf32, #tpu.memory_space<vmem_shared>>) offsets(%arg10 : memref<128xi32, #tpu.memory_space<vmem>>) semaphore(%arg15 : memref<!tpu.dma_semaphore, #tpu.memory_space<semaphore_mem>>) {add = true}
      %dma_wait3A_78 = arith.constant 0 : i32
      %dma_wait3A_79 = arith.constant 0 : i32
      %dma_wait3A_80 = tpu.memref_slice %arg7[%dma_wait3A_78, %dma_wait3A_79] : memref<10112x128xf32, #tpu.memory_space<vmem_shared>> -> memref<10112x128xf32, #tpu.memory_space<vmem_shared>>
      tpu.wait_indirect_dma semaphore(%arg16 : memref<!tpu.dma_semaphore, #tpu.memory_space<semaphore_mem>>) src(%arg13 : memref<128x128xf32, #tpu.memory_space<vmem>>) dst(%dma_wait3A_80 : memref<10112x128xf32, #tpu.memory_space<vmem_shared>>)
      %mul3A_81 = arith.constant 2 : i32
      %mul3A_82 = arith.muli %scan3A_58, %mul3A_81 : i32
      %add3A_83 = arith.constant 1 : i32
      %add3A_84 = arith.addi %mul3A_82, %add3A_83 : i32
      %mul3A_85 = arith.constant 128 : i32
      %mul3A_86 = arith.muli %add3A_84, %mul3A_85 : i32
      %add3A_87 = arith.addi %mul3A_2, %mul3A_86 : i32
      "tpu.region"() ({
        %run_scoped3A = tpu.sem_alloc : memref<!tpu.dma_semaphore, #tpu.memory_space<semaphore_mem>>
        %dma_start3A_97 = tpu.memref_slice %arg3[%add3A_87] : memref<323584xi32, #tpu.memory_space<hbm>> -> memref<128xi32, #tpu.memory_space<hbm>>
        %dma_start3A_98 = tpu.memref_slice %arg3[%add3A_87] : memref<323584xi32, #tpu.memory_space<hbm>> -> memref<128xi32, #tpu.memory_space<hbm>>
        tpu.enqueue_dma source(%dma_start3A_98 : memref<128xi32, #tpu.memory_space<hbm>>) target(%arg9 : memref<128xi32, #tpu.memory_space<vmem>>) target_semaphore(%run_scoped3A : memref<!tpu.dma_semaphore, #tpu.memory_space<semaphore_mem>>)
        %dma_wait3A_99 = tpu.memref_slice %arg3[%add3A_87] : memref<323584xi32, #tpu.memory_space<hbm>> -> memref<128xi32, #tpu.memory_space<hbm>>
        %dma_wait3A_100 = tpu.memref_slice %arg3[%add3A_87] : memref<323584xi32, #tpu.memory_space<hbm>> -> memref<128xi32, #tpu.memory_space<hbm>>
        tpu.wait_dma2 semaphore(%run_scoped3A : memref<!tpu.dma_semaphore, #tpu.memory_space<semaphore_mem>>) src(%dma_wait3A_100 : memref<128xi32, #tpu.memory_space<hbm>>) dst(%arg9 : memref<128xi32, #tpu.memory_space<vmem>>)
        tpu.yield
      }) : () -> ()
      "tpu.region"() ({
        %run_scoped3A = tpu.sem_alloc : memref<!tpu.dma_semaphore, #tpu.memory_space<semaphore_mem>>
        %dma_start3A_97 = tpu.memref_slice %arg4[%add3A_87] : memref<323584xi32, #tpu.memory_space<hbm>> -> memref<128xi32, #tpu.memory_space<hbm>>
        %dma_start3A_98 = tpu.memref_slice %arg4[%add3A_87] : memref<323584xi32, #tpu.memory_space<hbm>> -> memref<128xi32, #tpu.memory_space<hbm>>
        tpu.enqueue_dma source(%dma_start3A_98 : memref<128xi32, #tpu.memory_space<hbm>>) target(%arg11 : memref<128xi32, #tpu.memory_space<vmem>>) target_semaphore(%run_scoped3A : memref<!tpu.dma_semaphore, #tpu.memory_space<semaphore_mem>>)
        %dma_wait3A_99 = tpu.memref_slice %arg4[%add3A_87] : memref<323584xi32, #tpu.memory_space<hbm>> -> memref<128xi32, #tpu.memory_space<hbm>>
        %dma_wait3A_100 = tpu.memref_slice %arg4[%add3A_87] : memref<323584xi32, #tpu.memory_space<hbm>> -> memref<128xi32, #tpu.memory_space<hbm>>
        tpu.wait_dma2 semaphore(%run_scoped3A : memref<!tpu.dma_semaphore, #tpu.memory_space<semaphore_mem>>) src(%dma_wait3A_100 : memref<128xi32, #tpu.memory_space<hbm>>) dst(%arg11 : memref<128xi32, #tpu.memory_space<vmem>>)
        tpu.yield
      }) : () -> ()
      %dma_start3A_88 = arith.constant 0 : i32
      %dma_start3A_89 = arith.constant 0 : i32
      %dma_start3A_90 = tpu.memref_slice %arg2[%dma_start3A_88, %dma_start3A_89] : memref<10000x128xf32, #tpu.memory_space<hbm>> -> memref<10000x128xf32, #tpu.memory_space<hbm>>
      tpu.enqueue_indirect_dma source(%dma_start3A_90 : memref<10000x128xf32, #tpu.memory_space<hbm>>) target(%arg13 : memref<128x128xf32, #tpu.memory_space<vmem>>) offsets(%arg9 : memref<128xi32, #tpu.memory_space<vmem>>) semaphore(%arg14 : memref<!tpu.dma_semaphore, #tpu.memory_space<semaphore_mem>>)
      %dma_wait3A_91 = arith.constant 0 : i32
      %dma_wait3A_92 = arith.constant 0 : i32
      %dma_wait3A_93 = tpu.memref_slice %arg2[%dma_wait3A_91, %dma_wait3A_92] : memref<10000x128xf32, #tpu.memory_space<hbm>> -> memref<10000x128xf32, #tpu.memory_space<hbm>>
      tpu.wait_indirect_dma semaphore(%arg14 : memref<!tpu.dma_semaphore, #tpu.memory_space<semaphore_mem>>) src(%dma_wait3A_93 : memref<10000x128xf32, #tpu.memory_space<hbm>>) dst(%arg13 : memref<128x128xf32, #tpu.memory_space<vmem>>)
      %dma_start3A_94 = arith.constant 0 : i32
      %dma_start3A_95 = arith.constant 0 : i32
      %dma_start3A_96 = tpu.memref_slice %arg7[%dma_start3A_94, %dma_start3A_95] : memref<10112x128xf32, #tpu.memory_space<vmem_shared>> -> memref<10112x128xf32, #tpu.memory_space<vmem_shared>>
      tpu.enqueue_indirect_dma source(%arg13 : memref<128x128xf32, #tpu.memory_space<vmem>>) target(%dma_start3A_96 : memref<10112x128xf32, #tpu.memory_space<vmem_shared>>) offsets(%arg11 : memref<128xi32, #tpu.memory_space<vmem>>) semaphore(%arg16 : memref<!tpu.dma_semaphore, #tpu.memory_space<semaphore_mem>>) {add = true}
    }
    %scan3A_29 = arith.constant 38 : i32
    %dma_wait3A_30 = arith.constant 0 : i32
    %dma_wait3A_31 = arith.constant 0 : i32
    %dma_wait3A_32 = tpu.memref_slice %arg7[%dma_wait3A_30, %dma_wait3A_31] : memref<10112x128xf32, #tpu.memory_space<vmem_shared>> -> memref<10112x128xf32, #tpu.memory_space<vmem_shared>>
    tpu.wait_indirect_dma semaphore(%arg15 : memref<!tpu.dma_semaphore, #tpu.memory_space<semaphore_mem>>) src(%arg12 : memref<128x128xf32, #tpu.memory_space<vmem>>) dst(%dma_wait3A_32 : memref<10112x128xf32, #tpu.memory_space<vmem_shared>>)
    %add3A_33 = arith.constant 9984 : i32
    %add3A_34 = arith.addi %mul3A_2, %add3A_33 : i32
    "tpu.region"() ({
      %run_scoped3A = tpu.sem_alloc : memref<!tpu.dma_semaphore, #tpu.memory_space<semaphore_mem>>
      %dma_start3A_58 = tpu.memref_slice %arg3[%add3A_34] : memref<323584xi32, #tpu.memory_space<hbm>> -> memref<128xi32, #tpu.memory_space<hbm>>
      %dma_start3A_59 = tpu.memref_slice %arg3[%add3A_34] : memref<323584xi32, #tpu.memory_space<hbm>> -> memref<128xi32, #tpu.memory_space<hbm>>
      tpu.enqueue_dma source(%dma_start3A_59 : memref<128xi32, #tpu.memory_space<hbm>>) target(%arg8 : memref<128xi32, #tpu.memory_space<vmem>>) target_semaphore(%run_scoped3A : memref<!tpu.dma_semaphore, #tpu.memory_space<semaphore_mem>>)
      %dma_wait3A_60 = tpu.memref_slice %arg3[%add3A_34] : memref<323584xi32, #tpu.memory_space<hbm>> -> memref<128xi32, #tpu.memory_space<hbm>>
      %dma_wait3A_61 = tpu.memref_slice %arg3[%add3A_34] : memref<323584xi32, #tpu.memory_space<hbm>> -> memref<128xi32, #tpu.memory_space<hbm>>
      tpu.wait_dma2 semaphore(%run_scoped3A : memref<!tpu.dma_semaphore, #tpu.memory_space<semaphore_mem>>) src(%dma_wait3A_61 : memref<128xi32, #tpu.memory_space<hbm>>) dst(%arg8 : memref<128xi32, #tpu.memory_space<vmem>>)
      tpu.yield
    }) : () -> ()
    "tpu.region"() ({
      %run_scoped3A = tpu.sem_alloc : memref<!tpu.dma_semaphore, #tpu.memory_space<semaphore_mem>>
      %dma_start3A_58 = tpu.memref_slice %arg4[%add3A_34] : memref<323584xi32, #tpu.memory_space<hbm>> -> memref<128xi32, #tpu.memory_space<hbm>>
      %dma_start3A_59 = tpu.memref_slice %arg4[%add3A_34] : memref<323584xi32, #tpu.memory_space<hbm>> -> memref<128xi32, #tpu.memory_space<hbm>>
      tpu.enqueue_dma source(%dma_start3A_59 : memref<128xi32, #tpu.memory_space<hbm>>) target(%arg10 : memref<128xi32, #tpu.memory_space<vmem>>) target_semaphore(%run_scoped3A : memref<!tpu.dma_semaphore, #tpu.memory_space<semaphore_mem>>)
      %dma_wait3A_60 = tpu.memref_slice %arg4[%add3A_34] : memref<323584xi32, #tpu.memory_space<hbm>> -> memref<128xi32, #tpu.memory_space<hbm>>
      %dma_wait3A_61 = tpu.memref_slice %arg4[%add3A_34] : memref<323584xi32, #tpu.memory_space<hbm>> -> memref<128xi32, #tpu.memory_space<hbm>>
      tpu.wait_dma2 semaphore(%run_scoped3A : memref<!tpu.dma_semaphore, #tpu.memory_space<semaphore_mem>>) src(%dma_wait3A_61 : memref<128xi32, #tpu.memory_space<hbm>>) dst(%arg10 : memref<128xi32, #tpu.memory_space<vmem>>)
      tpu.yield
    }) : () -> ()
    %dma_start3A_35 = arith.constant 0 : i32
    %dma_start3A_36 = arith.constant 0 : i32
    %dma_start3A_37 = tpu.memref_slice %arg2[%dma_start3A_35, %dma_start3A_36] : memref<10000x128xf32, #tpu.memory_space<hbm>> -> memref<10000x128xf32, #tpu.memory_space<hbm>>
    tpu.enqueue_indirect_dma source(%dma_start3A_37 : memref<10000x128xf32, #tpu.memory_space<hbm>>) target(%arg12 : memref<128x128xf32, #tpu.memory_space<vmem>>) offsets(%arg8 : memref<128xi32, #tpu.memory_space<vmem>>) semaphore(%arg14 : memref<!tpu.dma_semaphore, #tpu.memory_space<semaphore_mem>>)
    %dma_wait3A_38 = arith.constant 0 : i32
    %dma_wait3A_39 = arith.constant 0 : i32
    %dma_wait3A_40 = tpu.memref_slice %arg2[%dma_wait3A_38, %dma_wait3A_39] : memref<10000x128xf32, #tpu.memory_space<hbm>> -> memref<10000x128xf32, #tpu.memory_space<hbm>>
    tpu.wait_indirect_dma semaphore(%arg14 : memref<!tpu.dma_semaphore, #tpu.memory_space<semaphore_mem>>) src(%dma_wait3A_40 : memref<10000x128xf32, #tpu.memory_space<hbm>>) dst(%arg12 : memref<128x128xf32, #tpu.memory_space<vmem>>)
    %dma_start3A_41 = arith.constant 0 : i32
    %dma_start3A_42 = arith.constant 0 : i32
    %dma_start3A_43 = tpu.memref_slice %arg7[%dma_start3A_41, %dma_start3A_42] : memref<10112x128xf32, #tpu.memory_space<vmem_shared>> -> memref<10112x128xf32, #tpu.memory_space<vmem_shared>>
    tpu.enqueue_indirect_dma source(%arg12 : memref<128x128xf32, #tpu.memory_space<vmem>>) target(%dma_start3A_43 : memref<10112x128xf32, #tpu.memory_space<vmem_shared>>) offsets(%arg10 : memref<128xi32, #tpu.memory_space<vmem>>) semaphore(%arg15 : memref<!tpu.dma_semaphore, #tpu.memory_space<semaphore_mem>>) {add = true}
    %dma_wait3A_44 = arith.constant 0 : i32
    %dma_wait3A_45 = arith.constant 0 : i32
    %dma_wait3A_46 = tpu.memref_slice %arg7[%dma_wait3A_44, %dma_wait3A_45] : memref<10112x128xf32, #tpu.memory_space<vmem_shared>> -> memref<10112x128xf32, #tpu.memory_space<vmem_shared>>
    tpu.wait_indirect_dma semaphore(%arg15 : memref<!tpu.dma_semaphore, #tpu.memory_space<semaphore_mem>>) src(%arg12 : memref<128x128xf32, #tpu.memory_space<vmem>>) dst(%dma_wait3A_46 : memref<10112x128xf32, #tpu.memory_space<vmem_shared>>)
    %dma_wait3A_47 = arith.constant 0 : i32
    %dma_wait3A_48 = arith.constant 0 : i32
    %dma_wait3A_49 = tpu.memref_slice %arg7[%dma_wait3A_47, %dma_wait3A_48] : memref<10112x128xf32, #tpu.memory_space<vmem_shared>> -> memref<10112x128xf32, #tpu.memory_space<vmem_shared>>
    tpu.wait_indirect_dma semaphore(%arg16 : memref<!tpu.dma_semaphore, #tpu.memory_space<semaphore_mem>>) src(%arg13 : memref<128x128xf32, #tpu.memory_space<vmem>>) dst(%dma_wait3A_49 : memref<10112x128xf32, #tpu.memory_space<vmem_shared>>)
    %barrier3A_50 = arith.constant 0 : index
    tpu.barrier barrier_id(%barrier3A_50)
    %mul3A_51 = arith.constant 632 : i32
    %mul3A_52 = arith.muli %arg1, %mul3A_51 : i32
    %mul3A_53 = arith.constant 10112 : i32
    %mul3A_54 = arith.muli %arg0, %mul3A_53 : i32
    %mul3A_55 = arith.constant 632 : i32
    %mul3A_56 = arith.muli %arg1, %mul3A_55 : i32
    %add3A_57 = arith.addi %mul3A_54, %mul3A_56 : i32
    "tpu.region"() ({
      %run_scoped3A = tpu.sem_alloc : memref<!tpu.dma_semaphore, #tpu.memory_space<semaphore_mem>>
      %dma_start3A_58 = arith.constant 0 : i32
      %dma_start3A_59 = tpu.memref_slice %arg6[%add3A_57, %dma_start3A_58] : memref<20224x128xf32, #tpu.memory_space<hbm>> -> memref<632x128xf32, #tpu.memory_space<hbm>>
      %dma_start3A_60 = arith.constant 0 : i32
      %dma_start3A_61 = tpu.memref_slice %arg7[%mul3A_52, %dma_start3A_60] : memref<10112x128xf32, #tpu.memory_space<vmem_shared>> -> memref<632x128xf32, #tpu.memory_space<vmem_shared>>
      tpu.enqueue_dma source(%dma_start3A_61 : memref<632x128xf32, #tpu.memory_space<vmem_shared>>) target(%dma_start3A_59 : memref<632x128xf32, #tpu.memory_space<hbm>>) target_semaphore(%run_scoped3A : memref<!tpu.dma_semaphore, #tpu.memory_space<semaphore_mem>>)
      %dma_wait3A_62 = arith.constant 0 : i32
      %dma_wait3A_63 = tpu.memref_slice %arg6[%add3A_57, %dma_wait3A_62] : memref<20224x128xf32, #tpu.memory_space<hbm>> -> memref<632x128xf32, #tpu.memory_space<hbm>>
      %dma_wait3A_64 = arith.constant 0 : i32
      %dma_wait3A_65 = tpu.memref_slice %arg7[%mul3A_52, %dma_wait3A_64] : memref<10112x128xf32, #tpu.memory_space<vmem_shared>> -> memref<632x128xf32, #tpu.memory_space<vmem_shared>>
      tpu.wait_dma2 semaphore(%run_scoped3A : memref<!tpu.dma_semaphore, #tpu.memory_space<semaphore_mem>>) src(%dma_wait3A_65 : memref<632x128xf32, #tpu.memory_space<vmem_shared>>) dst(%dma_wait3A_63 : memref<632x128xf32, #tpu.memory_space<hbm>>)
      tpu.yield
    }) : () -> ()
    return
  }
}

#map = affine_map<(d0, d1) -> (0, 0)>
#map1 = affine_map<(d0, d1) -> (0)>
module attributes {stable_mosaic.version = 14 : i64} {
  func.func @_sc_segsum(%arg0: i32, %arg1: i32, %arg2: memref<10000x128xf32, #tpu.memory_space<hbm>>, %arg3: memref<323584xi32, #tpu.memory_space<hbm>>, %arg4: memref<323584xi32, #tpu.memory_space<hbm>>, %arg5: memref<632x128xf32, #tpu.memory_space<hbm>>, %arg6: memref<20224x128xf32, #tpu.memory_space<hbm>>, %arg7: memref<10112x128xf32, #tpu.memory_space<vmem_shared>>, %arg8: memref<128xi32, #tpu.memory_space<vmem>>, %arg9: memref<128xi32, #tpu.memory_space<vmem>>, %arg10: memref<128xi32, #tpu.memory_space<vmem>>, %arg11: memref<128xi32, #tpu.memory_space<vmem>>, %arg12: memref<128x128xf32, #tpu.memory_space<vmem>>, %arg13: memref<128x128xf32, #tpu.memory_space<vmem>>, %arg14: memref<!tpu.dma_semaphore, #tpu.memory_space<semaphore_mem>>, %arg15: memref<!tpu.dma_semaphore, #tpu.memory_space<semaphore_mem>>, %arg16: memref<!tpu.dma_semaphore, #tpu.memory_space<semaphore_mem>>) attributes {dimension_semantics = [#tpu.dimension_semantics<core_parallel>, #tpu.dimension_semantics<subcore_parallel>], iteration_bounds = array<i64: 2, 16>, scalar_prefetch = 0 : i64, scratch_operands = 10 : i64, tpu.core_type = #tpu.core_type<sc_vector_subcore>, window_params = [{transform_indices = #map}, {transform_indices = #map1}, {transform_indices = #map1}, {transform_indices = #map}, {transform_indices = #map}]} {
    %mul3A = arith.constant 16 : i32
    %mul3A_0 = arith.muli %arg0, %mul3A : i32
    %add3A = arith.addi %mul3A_0, %arg1 : i32
    %mul3A_1 = arith.constant 10112 : i32
    %mul3A_2 = arith.muli %add3A, %mul3A_1 : i32
    %mul3A_3 = arith.constant 632 : i32
    %mul3A_4 = arith.muli %arg1, %mul3A_3 : i32
    "tpu.region"() ({
      %run_scoped3A = tpu.sem_alloc : memref<!tpu.dma_semaphore, #tpu.memory_space<semaphore_mem>>
      %dma_start3A_58 = arith.constant 0 : i32
      %dma_start3A_59 = tpu.memref_slice %arg7[%mul3A_4, %dma_start3A_58] : memref<10112x128xf32, #tpu.memory_space<vmem_shared>> -> memref<632x128xf32, #tpu.memory_space<vmem_shared>>
      tpu.enqueue_dma source(%arg5 : memref<632x128xf32, #tpu.memory_space<hbm>>) target(%dma_start3A_59 : memref<632x128xf32, #tpu.memory_space<vmem_shared>>) target_semaphore(%run_scoped3A : memref<!tpu.dma_semaphore, #tpu.memory_space<semaphore_mem>>)
      %dma_wait3A_60 = arith.constant 0 : i32
      %dma_wait3A_61 = tpu.memref_slice %arg7[%mul3A_4, %dma_wait3A_60] : memref<10112x128xf32, #tpu.memory_space<vmem_shared>> -> memref<632x128xf32, #tpu.memory_space<vmem_shared>>
      tpu.wait_dma2 semaphore(%run_scoped3A : memref<!tpu.dma_semaphore, #tpu.memory_space<semaphore_mem>>) src(%arg5 : memref<632x128xf32, #tpu.memory_space<hbm>>) dst(%dma_wait3A_61 : memref<632x128xf32, #tpu.memory_space<vmem_shared>>)
      tpu.yield
    }) : () -> ()
    %barrier3A = arith.constant 0 : index
    tpu.barrier barrier_id(%barrier3A)
    %add3A_5 = arith.constant 0 : i32
    %add3A_6 = arith.addi %mul3A_2, %add3A_5 : i32
    "tpu.region"() ({
      %run_scoped3A = tpu.sem_alloc : memref<!tpu.dma_semaphore, #tpu.memory_space<semaphore_mem>>
      %dma_start3A_58 = tpu.memref_slice %arg3[%add3A_6] : memref<323584xi32, #tpu.memory_space<hbm>> -> memref<128xi32, #tpu.memory_space<hbm>>
      %dma_start3A_59 = tpu.memref_slice %arg3[%add3A_6] : memref<323584xi32, #tpu.memory_space<hbm>> -> memref<128xi32, #tpu.memory_space<hbm>>
      tpu.enqueue_dma source(%dma_start3A_59 : memref<128xi32, #tpu.memory_space<hbm>>) target(%arg8 : memref<128xi32, #tpu.memory_space<vmem>>) target_semaphore(%run_scoped3A : memref<!tpu.dma_semaphore, #tpu.memory_space<semaphore_mem>>)
      %dma_wait3A_60 = tpu.memref_slice %arg3[%add3A_6] : memref<323584xi32, #tpu.memory_space<hbm>> -> memref<128xi32, #tpu.memory_space<hbm>>
      %dma_wait3A_61 = tpu.memref_slice %arg3[%add3A_6] : memref<323584xi32, #tpu.memory_space<hbm>> -> memref<128xi32, #tpu.memory_space<hbm>>
      tpu.wait_dma2 semaphore(%run_scoped3A : memref<!tpu.dma_semaphore, #tpu.memory_space<semaphore_mem>>) src(%dma_wait3A_61 : memref<128xi32, #tpu.memory_space<hbm>>) dst(%arg8 : memref<128xi32, #tpu.memory_space<vmem>>)
      tpu.yield
    }) : () -> ()
    "tpu.region"() ({
      %run_scoped3A = tpu.sem_alloc : memref<!tpu.dma_semaphore, #tpu.memory_space<semaphore_mem>>
      %dma_start3A_58 = tpu.memref_slice %arg4[%add3A_6] : memref<323584xi32, #tpu.memory_space<hbm>> -> memref<128xi32, #tpu.memory_space<hbm>>
      %dma_start3A_59 = tpu.memref_slice %arg4[%add3A_6] : memref<323584xi32, #tpu.memory_space<hbm>> -> memref<128xi32, #tpu.memory_space<hbm>>
      tpu.enqueue_dma source(%dma_start3A_59 : memref<128xi32, #tpu.memory_space<hbm>>) target(%arg10 : memref<128xi32, #tpu.memory_space<vmem>>) target_semaphore(%run_scoped3A : memref<!tpu.dma_semaphore, #tpu.memory_space<semaphore_mem>>)
      %dma_wait3A_60 = tpu.memref_slice %arg4[%add3A_6] : memref<323584xi32, #tpu.memory_space<hbm>> -> memref<128xi32, #tpu.memory_space<hbm>>
      %dma_wait3A_61 = tpu.memref_slice %arg4[%add3A_6] : memref<323584xi32, #tpu.memory_space<hbm>> -> memref<128xi32, #tpu.memory_space<hbm>>
      tpu.wait_dma2 semaphore(%run_scoped3A : memref<!tpu.dma_semaphore, #tpu.memory_space<semaphore_mem>>) src(%dma_wait3A_61 : memref<128xi32, #tpu.memory_space<hbm>>) dst(%arg10 : memref<128xi32, #tpu.memory_space<vmem>>)
      tpu.yield
    }) : () -> ()
    %dma_start3A = arith.constant 0 : i32
    %dma_start3A_7 = arith.constant 0 : i32
    %dma_start3A_8 = tpu.memref_slice %arg2[%dma_start3A, %dma_start3A_7] : memref<10000x128xf32, #tpu.memory_space<hbm>> -> memref<10000x128xf32, #tpu.memory_space<hbm>>
    tpu.enqueue_indirect_dma source(%dma_start3A_8 : memref<10000x128xf32, #tpu.memory_space<hbm>>) target(%arg12 : memref<128x128xf32, #tpu.memory_space<vmem>>) offsets(%arg8 : memref<128xi32, #tpu.memory_space<vmem>>) semaphore(%arg14 : memref<!tpu.dma_semaphore, #tpu.memory_space<semaphore_mem>>)
    %dma_wait3A = arith.constant 0 : i32
    %dma_wait3A_9 = arith.constant 0 : i32
    %dma_wait3A_10 = tpu.memref_slice %arg2[%dma_wait3A, %dma_wait3A_9] : memref<10000x128xf32, #tpu.memory_space<hbm>> -> memref<10000x128xf32, #tpu.memory_space<hbm>>
    tpu.wait_indirect_dma semaphore(%arg14 : memref<!tpu.dma_semaphore, #tpu.memory_space<semaphore_mem>>) src(%dma_wait3A_10 : memref<10000x128xf32, #tpu.memory_space<hbm>>) dst(%arg12 : memref<128x128xf32, #tpu.memory_space<vmem>>)
    %dma_start3A_11 = arith.constant 0 : i32
    %dma_start3A_12 = arith.constant 0 : i32
    %dma_start3A_13 = tpu.memref_slice %arg7[%dma_start3A_11, %dma_start3A_12] : memref<10112x128xf32, #tpu.memory_space<vmem_shared>> -> memref<10112x128xf32, #tpu.memory_space<vmem_shared>>
    tpu.enqueue_indirect_dma source(%arg12 : memref<128x128xf32, #tpu.memory_space<vmem>>) target(%dma_start3A_13 : memref<10112x128xf32, #tpu.memory_space<vmem_shared>>) offsets(%arg10 : memref<128xi32, #tpu.memory_space<vmem>>) semaphore(%arg15 : memref<!tpu.dma_semaphore, #tpu.memory_space<semaphore_mem>>) {add = true}
    %add3A_14 = arith.constant 128 : i32
    %add3A_15 = arith.addi %mul3A_2, %add3A_14 : i32
    "tpu.region"() ({
      %run_scoped3A = tpu.sem_alloc : memref<!tpu.dma_semaphore, #tpu.memory_space<semaphore_mem>>
      %dma_start3A_58 = tpu.memref_slice %arg3[%add3A_15] : memref<323584xi32, #tpu.memory_space<hbm>> -> memref<128xi32, #tpu.memory_space<hbm>>
      %dma_start3A_59 = tpu.memref_slice %arg3[%add3A_15] : memref<323584xi32, #tpu.memory_space<hbm>> -> memref<128xi32, #tpu.memory_space<hbm>>
      tpu.enqueue_dma source(%dma_start3A_59 : memref<128xi32, #tpu.memory_space<hbm>>) target(%arg9 : memref<128xi32, #tpu.memory_space<vmem>>) target_semaphore(%run_scoped3A : memref<!tpu.dma_semaphore, #tpu.memory_space<semaphore_mem>>)
      %dma_wait3A_60 = tpu.memref_slice %arg3[%add3A_15] : memref<323584xi32, #tpu.memory_space<hbm>> -> memref<128xi32, #tpu.memory_space<hbm>>
      %dma_wait3A_61 = tpu.memref_slice %arg3[%add3A_15] : memref<323584xi32, #tpu.memory_space<hbm>> -> memref<128xi32, #tpu.memory_space<hbm>>
      tpu.wait_dma2 semaphore(%run_scoped3A : memref<!tpu.dma_semaphore, #tpu.memory_space<semaphore_mem>>) src(%dma_wait3A_61 : memref<128xi32, #tpu.memory_space<hbm>>) dst(%arg9 : memref<128xi32, #tpu.memory_space<vmem>>)
      tpu.yield
    }) : () -> ()
    "tpu.region"() ({
      %run_scoped3A = tpu.sem_alloc : memref<!tpu.dma_semaphore, #tpu.memory_space<semaphore_mem>>
      %dma_start3A_58 = tpu.memref_slice %arg4[%add3A_15] : memref<323584xi32, #tpu.memory_space<hbm>> -> memref<128xi32, #tpu.memory_space<hbm>>
      %dma_start3A_59 = tpu.memref_slice %arg4[%add3A_15] : memref<323584xi32, #tpu.memory_space<hbm>> -> memref<128xi32, #tpu.memory_space<hbm>>
      tpu.enqueue_dma source(%dma_start3A_59 : memref<128xi32, #tpu.memory_space<hbm>>) target(%arg11 : memref<128xi32, #tpu.memory_space<vmem>>) target_semaphore(%run_scoped3A : memref<!tpu.dma_semaphore, #tpu.memory_space<semaphore_mem>>)
      %dma_wait3A_60 = tpu.memref_slice %arg4[%add3A_15] : memref<323584xi32, #tpu.memory_space<hbm>> -> memref<128xi32, #tpu.memory_space<hbm>>
      %dma_wait3A_61 = tpu.memref_slice %arg4[%add3A_15] : memref<323584xi32, #tpu.memory_space<hbm>> -> memref<128xi32, #tpu.memory_space<hbm>>
      tpu.wait_dma2 semaphore(%run_scoped3A : memref<!tpu.dma_semaphore, #tpu.memory_space<semaphore_mem>>) src(%dma_wait3A_61 : memref<128xi32, #tpu.memory_space<hbm>>) dst(%arg11 : memref<128xi32, #tpu.memory_space<vmem>>)
      tpu.yield
    }) : () -> ()
    %dma_start3A_16 = arith.constant 0 : i32
    %dma_start3A_17 = arith.constant 0 : i32
    %dma_start3A_18 = tpu.memref_slice %arg2[%dma_start3A_16, %dma_start3A_17] : memref<10000x128xf32, #tpu.memory_space<hbm>> -> memref<10000x128xf32, #tpu.memory_space<hbm>>
    tpu.enqueue_indirect_dma source(%dma_start3A_18 : memref<10000x128xf32, #tpu.memory_space<hbm>>) target(%arg13 : memref<128x128xf32, #tpu.memory_space<vmem>>) offsets(%arg9 : memref<128xi32, #tpu.memory_space<vmem>>) semaphore(%arg14 : memref<!tpu.dma_semaphore, #tpu.memory_space<semaphore_mem>>)
    %dma_wait3A_19 = arith.constant 0 : i32
    %dma_wait3A_20 = arith.constant 0 : i32
    %dma_wait3A_21 = tpu.memref_slice %arg2[%dma_wait3A_19, %dma_wait3A_20] : memref<10000x128xf32, #tpu.memory_space<hbm>> -> memref<10000x128xf32, #tpu.memory_space<hbm>>
    tpu.wait_indirect_dma semaphore(%arg14 : memref<!tpu.dma_semaphore, #tpu.memory_space<semaphore_mem>>) src(%dma_wait3A_21 : memref<10000x128xf32, #tpu.memory_space<hbm>>) dst(%arg13 : memref<128x128xf32, #tpu.memory_space<vmem>>)
    %dma_start3A_22 = arith.constant 0 : i32
    %dma_start3A_23 = arith.constant 0 : i32
    %dma_start3A_24 = tpu.memref_slice %arg7[%dma_start3A_22, %dma_start3A_23] : memref<10112x128xf32, #tpu.memory_space<vmem_shared>> -> memref<10112x128xf32, #tpu.memory_space<vmem_shared>>
    tpu.enqueue_indirect_dma source(%arg13 : memref<128x128xf32, #tpu.memory_space<vmem>>) target(%dma_start3A_24 : memref<10112x128xf32, #tpu.memory_space<vmem_shared>>) offsets(%arg11 : memref<128xi32, #tpu.memory_space<vmem>>) semaphore(%arg16 : memref<!tpu.dma_semaphore, #tpu.memory_space<semaphore_mem>>) {add = true}
    %scan3A = arith.constant 0 : i32
    %scan3A_25 = arith.constant 1 : i32
    %scan3A_26 = arith.constant 38 : i32
    %scan3A_27 = arith.addi %scan3A_25, %scan3A_26 : i32
    %scan3A_28 = arith.constant 1 : i32
    scf.for %scan3A_58 = %scan3A_25 to %scan3A_27 step %scan3A_28  : i32 {
      %dma_wait3A_59 = arith.constant 0 : i32
      %dma_wait3A_60 = arith.constant 0 : i32
      %dma_wait3A_61 = tpu.memref_slice %arg7[%dma_wait3A_59, %dma_wait3A_60] : memref<10112x128xf32, #tpu.memory_space<vmem_shared>> -> memref<10112x128xf32, #tpu.memory_space<vmem_shared>>
      tpu.wait_indirect_dma semaphore(%arg15 : memref<!tpu.dma_semaphore, #tpu.memory_space<semaphore_mem>>) src(%arg12 : memref<128x128xf32, #tpu.memory_space<vmem>>) dst(%dma_wait3A_61 : memref<10112x128xf32, #tpu.memory_space<vmem_shared>>)
      %mul3A_62 = arith.constant 2 : i32
      %mul3A_63 = arith.muli %scan3A_58, %mul3A_62 : i32
      %add3A_64 = arith.constant 0 : i32
      %add3A_65 = arith.addi %mul3A_63, %add3A_64 : i32
      %mul3A_66 = arith.constant 128 : i32
      %mul3A_67 = arith.muli %add3A_65, %mul3A_66 : i32
      %add3A_68 = arith.addi %mul3A_2, %mul3A_67 : i32
      "tpu.region"() ({
        %run_scoped3A = tpu.sem_alloc : memref<!tpu.dma_semaphore, #tpu.memory_space<semaphore_mem>>
        %dma_start3A_97 = tpu.memref_slice %arg3[%add3A_68] : memref<323584xi32, #tpu.memory_space<hbm>> -> memref<128xi32, #tpu.memory_space<hbm>>
        %dma_start3A_98 = tpu.memref_slice %arg3[%add3A_68] : memref<323584xi32, #tpu.memory_space<hbm>> -> memref<128xi32, #tpu.memory_space<hbm>>
        tpu.enqueue_dma source(%dma_start3A_98 : memref<128xi32, #tpu.memory_space<hbm>>) target(%arg8 : memref<128xi32, #tpu.memory_space<vmem>>) target_semaphore(%run_scoped3A : memref<!tpu.dma_semaphore, #tpu.memory_space<semaphore_mem>>)
        %dma_wait3A_99 = tpu.memref_slice %arg3[%add3A_68] : memref<323584xi32, #tpu.memory_space<hbm>> -> memref<128xi32, #tpu.memory_space<hbm>>
        %dma_wait3A_100 = tpu.memref_slice %arg3[%add3A_68] : memref<323584xi32, #tpu.memory_space<hbm>> -> memref<128xi32, #tpu.memory_space<hbm>>
        tpu.wait_dma2 semaphore(%run_scoped3A : memref<!tpu.dma_semaphore, #tpu.memory_space<semaphore_mem>>) src(%dma_wait3A_100 : memref<128xi32, #tpu.memory_space<hbm>>) dst(%arg8 : memref<128xi32, #tpu.memory_space<vmem>>)
        tpu.yield
      }) : () -> ()
      "tpu.region"() ({
        %run_scoped3A = tpu.sem_alloc : memref<!tpu.dma_semaphore, #tpu.memory_space<semaphore_mem>>
        %dma_start3A_97 = tpu.memref_slice %arg4[%add3A_68] : memref<323584xi32, #tpu.memory_space<hbm>> -> memref<128xi32, #tpu.memory_space<hbm>>
        %dma_start3A_98 = tpu.memref_slice %arg4[%add3A_68] : memref<323584xi32, #tpu.memory_space<hbm>> -> memref<128xi32, #tpu.memory_space<hbm>>
        tpu.enqueue_dma source(%dma_start3A_98 : memref<128xi32, #tpu.memory_space<hbm>>) target(%arg10 : memref<128xi32, #tpu.memory_space<vmem>>) target_semaphore(%run_scoped3A : memref<!tpu.dma_semaphore, #tpu.memory_space<semaphore_mem>>)
        %dma_wait3A_99 = tpu.memref_slice %arg4[%add3A_68] : memref<323584xi32, #tpu.memory_space<hbm>> -> memref<128xi32, #tpu.memory_space<hbm>>
        %dma_wait3A_100 = tpu.memref_slice %arg4[%add3A_68] : memref<323584xi32, #tpu.memory_space<hbm>> -> memref<128xi32, #tpu.memory_space<hbm>>
        tpu.wait_dma2 semaphore(%run_scoped3A : memref<!tpu.dma_semaphore, #tpu.memory_space<semaphore_mem>>) src(%dma_wait3A_100 : memref<128xi32, #tpu.memory_space<hbm>>) dst(%arg10 : memref<128xi32, #tpu.memory_space<vmem>>)
        tpu.yield
      }) : () -> ()
      %dma_start3A_69 = arith.constant 0 : i32
      %dma_start3A_70 = arith.constant 0 : i32
      %dma_start3A_71 = tpu.memref_slice %arg2[%dma_start3A_69, %dma_start3A_70] : memref<10000x128xf32, #tpu.memory_space<hbm>> -> memref<10000x128xf32, #tpu.memory_space<hbm>>
      tpu.enqueue_indirect_dma source(%dma_start3A_71 : memref<10000x128xf32, #tpu.memory_space<hbm>>) target(%arg12 : memref<128x128xf32, #tpu.memory_space<vmem>>) offsets(%arg8 : memref<128xi32, #tpu.memory_space<vmem>>) semaphore(%arg14 : memref<!tpu.dma_semaphore, #tpu.memory_space<semaphore_mem>>)
      %dma_wait3A_72 = arith.constant 0 : i32
      %dma_wait3A_73 = arith.constant 0 : i32
      %dma_wait3A_74 = tpu.memref_slice %arg2[%dma_wait3A_72, %dma_wait3A_73] : memref<10000x128xf32, #tpu.memory_space<hbm>> -> memref<10000x128xf32, #tpu.memory_space<hbm>>
      tpu.wait_indirect_dma semaphore(%arg14 : memref<!tpu.dma_semaphore, #tpu.memory_space<semaphore_mem>>) src(%dma_wait3A_74 : memref<10000x128xf32, #tpu.memory_space<hbm>>) dst(%arg12 : memref<128x128xf32, #tpu.memory_space<vmem>>)
      %dma_start3A_75 = arith.constant 0 : i32
      %dma_start3A_76 = arith.constant 0 : i32
      %dma_start3A_77 = tpu.memref_slice %arg7[%dma_start3A_75, %dma_start3A_76] : memref<10112x128xf32, #tpu.memory_space<vmem_shared>> -> memref<10112x128xf32, #tpu.memory_space<vmem_shared>>
      tpu.enqueue_indirect_dma source(%arg12 : memref<128x128xf32, #tpu.memory_space<vmem>>) target(%dma_start3A_77 : memref<10112x128xf32, #tpu.memory_space<vmem_shared>>) offsets(%arg10 : memref<128xi32, #tpu.memory_space<vmem>>) semaphore(%arg15 : memref<!tpu.dma_semaphore, #tpu.memory_space<semaphore_mem>>) {add = true}
      %dma_wait3A_78 = arith.constant 0 : i32
      %dma_wait3A_79 = arith.constant 0 : i32
      %dma_wait3A_80 = tpu.memref_slice %arg7[%dma_wait3A_78, %dma_wait3A_79] : memref<10112x128xf32, #tpu.memory_space<vmem_shared>> -> memref<10112x128xf32, #tpu.memory_space<vmem_shared>>
      tpu.wait_indirect_dma semaphore(%arg16 : memref<!tpu.dma_semaphore, #tpu.memory_space<semaphore_mem>>) src(%arg13 : memref<128x128xf32, #tpu.memory_space<vmem>>) dst(%dma_wait3A_80 : memref<10112x128xf32, #tpu.memory_space<vmem_shared>>)
      %mul3A_81 = arith.constant 2 : i32
      %mul3A_82 = arith.muli %scan3A_58, %mul3A_81 : i32
      %add3A_83 = arith.constant 1 : i32
      %add3A_84 = arith.addi %mul3A_82, %add3A_83 : i32
      %mul3A_85 = arith.constant 128 : i32
      %mul3A_86 = arith.muli %add3A_84, %mul3A_85 : i32
      %add3A_87 = arith.addi %mul3A_2, %mul3A_86 : i32
      "tpu.region"() ({
        %run_scoped3A = tpu.sem_alloc : memref<!tpu.dma_semaphore, #tpu.memory_space<semaphore_mem>>
        %dma_start3A_97 = tpu.memref_slice %arg3[%add3A_87] : memref<323584xi32, #tpu.memory_space<hbm>> -> memref<128xi32, #tpu.memory_space<hbm>>
        %dma_start3A_98 = tpu.memref_slice %arg3[%add3A_87] : memref<323584xi32, #tpu.memory_space<hbm>> -> memref<128xi32, #tpu.memory_space<hbm>>
        tpu.enqueue_dma source(%dma_start3A_98 : memref<128xi32, #tpu.memory_space<hbm>>) target(%arg9 : memref<128xi32, #tpu.memory_space<vmem>>) target_semaphore(%run_scoped3A : memref<!tpu.dma_semaphore, #tpu.memory_space<semaphore_mem>>)
        %dma_wait3A_99 = tpu.memref_slice %arg3[%add3A_87] : memref<323584xi32, #tpu.memory_space<hbm>> -> memref<128xi32, #tpu.memory_space<hbm>>
        %dma_wait3A_100 = tpu.memref_slice %arg3[%add3A_87] : memref<323584xi32, #tpu.memory_space<hbm>> -> memref<128xi32, #tpu.memory_space<hbm>>
        tpu.wait_dma2 semaphore(%run_scoped3A : memref<!tpu.dma_semaphore, #tpu.memory_space<semaphore_mem>>) src(%dma_wait3A_100 : memref<128xi32, #tpu.memory_space<hbm>>) dst(%arg9 : memref<128xi32, #tpu.memory_space<vmem>>)
        tpu.yield
      }) : () -> ()
      "tpu.region"() ({
        %run_scoped3A = tpu.sem_alloc : memref<!tpu.dma_semaphore, #tpu.memory_space<semaphore_mem>>
        %dma_start3A_97 = tpu.memref_slice %arg4[%add3A_87] : memref<323584xi32, #tpu.memory_space<hbm>> -> memref<128xi32, #tpu.memory_space<hbm>>
        %dma_start3A_98 = tpu.memref_slice %arg4[%add3A_87] : memref<323584xi32, #tpu.memory_space<hbm>> -> memref<128xi32, #tpu.memory_space<hbm>>
        tpu.enqueue_dma source(%dma_start3A_98 : memref<128xi32, #tpu.memory_space<hbm>>) target(%arg11 : memref<128xi32, #tpu.memory_space<vmem>>) target_semaphore(%run_scoped3A : memref<!tpu.dma_semaphore, #tpu.memory_space<semaphore_mem>>)
        %dma_wait3A_99 = tpu.memref_slice %arg4[%add3A_87] : memref<323584xi32, #tpu.memory_space<hbm>> -> memref<128xi32, #tpu.memory_space<hbm>>
        %dma_wait3A_100 = tpu.memref_slice %arg4[%add3A_87] : memref<323584xi32, #tpu.memory_space<hbm>> -> memref<128xi32, #tpu.memory_space<hbm>>
        tpu.wait_dma2 semaphore(%run_scoped3A : memref<!tpu.dma_semaphore, #tpu.memory_space<semaphore_mem>>) src(%dma_wait3A_100 : memref<128xi32, #tpu.memory_space<hbm>>) dst(%arg11 : memref<128xi32, #tpu.memory_space<vmem>>)
        tpu.yield
      }) : () -> ()
      %dma_start3A_88 = arith.constant 0 : i32
      %dma_start3A_89 = arith.constant 0 : i32
      %dma_start3A_90 = tpu.memref_slice %arg2[%dma_start3A_88, %dma_start3A_89] : memref<10000x128xf32, #tpu.memory_space<hbm>> -> memref<10000x128xf32, #tpu.memory_space<hbm>>
      tpu.enqueue_indirect_dma source(%dma_start3A_90 : memref<10000x128xf32, #tpu.memory_space<hbm>>) target(%arg13 : memref<128x128xf32, #tpu.memory_space<vmem>>) offsets(%arg9 : memref<128xi32, #tpu.memory_space<vmem>>) semaphore(%arg14 : memref<!tpu.dma_semaphore, #tpu.memory_space<semaphore_mem>>)
      %dma_wait3A_91 = arith.constant 0 : i32
      %dma_wait3A_92 = arith.constant 0 : i32
      %dma_wait3A_93 = tpu.memref_slice %arg2[%dma_wait3A_91, %dma_wait3A_92] : memref<10000x128xf32, #tpu.memory_space<hbm>> -> memref<10000x128xf32, #tpu.memory_space<hbm>>
      tpu.wait_indirect_dma semaphore(%arg14 : memref<!tpu.dma_semaphore, #tpu.memory_space<semaphore_mem>>) src(%dma_wait3A_93 : memref<10000x128xf32, #tpu.memory_space<hbm>>) dst(%arg13 : memref<128x128xf32, #tpu.memory_space<vmem>>)
      %dma_start3A_94 = arith.constant 0 : i32
      %dma_start3A_95 = arith.constant 0 : i32
      %dma_start3A_96 = tpu.memref_slice %arg7[%dma_start3A_94, %dma_start3A_95] : memref<10112x128xf32, #tpu.memory_space<vmem_shared>> -> memref<10112x128xf32, #tpu.memory_space<vmem_shared>>
      tpu.enqueue_indirect_dma source(%arg13 : memref<128x128xf32, #tpu.memory_space<vmem>>) target(%dma_start3A_96 : memref<10112x128xf32, #tpu.memory_space<vmem_shared>>) offsets(%arg11 : memref<128xi32, #tpu.memory_space<vmem>>) semaphore(%arg16 : memref<!tpu.dma_semaphore, #tpu.memory_space<semaphore_mem>>) {add = true}
    }
    %scan3A_29 = arith.constant 38 : i32
    %dma_wait3A_30 = arith.constant 0 : i32
    %dma_wait3A_31 = arith.constant 0 : i32
    %dma_wait3A_32 = tpu.memref_slice %arg7[%dma_wait3A_30, %dma_wait3A_31] : memref<10112x128xf32, #tpu.memory_space<vmem_shared>> -> memref<10112x128xf32, #tpu.memory_space<vmem_shared>>
    tpu.wait_indirect_dma semaphore(%arg15 : memref<!tpu.dma_semaphore, #tpu.memory_space<semaphore_mem>>) src(%arg12 : memref<128x128xf32, #tpu.memory_space<vmem>>) dst(%dma_wait3A_32 : memref<10112x128xf32, #tpu.memory_space<vmem_shared>>)
    %add3A_33 = arith.constant 9984 : i32
    %add3A_34 = arith.addi %mul3A_2, %add3A_33 : i32
    "tpu.region"() ({
      %run_scoped3A = tpu.sem_alloc : memref<!tpu.dma_semaphore, #tpu.memory_space<semaphore_mem>>
      %dma_start3A_58 = tpu.memref_slice %arg3[%add3A_34] : memref<323584xi32, #tpu.memory_space<hbm>> -> memref<128xi32, #tpu.memory_space<hbm>>
      %dma_start3A_59 = tpu.memref_slice %arg3[%add3A_34] : memref<323584xi32, #tpu.memory_space<hbm>> -> memref<128xi32, #tpu.memory_space<hbm>>
      tpu.enqueue_dma source(%dma_start3A_59 : memref<128xi32, #tpu.memory_space<hbm>>) target(%arg8 : memref<128xi32, #tpu.memory_space<vmem>>) target_semaphore(%run_scoped3A : memref<!tpu.dma_semaphore, #tpu.memory_space<semaphore_mem>>)
      %dma_wait3A_60 = tpu.memref_slice %arg3[%add3A_34] : memref<323584xi32, #tpu.memory_space<hbm>> -> memref<128xi32, #tpu.memory_space<hbm>>
      %dma_wait3A_61 = tpu.memref_slice %arg3[%add3A_34] : memref<323584xi32, #tpu.memory_space<hbm>> -> memref<128xi32, #tpu.memory_space<hbm>>
      tpu.wait_dma2 semaphore(%run_scoped3A : memref<!tpu.dma_semaphore, #tpu.memory_space<semaphore_mem>>) src(%dma_wait3A_61 : memref<128xi32, #tpu.memory_space<hbm>>) dst(%arg8 : memref<128xi32, #tpu.memory_space<vmem>>)
      tpu.yield
    }) : () -> ()
    "tpu.region"() ({
      %run_scoped3A = tpu.sem_alloc : memref<!tpu.dma_semaphore, #tpu.memory_space<semaphore_mem>>
      %dma_start3A_58 = tpu.memref_slice %arg4[%add3A_34] : memref<323584xi32, #tpu.memory_space<hbm>> -> memref<128xi32, #tpu.memory_space<hbm>>
      %dma_start3A_59 = tpu.memref_slice %arg4[%add3A_34] : memref<323584xi32, #tpu.memory_space<hbm>> -> memref<128xi32, #tpu.memory_space<hbm>>
      tpu.enqueue_dma source(%dma_start3A_59 : memref<128xi32, #tpu.memory_space<hbm>>) target(%arg10 : memref<128xi32, #tpu.memory_space<vmem>>) target_semaphore(%run_scoped3A : memref<!tpu.dma_semaphore, #tpu.memory_space<semaphore_mem>>)
      %dma_wait3A_60 = tpu.memref_slice %arg4[%add3A_34] : memref<323584xi32, #tpu.memory_space<hbm>> -> memref<128xi32, #tpu.memory_space<hbm>>
      %dma_wait3A_61 = tpu.memref_slice %arg4[%add3A_34] : memref<323584xi32, #tpu.memory_space<hbm>> -> memref<128xi32, #tpu.memory_space<hbm>>
      tpu.wait_dma2 semaphore(%run_scoped3A : memref<!tpu.dma_semaphore, #tpu.memory_space<semaphore_mem>>) src(%dma_wait3A_61 : memref<128xi32, #tpu.memory_space<hbm>>) dst(%arg10 : memref<128xi32, #tpu.memory_space<vmem>>)
      tpu.yield
    }) : () -> ()
    %dma_start3A_35 = arith.constant 0 : i32
    %dma_start3A_36 = arith.constant 0 : i32
    %dma_start3A_37 = tpu.memref_slice %arg2[%dma_start3A_35, %dma_start3A_36] : memref<10000x128xf32, #tpu.memory_space<hbm>> -> memref<10000x128xf32, #tpu.memory_space<hbm>>
    tpu.enqueue_indirect_dma source(%dma_start3A_37 : memref<10000x128xf32, #tpu.memory_space<hbm>>) target(%arg12 : memref<128x128xf32, #tpu.memory_space<vmem>>) offsets(%arg8 : memref<128xi32, #tpu.memory_space<vmem>>) semaphore(%arg14 : memref<!tpu.dma_semaphore, #tpu.memory_space<semaphore_mem>>)
    %dma_wait3A_38 = arith.constant 0 : i32
    %dma_wait3A_39 = arith.constant 0 : i32
    %dma_wait3A_40 = tpu.memref_slice %arg2[%dma_wait3A_38, %dma_wait3A_39] : memref<10000x128xf32, #tpu.memory_space<hbm>> -> memref<10000x128xf32, #tpu.memory_space<hbm>>
    tpu.wait_indirect_dma semaphore(%arg14 : memref<!tpu.dma_semaphore, #tpu.memory_space<semaphore_mem>>) src(%dma_wait3A_40 : memref<10000x128xf32, #tpu.memory_space<hbm>>) dst(%arg12 : memref<128x128xf32, #tpu.memory_space<vmem>>)
    %dma_start3A_41 = arith.constant 0 : i32
    %dma_start3A_42 = arith.constant 0 : i32
    %dma_start3A_43 = tpu.memref_slice %arg7[%dma_start3A_41, %dma_start3A_42] : memref<10112x128xf32, #tpu.memory_space<vmem_shared>> -> memref<10112x128xf32, #tpu.memory_space<vmem_shared>>
    tpu.enqueue_indirect_dma source(%arg12 : memref<128x128xf32, #tpu.memory_space<vmem>>) target(%dma_start3A_43 : memref<10112x128xf32, #tpu.memory_space<vmem_shared>>) offsets(%arg10 : memref<128xi32, #tpu.memory_space<vmem>>) semaphore(%arg15 : memref<!tpu.dma_semaphore, #tpu.memory_space<semaphore_mem>>) {add = true}
    %dma_wait3A_44 = arith.constant 0 : i32
    %dma_wait3A_45 = arith.constant 0 : i32
    %dma_wait3A_46 = tpu.memref_slice %arg7[%dma_wait3A_44, %dma_wait3A_45] : memref<10112x128xf32, #tpu.memory_space<vmem_shared>> -> memref<10112x128xf32, #tpu.memory_space<vmem_shared>>
    tpu.wait_indirect_dma semaphore(%arg15 : memref<!tpu.dma_semaphore, #tpu.memory_space<semaphore_mem>>) src(%arg12 : memref<128x128xf32, #tpu.memory_space<vmem>>) dst(%dma_wait3A_46 : memref<10112x128xf32, #tpu.memory_space<vmem_shared>>)
    %dma_wait3A_47 = arith.constant 0 : i32
    %dma_wait3A_48 = arith.constant 0 : i32
    %dma_wait3A_49 = tpu.memref_slice %arg7[%dma_wait3A_47, %dma_wait3A_48] : memref<10112x128xf32, #tpu.memory_space<vmem_shared>> -> memref<10112x128xf32, #tpu.memory_space<vmem_shared>>
    tpu.wait_indirect_dma semaphore(%arg16 : memref<!tpu.dma_semaphore, #tpu.memory_space<semaphore_mem>>) src(%arg13 : memref<128x128xf32, #tpu.memory_space<vmem>>) dst(%dma_wait3A_49 : memref<10112x128xf32, #tpu.memory_space<vmem_shared>>)
    %barrier3A_50 = arith.constant 0 : index
    tpu.barrier barrier_id(%barrier3A_50)
    %mul3A_51 = arith.constant 632 : i32
    %mul3A_52 = arith.muli %arg1, %mul3A_51 : i32
    %mul3A_53 = arith.constant 10112 : i32
    %mul3A_54 = arith.muli %arg0, %mul3A_53 : i32
    %mul3A_55 = arith.constant 632 : i32
    %mul3A_56 = arith.muli %arg1, %mul3A_55 : i32
    %add3A_57 = arith.addi %mul3A_54, %mul3A_56 : i32
    "tpu.region"() ({
      %run_scoped3A = tpu.sem_alloc : memref<!tpu.dma_semaphore, #tpu.memory_space<semaphore_mem>>
      %dma_start3A_58 = arith.constant 0 : i32
      %dma_start3A_59 = tpu.memref_slice %arg6[%add3A_57, %dma_start3A_58] : memref<20224x128xf32, #tpu.memory_space<hbm>> -> memref<632x128xf32, #tpu.memory_space<hbm>>
      %dma_start3A_60 = arith.constant 0 : i32
      %dma_start3A_61 = tpu.memref_slice %arg7[%mul3A_52, %dma_start3A_60] : memref<10112x128xf32, #tpu.memory_space<vmem_shared>> -> memref<632x128xf32, #tpu.memory_space<vmem_shared>>
      tpu.enqueue_dma source(%dma_start3A_61 : memref<632x128xf32, #tpu.memory_space<vmem_shared>>) target(%dma_start3A_59 : memref<632x128xf32, #tpu.memory_space<hbm>>) target_semaphore(%run_scoped3A : memref<!tpu.dma_semaphore, #tpu.memory_space<semaphore_mem>>)
      %dma_wait3A_62 = arith.constant 0 : i32
      %dma_wait3A_63 = tpu.memref_slice %arg6[%add3A_57, %dma_wait3A_62] : memref<20224x128xf32, #tpu.memory_space<hbm>> -> memref<632x128xf32, #tpu.memory_space<hbm>>
      %dma_wait3A_64 = arith.constant 0 : i32
      %dma_wait3A_65 = tpu.memref_slice %arg7[%mul3A_52, %dma_wait3A_64] : memref<10112x128xf32, #tpu.memory_space<vmem_shared>> -> memref<632x128xf32, #tpu.memory_space<vmem_shared>>
      tpu.wait_dma2 semaphore(%run_scoped3A : memref<!tpu.dma_semaphore, #tpu.memory_space<semaphore_mem>>) src(%dma_wait3A_65 : memref<632x128xf32, #tpu.memory_space<vmem_shared>>) dst(%dma_wait3A_63 : memref<632x128xf32, #tpu.memory_space<hbm>>)
      tpu.yield
    }) : () -> ()
    return
  }
}

module attributes {stable_mosaic.version = 14 : i64} {
  func.func @_fc0_body(%arg0: i32, %arg1: memref<2000x128xf32, #tpu.memory_space<vmem>>, %arg2: memref<128x128xf32, #tpu.memory_space<vmem>>, %arg3: memref<1x128xf32, #tpu.memory_space<vmem>>, %arg4: memref<2000x128xf32, #tpu.memory_space<vmem>>) attributes {dimension_semantics = [#tpu.dimension_semantics<arbitrary>], iteration_bounds = array<i64: 5>, scalar_prefetch = 0 : i64, scratch_operands = 0 : i64, tpu.core_type = #tpu.core_type<tc>, window_params = [{transform_indices = @transform_0, window_bounds = array<i64: 2000, 128>}, {pipeline_mode = #tpu.pipeline_mode<synchronous>, transform_indices = @transform_1, window_bounds = array<i64: 128, 128>}, {pipeline_mode = #tpu.pipeline_mode<synchronous>, transform_indices = @transform_2, window_bounds = array<i64: 1, 128>}, {transform_indices = @transform_3, window_bounds = array<i64: 2000, 128>}]} {
    %get3A = arith.constant 0 : index
    %get3A_0 = arith.constant 0 : index
    %get3A_1 = vector.load %arg1[%get3A, %get3A_0] : memref<2000x128xf32, #tpu.memory_space<vmem>>, vector<2000x128xf32>
    %get3A_2 = arith.constant 0 : index
    %get3A_3 = arith.constant 0 : index
    %get3A_4 = vector.load %arg2[%get3A_2, %get3A_3] : memref<128x128xf32, #tpu.memory_space<vmem>>, vector<128x128xf32>
    %dot_general3A = arith.constant dense<0.000000e+00> : vector<2000x128xf32>
    %dot_general3A_5 = tpu.matmul %get3A_1, %get3A_4, %dot_general3A {dimension_numbers = #tpu.dot_dimension_numbers<[1], [0], [0], [1], [0, 0, 1, 1], [], []>, transpose_lhs_hint = false} : vector<2000x128xf32>, vector<128x128xf32>, vector<2000x128xf32> -> vector<2000x128xf32>
    %get3A_6 = arith.constant 0 : index
    %get3A_7 = arith.constant 0 : index
    %get3A_8 = vector.load %arg3[%get3A_6, %get3A_7] : memref<1x128xf32, #tpu.memory_space<vmem>>, vector<1x128xf32>
    %add3A = vector.broadcast %get3A_8 : vector<1x128xf32> to vector<2000x128xf32>
    %add3A_9 = arith.addf %dot_general3A_5, %add3A : vector<2000x128xf32>
    %max3A = arith.constant 0.000000e+00 : f32
    %max3A_10 = vector.broadcast %max3A : f32 to vector<2000x128xf32>
    %max3A_11 = arith.maximumf %add3A_9, %max3A_10 : vector<2000x128xf32>
    %swap3A = arith.constant 0 : index
    %swap3A_12 = arith.constant 0 : index
    %swap3A_13 = vector.load %arg4[%swap3A, %swap3A_12] : memref<2000x128xf32, #tpu.memory_space<vmem>>, vector<2000x128xf32>
    tpu.vector_store %arg4[%swap3A, %swap3A_12], %max3A_11 {strides = array<i32>} : memref<2000x128xf32, #tpu.memory_space<vmem>>, vector<2000x128xf32>,
    return
  }
  func.func @transform_0(%arg0: i32) -> (i32, i32) {
    %c0_i32 = arith.constant 0 : i32
    %c0_i32_0 = arith.constant 0 : i32
    return %arg0, %c0_i32 : i32, i32
  }
  func.func @transform_1(%arg0: i32) -> (i32, i32) {
    %c0_i32 = arith.constant 0 : i32
    %c0_i32_0 = arith.constant 0 : i32
    %c0_i32_1 = arith.constant 0 : i32
    return %c0_i32, %c0_i32_0 : i32, i32
  }
  func.func @transform_2(%arg0: i32) -> (i32, i32) {
    %c0_i32 = arith.constant 0 : i32
    %c0_i32_0 = arith.constant 0 : i32
    %c0_i32_1 = arith.constant 0 : i32
    return %c0_i32, %c0_i32_0 : i32, i32
  }
  func.func @transform_3(%arg0: i32) -> (i32, i32) {
    %c0_i32 = arith.constant 0 : i32
    %c0_i32_0 = arith.constant 0 : i32
    return %arg0, %c0_i32 : i32, i32
  }
}

module attributes {stable_mosaic.version = 14 : i64} {
  func.func @_layer_body(%arg0: i32, %arg1: memref<1xf32, #tpu.memory_space<smem>>, %arg2: memref<2000x128xf32, #tpu.memory_space<vmem>>, %arg3: memref<2000x128xf32, #tpu.memory_space<vmem>>, %arg4: memref<2000x128xf32, #tpu.memory_space<vmem>>, %arg5: memref<2000x1xf32, #tpu.memory_space<vmem>>, %arg6: memref<128x128xf32, #tpu.memory_space<vmem>>, %arg7: memref<1x128xf32, #tpu.memory_space<vmem>>, %arg8: memref<2000x128xf32, #tpu.memory_space<vmem>>) attributes {dimension_semantics = [#tpu.dimension_semantics<arbitrary>], iteration_bounds = array<i64: 5>, scalar_prefetch = 0 : i64, scratch_operands = 0 : i64, tpu.core_type = #tpu.core_type<tc>, window_params = [{transform_indices = @transform_0, window_bounds = array<i64: 1>}, {transform_indices = @transform_1, window_bounds = array<i64: 2000, 128>}, {transform_indices = @transform_2, window_bounds = array<i64: 2000, 128>}, {transform_indices = @transform_3, window_bounds = array<i64: 2000, 128>}, {transform_indices = @transform_4, window_bounds = array<i64: 2000, 1>}, {pipeline_mode = #tpu.pipeline_mode<synchronous>, transform_indices = @transform_5, window_bounds = array<i64: 128, 128>}, {pipeline_mode = #tpu.pipeline_mode<synchronous>, transform_indices = @transform_6, window_bounds = array<i64: 1, 128>}, {transform_indices = @transform_7, window_bounds = array<i64: 2000, 128>}]} {
    %get3A = arith.constant 0 : index
    %get3A_0 = arith.constant 0 : index
    %get3A_1 = vector.load %arg3[%get3A, %get3A_0] : memref<2000x128xf32, #tpu.memory_space<vmem>>, vector<2000x128xf32>
    %get3A_2 = arith.constant 0 : index
    %get3A_3 = arith.constant 0 : index
    %get3A_4 = vector.load %arg4[%get3A_2, %get3A_3] : memref<2000x128xf32, #tpu.memory_space<vmem>>, vector<2000x128xf32>
    %add3A = arith.addf %get3A_1, %get3A_4 : vector<2000x128xf32>
    %get3A_5 = arith.constant 0 : index
    %get3A_6 = arith.constant 0 : index
    %get3A_7 = vector.load %arg5[%get3A_5, %get3A_6] : memref<2000x1xf32, #tpu.memory_space<vmem>>, vector<2000x1xf32>
    %mul3A = vector.broadcast %get3A_7 : vector<2000x1xf32> to vector<2000x128xf32>
    %mul3A_8 = arith.mulf %add3A, %mul3A : vector<2000x128xf32>
    %get3A_9 = arith.constant 0 : index
    %get3A_10 = memref.load %arg1[%get3A_9] : memref<1xf32, #tpu.memory_space<smem>>
    %add3A_11 = arith.constant 1.000000e+00 : f32
    %add3A_12 = arith.addf %add3A_11, %get3A_10 : f32
    %get3A_13 = arith.constant 0 : index
    %get3A_14 = arith.constant 0 : index
    %get3A_15 = vector.load %arg2[%get3A_13, %get3A_14] : memref<2000x128xf32, #tpu.memory_space<vmem>>, vector<2000x128xf32>
    %mul3A_16 = vector.broadcast %add3A_12 : f32 to vector<2000x128xf32>
    %mul3A_17 = arith.mulf %mul3A_16, %get3A_15 : vector<2000x128xf32>
    %add3A_18 = arith.addf %mul3A_17, %mul3A_8 : vector<2000x128xf32>
    %get3A_19 = arith.constant 0 : index
    %get3A_20 = arith.constant 0 : index
    %get3A_21 = vector.load %arg6[%get3A_19, %get3A_20] : memref<128x128xf32, #tpu.memory_space<vmem>>, vector<128x128xf32>
    %dot_general3A = arith.constant dense<0.000000e+00> : vector<2000x128xf32>
    %dot_general3A_22 = tpu.matmul %add3A_18, %get3A_21, %dot_general3A {dimension_numbers = #tpu.dot_dimension_numbers<[1], [0], [0], [1], [0, 0, 1, 1], [], []>, transpose_lhs_hint = false} : vector<2000x128xf32>, vector<128x128xf32>, vector<2000x128xf32> -> vector<2000x128xf32>
    %get3A_23 = arith.constant 0 : index
    %get3A_24 = arith.constant 0 : index
    %get3A_25 = vector.load %arg7[%get3A_23, %get3A_24] : memref<1x128xf32, #tpu.memory_space<vmem>>, vector<1x128xf32>
    %add3A_26 = vector.broadcast %get3A_25 : vector<1x128xf32> to vector<2000x128xf32>
    %add3A_27 = arith.addf %dot_general3A_22, %add3A_26 : vector<2000x128xf32>
    %max3A = arith.constant 0.000000e+00 : f32
    %max3A_28 = vector.broadcast %max3A : f32 to vector<2000x128xf32>
    %max3A_29 = arith.maximumf %add3A_27, %max3A_28 : vector<2000x128xf32>
    %swap3A = arith.constant 0 : index
    %swap3A_30 = arith.constant 0 : index
    %swap3A_31 = vector.load %arg8[%swap3A, %swap3A_30] : memref<2000x128xf32, #tpu.memory_space<vmem>>, vector<2000x128xf32>
    tpu.vector_store %arg8[%swap3A, %swap3A_30], %max3A_29 {strides = array<i32>} : memref<2000x128xf32, #tpu.memory_space<vmem>>, vector<2000x128xf32>,
    return
  }
  func.func @transform_0(%arg0: i32) -> i32 {
    %c0_i32 = arith.constant 0 : i32
    %c0_i32_0 = arith.constant 0 : i32
    return %c0_i32 : i32
  }
  func.func @transform_1(%arg0: i32) -> (i32, i32) {
    %c0_i32 = arith.constant 0 : i32
    %c0_i32_0 = arith.constant 0 : i32
    return %arg0, %c0_i32 : i32, i32
  }
  func.func @transform_2(%arg0: i32) -> (i32, i32) {
    %c0_i32 = arith.constant 0 : i32
    %c0_i32_0 = arith.constant 0 : i32
    return %arg0, %c0_i32 : i32, i32
  }
  func.func @transform_3(%arg0: i32) -> (i32, i32) {
    %c0_i32 = arith.constant 0 : i32
    %c0_i32_0 = arith.constant 0 : i32
    return %arg0, %c0_i32 : i32, i32
  }
  func.func @transform_4(%arg0: i32) -> (i32, i32) {
    %c0_i32 = arith.constant 0 : i32
    %c0_i32_0 = arith.constant 0 : i32
    return %arg0, %c0_i32 : i32, i32
  }
  func.func @transform_5(%arg0: i32) -> (i32, i32) {
    %c0_i32 = arith.constant 0 : i32
    %c0_i32_0 = arith.constant 0 : i32
    %c0_i32_1 = arith.constant 0 : i32
    return %c0_i32, %c0_i32_0 : i32, i32
  }
  func.func @transform_6(%arg0: i32) -> (i32, i32) {
    %c0_i32 = arith.constant 0 : i32
    %c0_i32_0 = arith.constant 0 : i32
    %c0_i32_1 = arith.constant 0 : i32
    return %c0_i32, %c0_i32_0 : i32, i32
  }
  func.func @transform_7(%arg0: i32) -> (i32, i32) {
    %c0_i32 = arith.constant 0 : i32
    %c0_i32_0 = arith.constant 0 : i32
    return %arg0, %c0_i32 : i32, i32
  }
}

module attributes {stable_mosaic.version = 14 : i64} {
  func.func @_layer_body(%arg0: i32, %arg1: memref<1xf32, #tpu.memory_space<smem>>, %arg2: memref<2000x128xf32, #tpu.memory_space<vmem>>, %arg3: memref<2000x128xf32, #tpu.memory_space<vmem>>, %arg4: memref<2000x128xf32, #tpu.memory_space<vmem>>, %arg5: memref<2000x1xf32, #tpu.memory_space<vmem>>, %arg6: memref<128x128xf32, #tpu.memory_space<vmem>>, %arg7: memref<1x128xf32, #tpu.memory_space<vmem>>, %arg8: memref<2000x128xf32, #tpu.memory_space<vmem>>) attributes {dimension_semantics = [#tpu.dimension_semantics<arbitrary>], iteration_bounds = array<i64: 5>, scalar_prefetch = 0 : i64, scratch_operands = 0 : i64, tpu.core_type = #tpu.core_type<tc>, window_params = [{transform_indices = @transform_0, window_bounds = array<i64: 1>}, {transform_indices = @transform_1, window_bounds = array<i64: 2000, 128>}, {transform_indices = @transform_2, window_bounds = array<i64: 2000, 128>}, {transform_indices = @transform_3, window_bounds = array<i64: 2000, 128>}, {transform_indices = @transform_4, window_bounds = array<i64: 2000, 1>}, {pipeline_mode = #tpu.pipeline_mode<synchronous>, transform_indices = @transform_5, window_bounds = array<i64: 128, 128>}, {pipeline_mode = #tpu.pipeline_mode<synchronous>, transform_indices = @transform_6, window_bounds = array<i64: 1, 128>}, {transform_indices = @transform_7, window_bounds = array<i64: 2000, 128>}]} {
    %get3A = arith.constant 0 : index
    %get3A_0 = arith.constant 0 : index
    %get3A_1 = vector.load %arg3[%get3A, %get3A_0] : memref<2000x128xf32, #tpu.memory_space<vmem>>, vector<2000x128xf32>
    %get3A_2 = arith.constant 0 : index
    %get3A_3 = arith.constant 0 : index
    %get3A_4 = vector.load %arg4[%get3A_2, %get3A_3] : memref<2000x128xf32, #tpu.memory_space<vmem>>, vector<2000x128xf32>
    %add3A = arith.addf %get3A_1, %get3A_4 : vector<2000x128xf32>
    %get3A_5 = arith.constant 0 : index
    %get3A_6 = arith.constant 0 : index
    %get3A_7 = vector.load %arg5[%get3A_5, %get3A_6] : memref<2000x1xf32, #tpu.memory_space<vmem>>, vector<2000x1xf32>
    %mul3A = vector.broadcast %get3A_7 : vector<2000x1xf32> to vector<2000x128xf32>
    %mul3A_8 = arith.mulf %add3A, %mul3A : vector<2000x128xf32>
    %get3A_9 = arith.constant 0 : index
    %get3A_10 = memref.load %arg1[%get3A_9] : memref<1xf32, #tpu.memory_space<smem>>
    %add3A_11 = arith.constant 1.000000e+00 : f32
    %add3A_12 = arith.addf %add3A_11, %get3A_10 : f32
    %get3A_13 = arith.constant 0 : index
    %get3A_14 = arith.constant 0 : index
    %get3A_15 = vector.load %arg2[%get3A_13, %get3A_14] : memref<2000x128xf32, #tpu.memory_space<vmem>>, vector<2000x128xf32>
    %mul3A_16 = vector.broadcast %add3A_12 : f32 to vector<2000x128xf32>
    %mul3A_17 = arith.mulf %mul3A_16, %get3A_15 : vector<2000x128xf32>
    %add3A_18 = arith.addf %mul3A_17, %mul3A_8 : vector<2000x128xf32>
    %get3A_19 = arith.constant 0 : index
    %get3A_20 = arith.constant 0 : index
    %get3A_21 = vector.load %arg6[%get3A_19, %get3A_20] : memref<128x128xf32, #tpu.memory_space<vmem>>, vector<128x128xf32>
    %dot_general3A = arith.constant dense<0.000000e+00> : vector<2000x128xf32>
    %dot_general3A_22 = tpu.matmul %add3A_18, %get3A_21, %dot_general3A {dimension_numbers = #tpu.dot_dimension_numbers<[1], [0], [0], [1], [0, 0, 1, 1], [], []>, transpose_lhs_hint = false} : vector<2000x128xf32>, vector<128x128xf32>, vector<2000x128xf32> -> vector<2000x128xf32>
    %get3A_23 = arith.constant 0 : index
    %get3A_24 = arith.constant 0 : index
    %get3A_25 = vector.load %arg7[%get3A_23, %get3A_24] : memref<1x128xf32, #tpu.memory_space<vmem>>, vector<1x128xf32>
    %add3A_26 = vector.broadcast %get3A_25 : vector<1x128xf32> to vector<2000x128xf32>
    %add3A_27 = arith.addf %dot_general3A_22, %add3A_26 : vector<2000x128xf32>
    %swap3A = arith.constant 0 : index
    %swap3A_28 = arith.constant 0 : index
    %swap3A_29 = vector.load %arg8[%swap3A, %swap3A_28] : memref<2000x128xf32, #tpu.memory_space<vmem>>, vector<2000x128xf32>
    tpu.vector_store %arg8[%swap3A, %swap3A_28], %add3A_27 {strides = array<i32>} : memref<2000x128xf32, #tpu.memory_space<vmem>>, vector<2000x128xf32>,
    return
  }
  func.func @transform_0(%arg0: i32) -> i32 {
    %c0_i32 = arith.constant 0 : i32
    %c0_i32_0 = arith.constant 0 : i32
    return %c0_i32 : i32
  }
  func.func @transform_1(%arg0: i32) -> (i32, i32) {
    %c0_i32 = arith.constant 0 : i32
    %c0_i32_0 = arith.constant 0 : i32
    return %arg0, %c0_i32 : i32, i32
  }
  func.func @transform_2(%arg0: i32) -> (i32, i32) {
    %c0_i32 = arith.constant 0 : i32
    %c0_i32_0 = arith.constant 0 : i32
    return %arg0, %c0_i32 : i32, i32
  }
  func.func @transform_3(%arg0: i32) -> (i32, i32) {
    %c0_i32 = arith.constant 0 : i32
    %c0_i32_0 = arith.constant 0 : i32
    return %arg0, %c0_i32 : i32, i32
  }
  func.func @transform_4(%arg0: i32) -> (i32, i32) {
    %c0_i32 = arith.constant 0 : i32
    %c0_i32_0 = arith.constant 0 : i32
    return %arg0, %c0_i32 : i32, i32
  }
  func.func @transform_5(%arg0: i32) -> (i32, i32) {
    %c0_i32 = arith.constant 0 : i32
    %c0_i32_0 = arith.constant 0 : i32
    %c0_i32_1 = arith.constant 0 : i32
    return %c0_i32, %c0_i32_0 : i32, i32
  }
  func.func @transform_6(%arg0: i32) -> (i32, i32) {
    %c0_i32 = arith.constant 0 : i32
    %c0_i32_0 = arith.constant 0 : i32
    %c0_i32_1 = arith.constant 0 : i32
    return %c0_i32, %c0_i32_0 : i32, i32
  }
  func.func @transform_7(%arg0: i32) -> (i32, i32) {
    %c0_i32 = arith.constant 0 : i32
    %c0_i32_0 = arith.constant 0 : i32
    return %arg0, %c0_i32 : i32, i32
  }
}

</mosaic_0001>

<sc_bundles>
// kernel: kernel.10.cloned.1.call-start
scs
__scs_entry_jumppad:
0x0: {  	(pc) =	sbr.rel $0x88, $3  }
0x1: {  	(tag) =	ssettag $0x0;
	lr =	simm.s32 $0x1  }
0x2: {  	[smem:$0x3F94] =	sst lr;
	_ =	strace $0xD0000000  }
0x3: {  	_ = 	snop  }
0x4: {  	_ = 	snop  }
0x5: {  	_ = 	snop  }
0x6: {  	_ = 	snop  }
0x7: {  	_ = 	snop  }
__scs_overlays_trampoline_lowered:
0x8: {  	[smem:$0x3FA3] =	sst s0  }
0x9: {  	[smem:$0x3FA4] =	sst s1  }
0xa: {  	[smem:$0x3FA5] =	sst s2  }
0xb: {  	[smem:$0x3FA6] =	sst s3  }
0xc: {  	[smem:$0x3FA7] =	sst s4  }
0xd: {  	[smem:$0x3FA8] =	sst s5  }
0xe: {  	[smem:$0x3FA9] =	sst s6  }
0xf: {  	[smem:$0x3FAA] =	sst s7  }
0x10: {  	[smem:$0x3FAB] =	sst s8  }
0x11: {  	[smem:$0x3FAC] =	sst s9;
	s0 =	simm.s32 @!p0 $0x0  }
0x12: {  	s1 =	sld [smem:$0x3F92];
	s0 =	simm.s32 @p0 $0x1  }
0x13: {  	[smem:$0x3FAD] =	sst s0;
	s0 =	simm.s32 @!p1 $0x0  }
0x14: {  	s2 =	sld [smem:$0x3F91];
	s0 =	simm.s32 @p1 $0x1  }
0x15: {  	[smem:$0x3FAE] =	sst s0;
	s0 =	simm.s32 @!p2 $0x0  }
0x16: {  	s3 =	sld [smem:$0x3FDB];
	s0 =	simm.s32 @p2 $0x1  }
0x17: {  	s4 =	simm.s32 $0x1BF5;
	[smem:$0x3FB0] =	sst s0  }
0x18: {  	s0 =	sld [smem:$0x3F93];
	_ =	swait.ge [sflag:s4], $0x0  }
0x19: {  	s7 =	sld [smem:$0x3F94]  }
0x1a: {  	s8 =	sadd.s32 $0xFFFFE003, lr  }
0x1b: {  	s9 =	sadd.s32 $0xFFFFFEF7, lr;
	s5 =	simm.s32 $0xFFFFFFFF;
	p2 =	slt.u32 s8, $0xFFFFF086  }
0x1c: {  	p1 =	slt.u32 s9, $0xF7A;
	s5 =	simm.s32 @!p2 $0x0  }
0x1d: {  	s5 =	simm.s32 @p1 $0x1;
	p0 =	seq.s32 s7, s2  }
0x1e: {  	s7 =	smul.u32 @!p0 $0xF7A, s2;
	p2 =	seq.s32 @!p0 s5, $0x0  }
0x1f: {  	s9 =	smul.u32 $0xF7A, s1;
	s8 =	simm.s32 @!p0 $0x1BF5;
	p2 =	por !p2, p0  }
0x20: {  	[sflag:s8] =	ssyncset.s32 @!p0 $0xFFFFF086;
	s6 =	sadd.s32 @!p0 s3, s7;
	s7 =	simm.s32 @!p0 $0x108  }
0x21: {  	s3 =	sadd.s32 s3, s9;
	s6 =	sadd.s32 @!p0 $0x88, s6;
	s7 =	simm.s32 @p2 $0x1082  }
0x22: {  	[simem:s7], [sflag:s8] =	dma.local @!p0 [hbm:s6], $0xF7A  }
0x23: {  	s9 =	sor.u32 $0xD0000000, s2;
	s6 =	simm.s32 $0x108;
	_ =	swait.ge @!p0 [sflag:s8], $0x0  }
0x24: {  	s3 =	sadd.s32 $0x88, s3;
	s6 =	simm.s32 @!p1 $0x1082;
	[sflag:s4] =	ssyncset.s32 $0xFFFFF086  }
0x25: {  	[simem:s6], [sflag:s4] =	dma.local [hbm:s3], $0xF7A  }
0x26: {  	[smem:$0x3F94] =	sst s1;
	(tag) =	ssettag s2;
	_ =	strace s9  }
0x27: {  	s1 =	sld [smem:$0x3FA4]  }
0x28: {  	s2 =	sld [smem:$0x3FA5]  }
0x29: {  	s4 =	sld [smem:$0x3FA7]  }
0x2a: {  	p0 =	seq.s32 s5, $0x0;
	s5 =	sld [smem:$0x3FA8]  }
0x2b: {  	s6 =	sld [smem:$0x3FA9]  }
0x2c: {  	s7 =	sld [smem:$0x3FAA]  }
0x2d: {  	s3 =	simm.s32 $0x108;
	s8 =	sld [smem:$0x3FAB]  }
0x2e: {  	s3 =	simm.s32 @!p0 $0x1082;
	s9 =	sld [smem:$0x3FAC]  }
0x2f: {  	lr =	sadd.s32 s0, s3;
	s0 =	sld [smem:$0x3FA3]  }
0x30: {  	s3 =	sld [smem:$0x3FA6]  }
0x31: {  	[smem:$0x3FAF] =	sst s10  }
0x32: {  	s10 =	sld [smem:$0x3FAD];
	_ =	sdelay $0x3  }
0x33: {  	p0 =	seq.s32 s10, $0x1;
	s10 =	sld [smem:$0x3FAF];
	_ =	sdelay $0x3  }
0x34: {  	[smem:$0x3FAF] =	sst s10  }
0x35: {  	s10 =	sld [smem:$0x3FAE];
	_ =	sdelay $0x3  }
0x36: {  	p1 =	seq.s32 s10, $0x1;
	s10 =	sld [smem:$0x3FAF];
	_ =	sdelay $0x3  }
0x37: {  	[smem:$0x3FAF] =	sst s10  }
0x38: {  	s10 =	sld [smem:$0x3FB0]  }
0x39: {  	_ = 	snop;
	(pc) =	sbr.ind lr, $3  }
0x3a: {  	_ = 	snop  }
0x3b: {  	_ = 	snop  }
0x3c: {  	p2 =	seq.s32 s10, $0x1;
	s10 =	sld [smem:$0x3FAF]  }
0x3d: {  	_ =	shalt  }
0x3e: {  	_ =	shalt  }
0x3f: {  	_ =	shalt  }
0x40: {  	_ =	shalt  }
0x41: {  	_ =	shalt  }
0x42: {  	_ =	shalt  }
0x43: {  	_ =	shalt  }
0x44: {  	_ =	shalt  }
0x45: {  	_ =	shalt  }
0x46: {  	_ =	shalt  }
0x47: {  	_ =	shalt  }
0x48: {  	_ =	shalt  }
0x49: {  	_ =	shalt  }
0x4a: {  	_ =	shalt  }
0x4b: {  	_ =	shalt  }
0x4c: {  	_ =	shalt  }
0x4d: {  	_ =	shalt  }
0x4e: {  	_ =	shalt  }
0x4f: {  	_ =	shalt  }
0x50: {  	_ =	shalt  }
0x51: {  	_ =	shalt  }
0x52: {  	_ =	shalt  }
0x53: {  	_ =	shalt  }
0x54: {  	_ =	shalt  }
0x55: {  	_ =	shalt  }
0x56: {  	_ =	shalt  }
0x57: {  	_ =	shalt  }
0x58: {  	_ =	shalt  }
0x59: {  	_ =	shalt  }
0x5a: {  	_ =	shalt  }
0x5b: {  	_ =	shalt  }
0x5c: {  	_ =	shalt  }
0x5d: {  	_ =	shalt  }
0x5e: {  	_ =	shalt  }
0x5f: {  	_ =	shalt  }
0x60: {  	_ =	shalt  }
0x61: {  	_ =	shalt  }
0x62: {  	_ =	shalt  }
0x63: {  	_ =	shalt  }
0x64: {  	_ =	shalt  }
0x65: {  	_ =	shalt  }
0x66: {  	_ =	shalt  }
0x67: {  	_ =	shalt  }
0x68: {  	_ =	shalt  }
0x69: {  	_ =	shalt  }
0x6a: {  	_ =	shalt  }
0x6b: {  	_ =	shalt  }
0x6c: {  	_ =	shalt  }
0x6d: {  	_ =	shalt  }
0x6e: {  	_ =	shalt  }
0x6f: {  	_ =	shalt  }
0x70: {  	_ =	shalt  }
0x71: {  	_ =	shalt  }
0x72: {  	_ =	shalt  }
0x73: {  	_ =	shalt  }
0x74: {  	_ =	shalt  }
0x75: {  	_ =	shalt  }
0x76: {  	_ =	shalt  }
0x77: {  	_ =	shalt  }
0x78: {  	_ =	shalt  }
0x79: {  	_ =	shalt  }
0x7a: {  	_ =	shalt  }
0x7b: {  	_ =	shalt  }
0x7c: {  	_ =	shalt  }
0x7d: {  	_ =	shalt  }
0x7e: {  	_ =	shalt  }
0x7f: {  	_ =	shalt  }
0x80: {  	_ =	shalt  }
0x81: {  	_ =	shalt  }
0x82: {  	_ =	shalt  }
0x83: {  	_ =	shalt  }
0x84: {  	_ =	shalt  }
0x85: {  	_ =	shalt  }
0x86: {  	_ =	shalt  }
0x87: {  	_ =	shalt  }
.Lfunc_end0:
.L_simem_size_0:
called_computation_lowered:
.L_overlay_start_0:
0x88: {  	s2 =	sld [smem:$0x3FD9]  }
0x89: {  	s3 =	sld [smem:$0x3FFE];
	_ =	sdelay $0x1  }
0x8a: {  	s1 =	srdreg.scid  }
0x8b: {  	s0 =	sand.u32 $0x1, s1  }
0x8c: {  	s17 =	sshll.u32 s0, $0xA;
	s2 =	sadd.s32 s3, s2  }
0x8d: {  	s2 =	sadd.s32 s2, s17  }
0x8e: {  	[smem:$0x3FBB] =	sst s2  }
0x8f: {  	_ = 	snop  }
0x90: {  	(tm) =	ssettm $0x1  }
0x91: {  	s18 =	sld [smem:$0x3FFB];
	_ =	sdelay $0x3  }
0x92: {  	_ =	strace s18  }
0x93: {  	s2 =	sld [smem:$0x3FFC];
	_ =	sdelay $0x3  }
0x94: {  	_ =	strace s2  }
0x95: {  	s2 =	sld [smem:$0x3FFD];
	_ =	sdelay $0x3  }
0x96: {  	_ =	strace s2  }
0x97: {  	_ =	strace $0x8FFFFFFF  }
0x98: {  	s19 =	sld [smem:$0x3FDB];
	_ =	sdelay $0x1  }
0x99: {  	s20 =	simm.s32 $_scs_section_size  }
0x9a: {  	s4 =	simm.s32 $_size__tile_overlayer_lowered;
	s5 =	simm.s32 $_tile_overlayer_lowered  }
0x9b: {  	s6 =	simm.s32 $0x1BFF;
	s21 =	sshll.u32 s5, $0x1;
	s3 =	sadd.s32 s20, s19  }
0x9c: {  	s22 =	simm.s32 $0x0;
	s4 =	sshll.u32 s4, $0x1;
	s5 =	sadd.s32 s21, s3  }
0x9d: {  	[timem:s22], [sflag:s6] =	dma.local [hbm:s5], s4  }
0x9e: {  	_ =	swait.ge [sflag:s6], s4  }
0x9f: {  	s4 =	ssub.s32 $0x0, s4;
	[sflag:s6] =	ssyncset.done $0x0  }
0xa0: {  	[sflag:s6] =	ssyncadd.s32 s4;
	_ =	sdelay $0x1  }
0xa1: {  	s23 =	simm.s32 $0x1B8B  }
0xa2: {  	_ =	swait.ge [sflag:s23], $0x1  }
0xa3: {  	[sflag:s23] =	ssyncset.done $0x0  }
0xa4: {  	[sflag:s23] =	ssyncadd.s32 $0xFFFFFFFF  }
0xa5: {  	s4 =	sld [smem:$0x0]  }
0xa6: {  	s5 =	sand.u32 $0xFFFFFFFE, s1  }
0xa7: {  	p0 =	sne.s32 s1, s5  }
0xa8: {  	s5 =	sshll.u32 @p0 s5, $0xE  }
0xa9: {  	s5 =	sadd.s32 @p0 $0x11B8D, s5;
	s6 =	sshll.u32 @p0 s4, $0x11  }
0xaa: {  	s5 =	sor.u32 @p0 s6, s5  }
0xab: {  	[sflag:s5] =	ssyncadd.remote.s32 @p0 $0x1;
	_ =	sdelay $0x1  }
0xac: {  	s5 =	simm.s32 @p0 $0x1B8D  }
0xad: {  	_ =	swait.eq @p0 [sflag:s5], $0x1  }
0xae: {  	[sflag:s5] =	ssyncadd.s32 @p0 $0xFFFFFFFF  }
0xaf: {  	s6 =	sshll.u32 @!p0 s1, $0xE  }
0xb0: {  	s6 =	sor.u32 @!p0 $0x4000, s6;
	s5 =	simm.s32 @!p0 $0x1B8D  }
0xb1: {  	s4 =	sshll.u32 @!p0 s4, $0x11;
	s6 =	sadd.s32 @!p0 $0x11B8D, s6;
	_ =	swait.eq @!p0 [sflag:s5], $0x1  }
0xb2: {  	s4 =	sor.u32 @!p0 s4, s6;
	[sflag:s5] =	ssyncadd.s32 @!p0 $0xFFFFFFFF  }
0xb3: {  	s25 =	simm.s32 $0x1B8E;
	s24 =	sld [smem:$0x3FFE];
	[sflag:s4] =	ssyncadd.remote.s32 @!p0 $0x1  }
0xb4: {  	s26 =	simm.s32 $execute0_lowered;
	[smem:$0x3FD2] =	sst s25  }
0xb5: {  	s5 =	sshll.u32 s26, $0x1;
	_ =	strace $0x80000049;
	[dreg:$0x1] =	wrdreg $0xFFFFFFFF  }
0xb6: {  	s28 =	simm.s32 $_size_execute0_lowered;
	s3 =	sadd.s32 s3, s5;
	[dreg:$0x0] =	wrdreg $0x0  }
0xb7: {  	s5 =	sshll.u32 s28, $0x1;
	[dreg:$0x2] =	wrdreg s3  }
0xb8: {  	[dreg:$0x3] =	wrdreg s5  }
0xb9: {  	[dreg:$0x4] =	wrdreg $0xC0  }
0xba: {  	_ =	task [dreg:s22], $0x5FFFF  }
0xbb: {  	[dreg:$0x1] =	wrdreg $0xFFFFFFFF  }
0xbc: {  	[dreg:$0x0] =	wrdreg $0x60  }
0xbd: {  	[dreg:$0x2] =	wrdreg s24  }
0xbe: {  	[dreg:$0x3] =	wrdreg $0x0  }
0xbf: {  	[dreg:$0x4] =	wrdreg $0x9  }
0xc0: {  	_ =	task.clear_ibuf [dreg:s22], $0x5FFFF;
	_ =	strace $0x90000049  }
0xc1: {  	s29 =	simm.s32 $0x9;
	_ =	strace $0x8000004B  }
0xc2: {  	_ =	swait.ge [sflag:s29], $0x1  }
0xc3: {  	[sflag:s29] =	ssyncadd.s32 $0xFFFFFFFF  }
0xc4: {  	_ =	strace $0x9000004B  }
0xc5: {  	_ =	sfence  }
0xc6: {  	s30 =	sld [smem:$0x0];
	_ =	sdelay $0x2  }
0xc7: {  	s31 =	sshll.u32 s1, $0xD;
	s1 =	sshrl.u32 s1, $0x2  }
0xc8: {  	s4 =	sand.u32 $0x4000, s31;
	s1 =	sadd.s32 s1, s30  }
0xc9: {  	s0 =	sor.u32 s4, s0;
	s1 =	sshll.u32 s1, $0x11  }
0xca: {  	s0 =	sor.u32 s1, s0  }
0xcb: {  	s0 =	sadd.s32 $0x8F2B, s0  }
0xcc: {  	[sflag:s0] =	ssyncadd.remote.s32 $0x1  }
0xcd: {  	_ =	sfence.sel $0xFFFF  }
0xce: {  	[dreg:$0x0] =	wrdreg $0xFFFFFFFF;
	(pc) =	sbr.abs _section_cstart, $3  }
0xcf: {  	[dreg:$0x1] =	wrdreg $0xFFFFFFFF  }
0xd0: {  	_ =	task.clear_ibuf [dreg:s22], $0x2FFFF;
	_ =	strace $0x9FFFFFFF  }
0xd1: {  	(tm) =	ssettm $0x7FFFFFFF  }
tec
execute0_lowered:
.L_overlay_start_1:
0x0: {  	(tag) =	ssettag $0x1  }
0x1: {  	s7 =	rddreg [dreg:$0x0]  }
0x2: {  	s2 =	rddreg [dreg:$0x1]  }
0x3: {  	s0 =	rddreg [dreg:$0x2];
	s4 =	srdreg.scid  }
0x4: {  	s3 =	simm.s32 $0x0;
	s1 =	stileid.u32;
	s16 =	simm.s32 $0x3  }
0x5: {  	s17 =	simm.s32 $0x13D00;
	s18 =	simm.s32 $0x13C00;
	s19 =	simm.s32 $0x80  }
0x6: {  	s20 =	simm.s32 $0x13C80;
	s21 =	simm.s32 $0x1;
	s22 =	simm.s32 $0x2  }
0x7: {  	s23 =	simm.s32 $0x0;
	s6 =	sand.u32 $0x1, s4;
	s8 =	smul.u32 $0x2780, s1  }
0x8: {  	[smem:$0x7FF] =	sst s3;
	s5 =	sadd.s32 $0x18400, s7;
	s26 =	smul.u32 $0x4F000, s1  }
0x9: {  	s31 =	sshll.u32 s1, $0x6;
	s4 =	sshll.u32 s6, $0x4;
	_ =	strace $0x8000004A  }
0xa: {  	s9 =	smul.u32 $0x27800, s6;
	s25 =	ssub.s32 $0x2, s6;
	s6 =	sadd.s32 $0x69C00, s7  }
0xb: {  	s10 =	sor.u32 s1, s4;
	s4 =	sadd.s32 $0xE600, s7;
	s28 =	sshrl.u32 s25, $0x1  }
0xc: {  	s29 =	sshrl.u32 s26, $0x2;
	s10 =	smul.u32 $0x2780, s10;
	s14 =	sadd.s32 s8, s9  }
0xd: {  	s12 =	ssub.s32 s25, s28;
	s15 =	sadd.s32 s29, s2;
	s8 =	sor.u32 $0x1C03, s31  }
0xe: {  	s11 =	sadd.s32 s14, s7;
	s13 =	sadd.s32 $0x180, s14;
	s12 =	smax.u32 s12, $0x1  }
0xf: {  	s14 =	sadd.s32 $0x100, s14;
	s15 =	sshrl.u32 s15, $0x3;
	s30 =	sshrl.u32 s10, $0x3  }
0x10: {  	s11 =	sadd.s32 $0x6A400, s11;
	s13 =	sshrl.u32 s13, $0x3;
	s7 =	sadd.s32 s4, s30  }
0x11: {  	s13 =	sadd.s32 s13, s4;
	s9 =	sadd.s32 $0x10, s7;
	s10 =	sadd.s32 $0x4E0, s7  }
.LBB2_1:
0x12: {  	[spmem:s15], [sflag:s8] =	dma.local [hbm:s5], $0x2780  }
0x13: {  	_ =	swait.ge [sflag:s16], $0x2780  }
0x14: {  	[sflag:s16] =	ssyncset.done $0x0  }
0x15: {  	[sflag:s16] =	ssyncadd.s32 $0xFFFFD880  }
0x16: {  	[tilespmem:s17], [sflag:$0x3] =	stream.linear.gather [hbm4b:s6+s3], $0x4000, $0x38;
	[tilespmem:$0x17D00] =	vst v63  }
0x17: {  	_ =	swait.ge [sflag:s16], $0x4000  }
0x18: {  	[sflag:s16] =	ssyncset.done $0x0  }
0x19: {  	[sflag:s16] =	ssyncadd.s32 $0xFFFFC000  }
0x1a: {  	[bflag:$0x0] =	sbarrier.arrive $0xFFFF  }
0x1b: {  	[tilespmem:s18], [sflag:$0x3] =	stream.linear.gather [hbm4b:s7+s3], $0x80, $0x38;
	[tilespmem:$0x17D00] =	vst v63  }
0x1c: {  	_ =	swait.ge [sflag:s16], $0x80  }
0x1d: {  	[sflag:s16] =	ssyncset.done $0x0  }
0x1e: {  	[sflag:s16] =	ssyncadd.s32 $0xFFFFFF80  }
0x1f: {  	[spmem:s2] =	stream.indirect.scatter.add.f32 [tilespmem:s17], [sflag:$0x1], $0x80, s18, s19, $0xb8;
	[tilespmem:$0x17D00] =	vst v63  }
0x20: {  	_ = 	snop  }
0x21: {  	[tilespmem:s20], [sflag:$0x3] =	stream.linear.gather [hbm4b:s9+s3], $0x80, $0x38;
	[tilespmem:$0x17D00] =	vst v63  }
0x22: {  	_ =	swait.ge [sflag:s16], $0x80  }
0x23: {  	[sflag:s16] =	ssyncset.done $0x0  }
0x24: {  	[sflag:s16] =	ssyncadd.s32 $0xFFFFFF80  }
0x25: {  	[spmem:s2] =	stream.indirect.scatter.add.f32 [tilespmem:s17], [sflag:$0x2], $0x80, s20, s19, $0xb8;
	[tilespmem:$0x17D00] =	vst v63  }
0x26: {  	_ =	swait.ge [sflag:s21], $0x4000  }
0x27: {  	s24 =	sshrl.u32 s14, $0x3;
	[sflag:s21] =	ssyncset.done $0x0  }
0x28: {  	s24 =	sadd.s32 s4, s24;
	[sflag:s21] =	ssyncadd.s32 $0xFFFFC000  }
0x29: {  	[tilespmem:s18], [sflag:$0x3] =	stream.linear.gather [hbm4b:s24+s3], $0x80, $0x38;
	[tilespmem:$0x17D00] =	vst v63  }
0x2a: {  	_ =	swait.ge [sflag:s16], $0x80  }
0x2b: {  	[sflag:s16] =	ssyncset.done $0x0  }
0x2c: {  	[sflag:s16] =	ssyncadd.s32 $0xFFFFFF80  }
0x2d: {  	[spmem:s2] =	stream.indirect.scatter.add.f32 [tilespmem:s17], [sflag:$0x1], $0x80, s18, s19, $0xb8;
	[tilespmem:$0x17D00] =	vst v63  }
0x2e: {  	_ =	swait.ge [sflag:s22], $0x4000  }
0x2f: {  	[sflag:s22] =	ssyncset.done $0x0  }
0x30: {  	s31 =	sadd.s32 $0x0, s13;
	[sflag:s22] =	ssyncadd.s32 $0xFFFFC000  }
0x31: {  	[tilespmem:s20], [sflag:$0x3] =	stream.linear.gather [hbm4b:s31+s3], $0x80, $0x38;
	[tilespmem:$0x17D00] =	vst v63  }
0x32: {  	_ =	swait.ge [sflag:s16], $0x80  }
0x33: {  	[sflag:s16] =	ssyncset.done $0x0  }
0x34: {  	s25 =	sadd.s32 $0x100, s14;
	s24 =	simm.s32 $0x20;
	[sflag:s16] =	ssyncadd.s32 $0xFFFFFF80  }
.LBB2_2:
0x35: {  	[spmem:s2] =	stream.indirect.scatter.add.f32 [tilespmem:s17], [sflag:$0x2], $0x80, s20, s19, $0xb8;
	[tilespmem:$0x17D00] =	vst v63  }
0x36: {  	s26 =	smov.u32 s24  }
0x37: {  	p0 =	sne.s32 s24, $0x4A0;
	s24 =	sadd.s32 $0x20, s24;
	_ =	swait.ge [sflag:s21], $0x4000  }
0x38: {  	s28 =	sshrl.u32 s25, $0x3;
	[sflag:s21] =	ssyncset.done $0x0  }
0x39: {  	s28 =	sadd.s32 s4, s28;
	[sflag:s21] =	ssyncadd.s32 $0xFFFFC000  }
0x3a: {  	[tilespmem:s18], [sflag:$0x3] =	stream.linear.gather [hbm4b:s28+s3], $0x80, $0x38;
	[tilespmem:$0x17D00] =	vst v63  }
0x3b: {  	_ =	swait.ge [sflag:s16], $0x80  }
0x3c: {  	[sflag:s16] =	ssyncset.done $0x0  }
0x3d: {  	[sflag:s16] =	ssyncadd.s32 $0xFFFFFF80  }
0x3e: {  	[spmem:s2] =	stream.indirect.scatter.add.f32 [tilespmem:s17], [sflag:$0x1], $0x80, s18, s19, $0xb8;
	[tilespmem:$0x17D00] =	vst v63  }
0x3f: {  	_ =	swait.ge [sflag:s22], $0x4000  }
0x40: {  	[sflag:s22] =	ssyncset.done $0x0  }
.Ltmp0:
0x41: {  	s26 =	sadd.s32 s26, s13;
	[sflag:s22] =	ssyncadd.s32 $0xFFFFC000;
	(pc) =	sbr.rel @p0 .LBB2_2-.Ltmp0, $4  }
0x42: {  	[tilespmem:s20], [sflag:$0x3] =	stream.linear.gather [hbm4b:s26+s3], $0x80, $0x38;
	[tilespmem:$0x17D00] =	vst v63  }
0x43: {  	_ =	swait.ge [sflag:s16], $0x80  }
0x44: {  	[sflag:s16] =	ssyncset.done $0x0  }
0x45: {  	s25 =	sadd.s32 $0x100, s25;
	[sflag:s16] =	ssyncadd.s32 $0xFFFFFF80  }
0x46: {  	[spmem:s2] =	stream.indirect.scatter.add.f32 [tilespmem:s17], [sflag:$0x2], $0x80, s20, s19, $0xb8;
	[tilespmem:$0x17D00] =	vst v63  }
0x47: {  	_ =	swait.ge [sflag:s21], $0x4000  }
0x48: {  	[sflag:s21] =	ssyncset.done $0x0  }
0x49: {  	[sflag:s21] =	ssyncadd.s32 $0xFFFFC000  }
0x4a: {  	[tilespmem:s18], [sflag:$0x3] =	stream.linear.gather [hbm4b:s10+s3], $0x80, $0x38;
	[tilespmem:$0x17D00] =	vst v63  }
0x4b: {  	_ =	swait.ge [sflag:s16], $0x80  }
0x4c: {  	[sflag:s16] =	ssyncset.done $0x0  }
0x4d: {  	[sflag:s16] =	ssyncadd.s32 $0xFFFFFF80  }
0x4e: {  	[spmem:s2] =	stream.indirect.scatter.add.f32 [tilespmem:s17], [sflag:$0x1], $0x80, s18, s19, $0xb8;
	[tilespmem:$0x17D00] =	vst v63  }
0x4f: {  	_ =	swait.ge [sflag:s21], $0x4000  }
0x50: {  	[sflag:s21] =	ssyncset.done $0x0  }
0x51: {  	[sflag:s21] =	ssyncadd.s32 $0xFFFFC000  }
0x52: {  	_ =	swait.ge [sflag:s22], $0x4000  }
0x53: {  	s23 =	sadd.s32 $0x1, s23;
	[sflag:s22] =	ssyncset.done $0x0  }
0x54: {  	p0 =	sne.s32 s23, s12;
	[sflag:s22] =	ssyncadd.s32 $0xFFFFC000  }
.Ltmp1:
0x55: {  	[bflag:$0x0] =	sbarrier.arrive $0xFFFF;
	(pc) =	sbr.rel @p0 .LBB2_1-.Ltmp1, $4  }
0x56: {  	[hbm:s11], [sflag:s8] =	dma.local [spmem:s15], $0x2780  }
0x57: {  	_ =	swait.ge [sflag:s16], $0x2780  }
0x58: {  	[sflag:s16] =	ssyncset.done $0x0  }
0x59: {  	[sflag:s16] =	ssyncadd.s32 $0xFFFFD880  }
0x5a: {  	_ =	sfence.sel $0x180000  }
0x5b: {  	[bflag:$0x0] =	sbarrier.arrive $0xFFFF  }
0x5c: {  	p0 =	sne.s32 s1, $0x0;
	_ =	strace $0x9000004A  }
0x5d: {  	s0 =	sadd.s32 @!p0 $0x100000, s0;
	[bflag:$0x2] =	sbarrier.arrive $0xFFFF  }
0x5e: {  	[sflag:s0] =	ssyncadd.tile.s32 @!p0 $0x1;
	_ =	shalt  }
.Lfunc_end2:
_tile_overlayer_lowered:
.L_overlay_start_2:
0x5f: {  	(tag) =	ssettag $0x2  }
0x60: {  	s0 =	rddreg [dreg:$0x0];
	s2 =	stileid.u32  }
0x61: {  	s1 =	rddreg [dreg:$0x1];
	p0 =	sne.s32 s2, $0x0  }
0x62: {  	s3 =	rddreg [dreg:$0x2];
	[bflag:$0x3] =	sbarrier.arrive $0xFFFF;
	s2 =	simm.s32 @!p0 $0x1C03  }
0x63: {  	[timem:s3], [sflag:s2] =	dma.local @!p0 [hbm:s0], s1  }
0x64: {  	s0 =	simm.s32 @!p0 $0x3  }
0x65: {  	_ =	swait.ge @!p0 [sflag:s0], s1  }
0x66: {  	s1 =	ssub.s32 @!p0 $0x0, s1;
	[sflag:s0] =	ssyncset.done @!p0 $0x0  }
0x67: {  	[sflag:s0] =	ssyncadd.s32 @!p0 s1  }
0x68: {  	[bflag:$0x3] =	sbarrier.arrive $0xFFFF  }
0x69: {  	_ =	shalt  }

// kernel: kernel.13.cloned.1.call-start
scs
__scs_entry_jumppad:
0x0: {  	(pc) =	sbr.rel $0x88, $3  }
0x1: {  	(tag) =	ssettag $0x0;
	lr =	simm.s32 $0x1  }
0x2: {  	[smem:$0x3F94] =	sst lr;
	_ =	strace $0xD0000000  }
0x3: {  	_ = 	snop  }
0x4: {  	_ = 	snop  }
0x5: {  	_ = 	snop  }
0x6: {  	_ = 	snop  }
0x7: {  	_ = 	snop  }
__scs_overlays_trampoline_lowered:
0x8: {  	[smem:$0x3FA3] =	sst s0  }
0x9: {  	[smem:$0x3FA4] =	sst s1  }
0xa: {  	[smem:$0x3FA5] =	sst s2  }
0xb: {  	[smem:$0x3FA6] =	sst s3  }
0xc: {  	[smem:$0x3FA7] =	sst s4  }
0xd: {  	[smem:$0x3FA8] =	sst s5  }
0xe: {  	[smem:$0x3FA9] =	sst s6  }
0xf: {  	[smem:$0x3FAA] =	sst s7  }
0x10: {  	[smem:$0x3FAB] =	sst s8  }
0x11: {  	[smem:$0x3FAC] =	sst s9;
	s0 =	simm.s32 @!p0 $0x0  }
0x12: {  	s1 =	sld [smem:$0x3F92];
	s0 =	simm.s32 @p0 $0x1  }
0x13: {  	[smem:$0x3FAD] =	sst s0;
	s0 =	simm.s32 @!p1 $0x0  }
0x14: {  	s2 =	sld [smem:$0x3F91];
	s0 =	simm.s32 @p1 $0x1  }
0x15: {  	[smem:$0x3FAE] =	sst s0;
	s0 =	simm.s32 @!p2 $0x0  }
0x16: {  	s3 =	sld [smem:$0x3FDB];
	s0 =	simm.s32 @p2 $0x1  }
0x17: {  	s4 =	simm.s32 $0x1BF5;
	[smem:$0x3FB0] =	sst s0  }
0x18: {  	s0 =	sld [smem:$0x3F93];
	_ =	swait.ge [sflag:s4], $0x0  }
0x19: {  	s7 =	sld [smem:$0x3F94]  }
0x1a: {  	s8 =	sadd.s32 $0xFFFFE003, lr  }
0x1b: {  	s9 =	sadd.s32 $0xFFFFFEF7, lr;
	s5 =	simm.s32 $0xFFFFFFFF;
	p2 =	slt.u32 s8, $0xFFFFF086  }
0x1c: {  	p1 =	slt.u32 s9, $0xF7A;
	s5 =	simm.s32 @!p2 $0x0  }
0x1d: {  	s5 =	simm.s32 @p1 $0x1;
	p0 =	seq.s32 s7, s2  }
0x1e: {  	s7 =	smul.u32 @!p0 $0xF7A, s2;
	p2 =	seq.s32 @!p0 s5, $0x0  }
0x1f: {  	s9 =	smul.u32 $0xF7A, s1;
	s8 =	simm.s32 @!p0 $0x1BF5;
	p2 =	por !p2, p0  }
0x20: {  	[sflag:s8] =	ssyncset.s32 @!p0 $0xFFFFF086;
	s6 =	sadd.s32 @!p0 s3, s7;
	s7 =	simm.s32 @!p0 $0x108  }
0x21: {  	s3 =	sadd.s32 s3, s9;
	s6 =	sadd.s32 @!p0 $0x88, s6;
	s7 =	simm.s32 @p2 $0x1082  }
0x22: {  	[simem:s7], [sflag:s8] =	dma.local @!p0 [hbm:s6], $0xF7A  }
0x23: {  	s9 =	sor.u32 $0xD0000000, s2;
	s6 =	simm.s32 $0x108;
	_ =	swait.ge @!p0 [sflag:s8], $0x0  }
0x24: {  	s3 =	sadd.s32 $0x88, s3;
	s6 =	simm.s32 @!p1 $0x1082;
	[sflag:s4] =	ssyncset.s32 $0xFFFFF086  }
0x25: {  	[simem:s6], [sflag:s4] =	dma.local [hbm:s3], $0xF7A  }
0x26: {  	[smem:$0x3F94] =	sst s1;
	(tag) =	ssettag s2;
	_ =	strace s9  }
0x27: {  	s1 =	sld [smem:$0x3FA4]  }
0x28: {  	s2 =	sld [smem:$0x3FA5]  }
0x29: {  	s4 =	sld [smem:$0x3FA7]  }
0x2a: {  	p0 =	seq.s32 s5, $0x0;
	s5 =	sld [smem:$0x3FA8]  }
0x2b: {  	s6 =	sld [smem:$0x3FA9]  }
0x2c: {  	s7 =	sld [smem:$0x3FAA]  }
0x2d: {  	s3 =	simm.s32 $0x108;
	s8 =	sld [smem:$0x3FAB]  }
0x2e: {  	s3 =	simm.s32 @!p0 $0x1082;
	s9 =	sld [smem:$0x3FAC]  }
0x2f: {  	lr =	sadd.s32 s0, s3;
	s0 =	sld [smem:$0x3FA3]  }
0x30: {  	s3 =	sld [smem:$0x3FA6]  }
0x31: {  	[smem:$0x3FAF] =	sst s10  }
0x32: {  	s10 =	sld [smem:$0x3FAD];
	_ =	sdelay $0x3  }
0x33: {  	p0 =	seq.s32 s10, $0x1;
	s10 =	sld [smem:$0x3FAF];
	_ =	sdelay $0x3  }
0x34: {  	[smem:$0x3FAF] =	sst s10  }
0x35: {  	s10 =	sld [smem:$0x3FAE];
	_ =	sdelay $0x3  }
0x36: {  	p1 =	seq.s32 s10, $0x1;
	s10 =	sld [smem:$0x3FAF];
	_ =	sdelay $0x3  }
0x37: {  	[smem:$0x3FAF] =	sst s10  }
0x38: {  	s10 =	sld [smem:$0x3FB0]  }
0x39: {  	_ = 	snop;
	(pc) =	sbr.ind lr, $3  }
0x3a: {  	_ = 	snop  }
0x3b: {  	_ = 	snop  }
0x3c: {  	p2 =	seq.s32 s10, $0x1;
	s10 =	sld [smem:$0x3FAF]  }
0x3d: {  	_ =	shalt  }
0x3e: {  	_ =	shalt  }
0x3f: {  	_ =	shalt  }
0x40: {  	_ =	shalt  }
0x41: {  	_ =	shalt  }
0x42: {  	_ =	shalt  }
0x43: {  	_ =	shalt  }
0x44: {  	_ =	shalt  }
0x45: {  	_ =	shalt  }
0x46: {  	_ =	shalt  }
0x47: {  	_ =	shalt  }
0x48: {  	_ =	shalt  }
0x49: {  	_ =	shalt  }
0x4a: {  	_ =	shalt  }
0x4b: {  	_ =	shalt  }
0x4c: {  	_ =	shalt  }
0x4d: {  	_ =	shalt  }
0x4e: {  	_ =	shalt  }
0x4f: {  	_ =	shalt  }
0x50: {  	_ =	shalt  }
0x51: {  	_ =	shalt  }
0x52: {  	_ =	shalt  }
0x53: {  	_ =	shalt  }
0x54: {  	_ =	shalt  }
0x55: {  	_ =	shalt  }
0x56: {  	_ =	shalt  }
0x57: {  	_ =	shalt  }
0x58: {  	_ =	shalt  }
0x59: {  	_ =	shalt  }
0x5a: {  	_ =	shalt  }
0x5b: {  	_ =	shalt  }
0x5c: {  	_ =	shalt  }
0x5d: {  	_ =	shalt  }
0x5e: {  	_ =	shalt  }
0x5f: {  	_ =	shalt  }
0x60: {  	_ =	shalt  }
0x61: {  	_ =	shalt  }
0x62: {  	_ =	shalt  }
0x63: {  	_ =	shalt  }
0x64: {  	_ =	shalt  }
0x65: {  	_ =	shalt  }
0x66: {  	_ =	shalt  }
0x67: {  	_ =	shalt  }
0x68: {  	_ =	shalt  }
0x69: {  	_ =	shalt  }
0x6a: {  	_ =	shalt  }
0x6b: {  	_ =	shalt  }
0x6c: {  	_ =	shalt  }
0x6d: {  	_ =	shalt  }
0x6e: {  	_ =	shalt  }
0x6f: {  	_ =	shalt  }
0x70: {  	_ =	shalt  }
0x71: {  	_ =	shalt  }
0x72: {  	_ =	shalt  }
0x73: {  	_ =	shalt  }
0x74: {  	_ =	shalt  }
0x75: {  	_ =	shalt  }
0x76: {  	_ =	shalt  }
0x77: {  	_ =	shalt  }
0x78: {  	_ =	shalt  }
0x79: {  	_ =	shalt  }
0x7a: {  	_ =	shalt  }
0x7b: {  	_ =	shalt  }
0x7c: {  	_ =	shalt  }
0x7d: {  	_ =	shalt  }
0x7e: {  	_ =	shalt  }
0x7f: {  	_ =	shalt  }
0x80: {  	_ =	shalt  }
0x81: {  	_ =	shalt  }
0x82: {  	_ =	shalt  }
0x83: {  	_ =	shalt  }
0x84: {  	_ =	shalt  }
0x85: {  	_ =	shalt  }
0x86: {  	_ =	shalt  }
0x87: {  	_ =	shalt  }
.Lfunc_end0:
.L_simem_size_0:
called_computation.1_lowered:
.L_overlay_start_0:
0x88: {  	s2 =	sld [smem:$0x3FD9]  }
0x89: {  	s3 =	sld [smem:$0x3FFE];
	_ =	sdelay $0x1  }
0x8a: {  	s1 =	srdreg.scid  }
0x8b: {  	s0 =	sand.u32 $0x1, s1  }
0x8c: {  	s17 =	sshll.u32 s0, $0xA;
	s2 =	sadd.s32 s3, s2  }
0x8d: {  	s2 =	sadd.s32 s2, s17  }
0x8e: {  	[smem:$0x3FBB] =	sst s2  }
0x8f: {  	_ = 	snop  }
0x90: {  	s2 =	sld [smem:$0x3FD0];
	(tm) =	ssettm $0x1  }
0x91: {  	s18 =	sld [smem:$0x3FFB];
	_ =	sdelay $0x3  }
0x92: {  	_ =	strace s18  }
0x93: {  	s3 =	sld [smem:$0x3FFC];
	_ =	sdelay $0x3  }
0x94: {  	_ =	strace s3  }
0x95: {  	s3 =	sld [smem:$0x3FFD];
	_ =	sdelay $0x3  }
0x96: {  	_ =	strace s3  }
0x97: {  	_ =	strace $0x8FFFFFFF  }
0x98: {  	s19 =	sld [smem:$0x3FDB];
	_ =	sdelay $0x1  }
0x99: {  	s4 =	simm.s32 $_scs_section_size  }
0x9a: {  	s5 =	simm.s32 $_size__tile_overlayer_lowered;
	s6 =	simm.s32 $_tile_overlayer_lowered  }
0x9b: {  	s22 =	simm.s32 $0x1BFF;
	s21 =	sshll.u32 s6, $0x1;
	s3 =	sadd.s32 s4, s19  }
0x9c: {  	s7 =	simm.s32 $0x0;
	s20 =	sshll.u32 s5, $0x1;
	s5 =	sadd.s32 s21, s3  }
0x9d: {  	[timem:s7], [sflag:s22] =	dma.local [hbm:s5], s20  }
0x9e: {  	_ =	swait.ge [sflag:s22], s20  }
0x9f: {  	s4 =	ssub.s32 $0x0, s20;
	[sflag:s22] =	ssyncset.done $0x0  }
0xa0: {  	[sflag:s22] =	ssyncadd.s32 s4;
	_ =	sdelay $0x1  }
0xa1: {  	s23 =	simm.s32 $0x1B8B  }
0xa2: {  	_ =	swait.ge [sflag:s23], $0x1  }
0xa3: {  	[sflag:s23] =	ssyncset.done $0x0  }
0xa4: {  	s25 =	simm.s32 $0x1B8E;
	s24 =	sld [smem:$0x3FFE];
	[sflag:s23] =	ssyncadd.s32 $0xFFFFFFFF  }
0xa5: {  	s26 =	simm.s32 $execute0_lowered;
	[smem:$0x3FD2] =	sst s25  }
0xa6: {  	s5 =	sshll.u32 s26, $0x1;
	_ =	strace $0x80000046;
	[dreg:$0x1] =	wrdreg $0xFFFFFFFF  }
0xa7: {  	s28 =	simm.s32 $_size_execute0_lowered;
	s3 =	sadd.s32 s3, s5;
	[dreg:$0x0] =	wrdreg $0x0  }
0xa8: {  	s5 =	sshll.u32 s28, $0x1;
	[dreg:$0x2] =	wrdreg s3  }
0xa9: {  	[dreg:$0x3] =	wrdreg s5  }
0xaa: {  	[dreg:$0x4] =	wrdreg $0xC0  }
0xab: {  	_ =	task [dreg:s7], $0x5FFFF  }
0xac: {  	[dreg:$0x1] =	wrdreg $0xFFFFFFFF  }
0xad: {  	[dreg:$0x0] =	wrdreg $0x60  }
0xae: {  	[dreg:$0x2] =	wrdreg s2  }
0xaf: {  	[dreg:$0x3] =	wrdreg s24  }
0xb0: {  	[dreg:$0x4] =	wrdreg $0x0  }
0xb1: {  	[dreg:$0x5] =	wrdreg $0xA  }
0xb2: {  	_ =	task.clear_ibuf [dreg:s7], $0x6FFFF;
	_ =	strace $0x90000046  }
0xb3: {  	s29 =	simm.s32 $0xA;
	_ =	strace $0x80000048  }
0xb4: {  	_ =	swait.ge [sflag:s29], $0x1  }
0xb5: {  	[sflag:s29] =	ssyncadd.s32 $0xFFFFFFFF  }
0xb6: {  	_ =	strace $0x90000048  }
0xb7: {  	_ =	sfence  }
0xb8: {  	s30 =	sld [smem:$0x0];
	_ =	sdelay $0x2  }
0xb9: {  	s31 =	sshll.u32 s1, $0xD;
	s1 =	sshrl.u32 s1, $0x2  }
0xba: {  	s3 =	sand.u32 $0x4000, s31;
	s1 =	sadd.s32 s1, s30  }
0xbb: {  	s0 =	sor.u32 s3, s0;
	s1 =	sshll.u32 s1, $0x11  }
0xbc: {  	s0 =	sor.u32 s1, s0  }
0xbd: {  	s0 =	sadd.s32 $0x8F2B, s0  }
0xbe: {  	[sflag:s0] =	ssyncadd.remote.s32 $0x1  }
0xbf: {  	_ =	sfence.sel $0xFFFF  }
0xc0: {  	[dreg:$0x0] =	wrdreg $0xFFFFFFFF;
	(pc) =	sbr.abs _section_cstart, $3  }
0xc1: {  	[dreg:$0x1] =	wrdreg $0xFFFFFFFF  }
0xc2: {  	_ =	task.clear_ibuf [dreg:s7], $0x2FFFF;
	_ =	strace $0x9FFFFFFF  }
0xc3: {  	(tm) =	ssettm $0x7FFFFFFF  }
tec
execute0_lowered:
.L_overlay_start_1:
0x0: {  	(tag) =	ssettag $0x1  }
0x1: {  	s1 =	rddreg [dreg:$0x0]  }
0x2: {  	s0 =	rddreg [dreg:$0x1]  }
0x3: {  	s2 =	rddreg [dreg:$0x2];
	s4 =	simm.s32 $0x0  }
0x4: {  	s3 =	srdreg.scid;
	s11 =	stileid.u32;
	s28 =	simm.s32 $0x13C80  }
0x5: {  	s29 =	simm.s32 $0x13D80;
	s30 =	simm.s32 $0x17E00;
	s31 =	simm.s32 $0x2  }
0x6: {  	[smem:$0x7FF] =	sst s4;
	s3 =	sand.u32 $0x1, s3;
	s7 =	smul.u32 $0x2780, s11  }
0x7: {  	s5 =	sadd.s32 $0x4800, s0;
	s10 =	smul.u32 $0x4F000, s11;
	s12 =	sadd.s32 $0x18400, s0  }
0x8: {  	s19 =	sshll.u32 s11, $0x6;
	_ =	strace $0x80000047;
	s6 =	sshll.u32 s3, $0x4  }
0x9: {  	s8 =	smul.u32 $0x27800, s3;
	s3 =	ssub.s32 $0x2, s3;
	[dreg:$0x4] =	wrdreg s12  }
0xa: {  	s9 =	sor.u32 s11, s6;
	s6 =	sadd.s32 $0xE600, s0;
	s17 =	sshrl.u32 s3, $0x1  }
0xb: {  	s18 =	sshrl.u32 s10, $0x2;
	s9 =	smul.u32 $0x2780, s9;
	s7 =	sadd.s32 s7, s8  }
0xc: {  	s3 =	ssub.s32 s3, s17;
	s20 =	sadd.s32 s18, s2;
	s8 =	sor.u32 $0x1C04, s19  }
0xd: {  	s0 =	sadd.s32 s7, s0;
	s15 =	sadd.s32 $0x180, s7;
	s16 =	smax.u32 s3, $0x1  }
0xe: {  	s19 =	sadd.s32 $0x100, s7;
	s20 =	sshrl.u32 s20, $0x3;
	s3 =	simm.s32 $0x0  }
0xf: {  	s9 =	sshrl.u32 s9, $0x3;
	s26 =	sshrl.u32 s15, $0x3;
	s15 =	sadd.s32 $0x1AC00, s0  }
0x10: {  	s0 =	simm.s32 $0x3;
	s21 =	sadd.s32 $0x10, s9;
	s22 =	sadd.s32 s5, s9  }
0x11: {  	s23 =	sadd.s32 s6, s9;
	s9 =	sadd.s32 $0x4E0, s9;
	s17 =	sadd.s32 s26, s6  }
0x12: {  	s18 =	sadd.s32 s26, s5;
	s26 =	simm.s32 $0x1;
	[dreg:$0x5] =	wrdreg s22  }
0x13: {  	[dreg:$0x6] =	wrdreg s23;
	s24 =	sadd.s32 s5, s21;
	s25 =	sadd.s32 s6, s21  }
0x14: {  	s13 =	sadd.s32 s5, s9;
	s14 =	sadd.s32 s6, s9;
	s21 =	simm.s32 $0x4  }
0x15: {  	s22 =	simm.s32 $0x13C00;
	s23 =	simm.s32 $0x13D00;
	[dreg:$0x7] =	wrdreg s24  }
0x16: {  	[dreg:$0x8] =	wrdreg s25;
	s24 =	simm.s32 $0x80;
	s25 =	simm.s32 $0x13E00  }
.LBB2_1:
0x17: {  	s7 =	rddreg [dreg:$0x4]  }
0x18: {  	[spmem:s20], [sflag:s8] =	dma.local [hbm:s7], $0x2780  }
0x19: {  	_ =	swait.ge [sflag:s21], $0x2780  }
0x1a: {  	[sflag:s21] =	ssyncset.done $0x0  }
0x1b: {  	[sflag:s21] =	ssyncadd.s32 $0xFFFFD880  }
0x1c: {  	[bflag:$0x0] =	sbarrier.arrive $0xFFFF  }
0x1d: {  	s10 =	rddreg [dreg:$0x5]  }
0x1e: {  	[tilespmem:s22], [sflag:$0x4] =	stream.linear.gather [hbm4b:s10+s4], $0x80, $0x38;
	[tilespmem:$0x1BE00] =	vst v63  }
0x1f: {  	_ =	swait.ge [sflag:s21], $0x80  }
0x20: {  	[sflag:s21] =	ssyncset.done $0x0  }
0x21: {  	s11 =	rddreg [dreg:$0x6];
	[sflag:s21] =	ssyncadd.s32 $0xFFFFFF80  }
0x22: {  	[tilespmem:s23], [sflag:$0x4] =	stream.linear.gather [hbm4b:s11+s4], $0x80, $0x38;
	[tilespmem:$0x1BE00] =	vst v63  }
0x23: {  	_ =	swait.ge [sflag:s21], $0x80  }
0x24: {  	[sflag:s21] =	ssyncset.done $0x0  }
0x25: {  	[sflag:s21] =	ssyncadd.s32 $0xFFFFFF80  }
0x26: {  	[tilespmem:s25], [sflag:$0x1] =	stream.indirect.gather [hbm4b:s1+s24], $0x80, s22, s24, $0xb8;
	[tilespmem:$0x1BE00] =	vst v63  }
0x27: {  	_ =	swait.ge [sflag:s26], $0x4000  }
0x28: {  	[sflag:s26] =	ssyncset.done $0x0  }
0x29: {  	[sflag:s26] =	ssyncadd.s32 $0xFFFFC000  }
0x2a: {  	[spmem:s2] =	stream.indirect.scatter.add.f32 [tilespmem:s25], [sflag:$0x2], $0x80, s23, s24, $0xb8;
	[tilespmem:$0x1BE00] =	vst v63  }
0x2b: {  	s12 =	rddreg [dreg:$0x7]  }
0x2c: {  	[tilespmem:s28], [sflag:$0x4] =	stream.linear.gather [hbm4b:s12+s4], $0x80, $0x38;
	[tilespmem:$0x1BE00] =	vst v63  }
0x2d: {  	_ =	swait.ge [sflag:s21], $0x80  }
0x2e: {  	[sflag:s21] =	ssyncset.done $0x0  }
0x2f: {  	s9 =	rddreg [dreg:$0x8];
	[sflag:s21] =	ssyncadd.s32 $0xFFFFFF80  }
0x30: {  	[tilespmem:s29], [sflag:$0x4] =	stream.linear.gather [hbm4b:s9+s4], $0x80, $0x38;
	[tilespmem:$0x1BE00] =	vst v63  }
0x31: {  	_ =	swait.ge [sflag:s21], $0x80  }
0x32: {  	[sflag:s21] =	ssyncset.done $0x0  }
0x33: {  	[sflag:s21] =	ssyncadd.s32 $0xFFFFFF80  }
0x34: {  	[tilespmem:s30], [sflag:$0x1] =	stream.indirect.gather [hbm4b:s1+s24], $0x80, s28, s24, $0xb8;
	[tilespmem:$0x1BE00] =	vst v63  }
0x35: {  	_ =	swait.ge [sflag:s26], $0x4000  }
0x36: {  	[sflag:s26] =	ssyncset.done $0x0  }
0x37: {  	[sflag:s26] =	ssyncadd.s32 $0xFFFFC000  }
0x38: {  	[spmem:s2] =	stream.indirect.scatter.add.f32 [tilespmem:s30], [sflag:$0x3], $0x80, s29, s24, $0xb8;
	[tilespmem:$0x1BE00] =	vst v63  }
0x39: {  	_ =	swait.ge [sflag:s31], $0x4000  }
0x3a: {  	s10 =	sshrl.u32 s19, $0x3;
	[sflag:s31] =	ssyncset.done $0x0  }
0x3b: {  	s9 =	sadd.s32 s5, s10;
	[sflag:s31] =	ssyncadd.s32 $0xFFFFC000  }
0x3c: {  	[tilespmem:s22], [sflag:$0x4] =	stream.linear.gather [hbm4b:s9+s4], $0x80, $0x38;
	[tilespmem:$0x1BE00] =	vst v63  }
0x3d: {  	_ =	swait.ge [sflag:s21], $0x80  }
0x3e: {  	[sflag:s21] =	ssyncset.done $0x0  }
0x3f: {  	s7 =	sadd.s32 s6, s10;
	[sflag:s21] =	ssyncadd.s32 $0xFFFFFF80  }
0x40: {  	[tilespmem:s23], [sflag:$0x4] =	stream.linear.gather [hbm4b:s7+s4], $0x80, $0x38;
	[tilespmem:$0x1BE00] =	vst v63  }
0x41: {  	_ =	swait.ge [sflag:s21], $0x80  }
0x42: {  	[sflag:s21] =	ssyncset.done $0x0  }
0x43: {  	[sflag:s21] =	ssyncadd.s32 $0xFFFFFF80  }
0x44: {  	[tilespmem:s25], [sflag:$0x1] =	stream.indirect.gather [hbm4b:s1+s24], $0x80, s22, s24, $0xb8;
	[tilespmem:$0x1BE00] =	vst v63  }
0x45: {  	_ =	swait.ge [sflag:s26], $0x4000  }
0x46: {  	[sflag:s26] =	ssyncset.done $0x0  }
0x47: {  	[sflag:s26] =	ssyncadd.s32 $0xFFFFC000  }
0x48: {  	[spmem:s2] =	stream.indirect.scatter.add.f32 [tilespmem:s25], [sflag:$0x2], $0x80, s23, s24, $0xb8;
	[tilespmem:$0x1BE00] =	vst v63  }
0x49: {  	_ =	swait.ge [sflag:s0], $0x4000  }
0x4a: {  	[sflag:s0] =	ssyncset.done $0x0  }
0x4b: {  	s11 =	sadd.s32 $0x0, s18;
	[sflag:s0] =	ssyncadd.s32 $0xFFFFC000  }
0x4c: {  	[tilespmem:s28], [sflag:$0x4] =	stream.linear.gather [hbm4b:s11+s4], $0x80, $0x38;
	[tilespmem:$0x1BE00] =	vst v63  }
0x4d: {  	_ =	swait.ge [sflag:s21], $0x80  }
0x4e: {  	[sflag:s21] =	ssyncset.done $0x0  }
0x4f: {  	s12 =	sadd.s32 $0x0, s17;
	[sflag:s21] =	ssyncadd.s32 $0xFFFFFF80  }
0x50: {  	[tilespmem:s29], [sflag:$0x4] =	stream.linear.gather [hbm4b:s12+s4], $0x80, $0x38;
	[tilespmem:$0x1BE00] =	vst v63  }
0x51: {  	_ =	swait.ge [sflag:s21], $0x80  }
0x52: {  	[sflag:s21] =	ssyncset.done $0x0  }
0x53: {  	[sflag:s21] =	ssyncadd.s32 $0xFFFFFF80  }
0x54: {  	[tilespmem:s30], [sflag:$0x1] =	stream.indirect.gather [hbm4b:s1+s24], $0x80, s28, s24, $0xb8;
	[tilespmem:$0x1BE00] =	vst v63  }
0x55: {  	_ =	swait.ge [sflag:s26], $0x4000  }
0x56: {  	[sflag:s26] =	ssyncset.done $0x0  }
0x57: {  	s9 =	sadd.s32 $0x100, s19;
	s7 =	simm.s32 $0x20;
	[sflag:s26] =	ssyncadd.s32 $0xFFFFC000  }
.LBB2_2:
0x58: {  	[spmem:s2] =	stream.indirect.scatter.add.f32 [tilespmem:s30], [sflag:$0x3], $0x80, s29, s24, $0xb8;
	[tilespmem:$0x1BE00] =	vst v63  }
0x59: {  	s10 =	smov.u32 s7  }
0x5a: {  	p0 =	sne.s32 s7, $0x4A0;
	s7 =	sadd.s32 $0x20, s7;
	_ =	swait.ge [sflag:s31], $0x4000  }
0x5b: {  	s11 =	sshrl.u32 s9, $0x3;
	[sflag:s31] =	ssyncset.done $0x0  }
0x5c: {  	s12 =	sadd.s32 s5, s11;
	[sflag:s31] =	ssyncadd.s32 $0xFFFFC000  }
0x5d: {  	[tilespmem:s22], [sflag:$0x4] =	stream.linear.gather [hbm4b:s12+s4], $0x80, $0x38;
	[tilespmem:$0x1BE00] =	vst v63  }
0x5e: {  	_ =	swait.ge [sflag:s21], $0x80  }
0x5f: {  	[sflag:s21] =	ssyncset.done $0x0  }
0x60: {  	s11 =	sadd.s32 s6, s11;
	[sflag:s21] =	ssyncadd.s32 $0xFFFFFF80  }
0x61: {  	[tilespmem:s23], [sflag:$0x4] =	stream.linear.gather [hbm4b:s11+s4], $0x80, $0x38;
	[tilespmem:$0x1BE00] =	vst v63  }
0x62: {  	_ =	swait.ge [sflag:s21], $0x80  }
0x63: {  	[sflag:s21] =	ssyncset.done $0x0  }
0x64: {  	[sflag:s21] =	ssyncadd.s32 $0xFFFFFF80  }
0x65: {  	[tilespmem:s25], [sflag:$0x1] =	stream.indirect.gather [hbm4b:s1+s24], $0x80, s22, s24, $0xb8;
	[tilespmem:$0x1BE00] =	vst v63  }
0x66: {  	_ =	swait.ge [sflag:s26], $0x4000  }
0x67: {  	[sflag:s26] =	ssyncset.done $0x0  }
0x68: {  	[sflag:s26] =	ssyncadd.s32 $0xFFFFC000  }
0x69: {  	[spmem:s2] =	stream.indirect.scatter.add.f32 [tilespmem:s25], [sflag:$0x2], $0x80, s23, s24, $0xb8;
	[tilespmem:$0x1BE00] =	vst v63  }
0x6a: {  	_ =	swait.ge [sflag:s0], $0x4000  }
0x6b: {  	[sflag:s0] =	ssyncset.done $0x0  }
0x6c: {  	s11 =	sadd.s32 s10, s18;
	[sflag:s0] =	ssyncadd.s32 $0xFFFFC000  }
0x6d: {  	[tilespmem:s28], [sflag:$0x4] =	stream.linear.gather [hbm4b:s11+s4], $0x80, $0x38;
	[tilespmem:$0x1BE00] =	vst v63  }
0x6e: {  	_ =	swait.ge [sflag:s21], $0x80  }
0x6f: {  	[sflag:s21] =	ssyncset.done $0x0  }
0x70: {  	s10 =	sadd.s32 s10, s17;
	[sflag:s21] =	ssyncadd.s32 $0xFFFFFF80  }
0x71: {  	[tilespmem:s29], [sflag:$0x4] =	stream.linear.gather [hbm4b:s10+s4], $0x80, $0x38;
	[tilespmem:$0x1BE00] =	vst v63  }
0x72: {  	_ =	swait.ge [sflag:s21], $0x80  }
0x73: {  	[sflag:s21] =	ssyncset.done $0x0  }
.Ltmp0:
0x74: {  	[sflag:s21] =	ssyncadd.s32 $0xFFFFFF80;
	(pc) =	sbr.rel @p0 .LBB2_2-.Ltmp0, $4  }
0x75: {  	[tilespmem:s30], [sflag:$0x1] =	stream.indirect.gather [hbm4b:s1+s24], $0x80, s28, s24, $0xb8;
	[tilespmem:$0x1BE00] =	vst v63  }
0x76: {  	_ =	swait.ge [sflag:s26], $0x4000  }
0x77: {  	[sflag:s26] =	ssyncset.done $0x0  }
0x78: {  	s9 =	sadd.s32 $0x100, s9;
	[sflag:s26] =	ssyncadd.s32 $0xFFFFC000  }
0x79: {  	[spmem:s2] =	stream.indirect.scatter.add.f32 [tilespmem:s30], [sflag:$0x3], $0x80, s29, s24, $0xb8;
	[tilespmem:$0x1BE00] =	vst v63  }
0x7a: {  	_ =	swait.ge [sflag:s31], $0x4000  }
0x7b: {  	[sflag:s31] =	ssyncset.done $0x0  }
0x7c: {  	[sflag:s31] =	ssyncadd.s32 $0xFFFFC000  }
0x7d: {  	[tilespmem:s22], [sflag:$0x4] =	stream.linear.gather [hbm4b:s13+s4], $0x80, $0x38;
	[tilespmem:$0x1BE00] =	vst v63  }
0x7e: {  	_ =	swait.ge [sflag:s21], $0x80  }
0x7f: {  	[sflag:s21] =	ssyncset.done $0x0  }
0x80: {  	[sflag:s21] =	ssyncadd.s32 $0xFFFFFF80  }
0x81: {  	[tilespmem:s23], [sflag:$0x4] =	stream.linear.gather [hbm4b:s14+s4], $0x80, $0x38;
	[tilespmem:$0x1BE00] =	vst v63  }
0x82: {  	_ =	swait.ge [sflag:s21], $0x80  }
0x83: {  	[sflag:s21] =	ssyncset.done $0x0  }
0x84: {  	[sflag:s21] =	ssyncadd.s32 $0xFFFFFF80  }
0x85: {  	[tilespmem:s25], [sflag:$0x1] =	stream.indirect.gather [hbm4b:s1+s24], $0x80, s22, s24, $0xb8;
	[tilespmem:$0x1BE00] =	vst v63  }
0x86: {  	_ =	swait.ge [sflag:s26], $0x4000  }
0x87: {  	[sflag:s26] =	ssyncset.done $0x0  }
0x88: {  	[sflag:s26] =	ssyncadd.s32 $0xFFFFC000  }
0x89: {  	[spmem:s2] =	stream.indirect.scatter.add.f32 [tilespmem:s25], [sflag:$0x2], $0x80, s23, s24, $0xb8;
	[tilespmem:$0x1BE00] =	vst v63  }
0x8a: {  	_ =	swait.ge [sflag:s31], $0x4000  }
0x8b: {  	[sflag:s31] =	ssyncset.done $0x0  }
0x8c: {  	[sflag:s31] =	ssyncadd.s32 $0xFFFFC000  }
0x8d: {  	_ =	swait.ge [sflag:s0], $0x4000  }
0x8e: {  	s3 =	sadd.s32 $0x1, s3;
	[sflag:s0] =	ssyncset.done $0x0  }
0x8f: {  	p0 =	sne.s32 s3, s16;
	[sflag:s0] =	ssyncadd.s32 $0xFFFFC000  }
.Ltmp1:
0x90: {  	[bflag:$0x0] =	sbarrier.arrive $0xFFFF;
	(pc) =	sbr.rel @p0 .LBB2_1-.Ltmp1, $4  }
0x91: {  	[hbm:s15], [sflag:s8] =	dma.local [spmem:s20], $0x2780  }
0x92: {  	_ =	swait.ge [sflag:s21], $0x2780  }
0x93: {  	[sflag:s21] =	ssyncset.done $0x0  }
0x94: {  	[sflag:s21] =	ssyncadd.s32 $0xFFFFD880  }
0x95: {  	_ =	sfence.sel $0x180000  }
0x96: {  	[bflag:$0x0] =	sbarrier.arrive $0xFFFF  }
0x97: {  	_ =	strace $0x90000047  }
0x98: {  	s0 =	stileid.u32;
	[bflag:$0x2] =	sbarrier.arrive $0xFFFF  }
0x99: {  	p0 =	sne.s32 s0, $0x0;
	s0 =	rddreg [dreg:$0x3]  }
0x9a: {  	s0 =	sadd.s32 @!p0 $0x100000, s0  }
0x9b: {  	[sflag:s0] =	ssyncadd.tile.s32 @!p0 $0x1;
	_ =	shalt  }
.Lfunc_end2:
_tile_overlayer_lowered:
.L_overlay_start_2:
0x9c: {  	(tag) =	ssettag $0x2  }
0x9d: {  	s0 =	rddreg [dreg:$0x0];
	s2 =	stileid.u32  }
0x9e: {  	s1 =	rddreg [dreg:$0x1];
	p0 =	sne.s32 s2, $0x0  }
0x9f: {  	s3 =	rddreg [dreg:$0x2];
	[bflag:$0x3] =	sbarrier.arrive $0xFFFF;
	s2 =	simm.s32 @!p0 $0x1C04  }
0xa0: {  	[timem:s3], [sflag:s2] =	dma.local @!p0 [hbm:s0], s1  }
0xa1: {  	s0 =	simm.s32 @!p0 $0x4  }
0xa2: {  	_ =	swait.ge @!p0 [sflag:s0], s1  }
0xa3: {  	s1 =	ssub.s32 @!p0 $0x0, s1;
	[sflag:s0] =	ssyncset.done @!p0 $0x0  }
0xa4: {  	[sflag:s0] =	ssyncadd.s32 @!p0 s1  }
0xa5: {  	[bflag:$0x3] =	sbarrier.arrive $0xFFFF  }
0xa6: {  	_ =	shalt  }

// kernel: kernel.16.cloned.1.call-start
scs
__scs_entry_jumppad:
0x0: {  	(pc) =	sbr.rel $0x88, $3  }
0x1: {  	(tag) =	ssettag $0x0;
	lr =	simm.s32 $0x1  }
0x2: {  	[smem:$0x3F94] =	sst lr;
	_ =	strace $0xD0000000  }
0x3: {  	_ = 	snop  }
0x4: {  	_ = 	snop  }
0x5: {  	_ = 	snop  }
0x6: {  	_ = 	snop  }
0x7: {  	_ = 	snop  }
__scs_overlays_trampoline_lowered:
0x8: {  	[smem:$0x3FA3] =	sst s0  }
0x9: {  	[smem:$0x3FA4] =	sst s1  }
0xa: {  	[smem:$0x3FA5] =	sst s2  }
0xb: {  	[smem:$0x3FA6] =	sst s3  }
0xc: {  	[smem:$0x3FA7] =	sst s4  }
0xd: {  	[smem:$0x3FA8] =	sst s5  }
0xe: {  	[smem:$0x3FA9] =	sst s6  }
0xf: {  	[smem:$0x3FAA] =	sst s7  }
0x10: {  	[smem:$0x3FAB] =	sst s8  }
0x11: {  	[smem:$0x3FAC] =	sst s9;
	s0 =	simm.s32 @!p0 $0x0  }
0x12: {  	s1 =	sld [smem:$0x3F92];
	s0 =	simm.s32 @p0 $0x1  }
0x13: {  	[smem:$0x3FAD] =	sst s0;
	s0 =	simm.s32 @!p1 $0x0  }
0x14: {  	s2 =	sld [smem:$0x3F91];
	s0 =	simm.s32 @p1 $0x1  }
0x15: {  	[smem:$0x3FAE] =	sst s0;
	s0 =	simm.s32 @!p2 $0x0  }
0x16: {  	s3 =	sld [smem:$0x3FDB];
	s0 =	simm.s32 @p2 $0x1  }
0x17: {  	s4 =	simm.s32 $0x1BF5;
	[smem:$0x3FB0] =	sst s0  }
0x18: {  	s0 =	sld [smem:$0x3F93];
	_ =	swait.ge [sflag:s4], $0x0  }
0x19: {  	s7 =	sld [smem:$0x3F94]  }
0x1a: {  	s8 =	sadd.s32 $0xFFFFE003, lr  }
0x1b: {  	s9 =	sadd.s32 $0xFFFFFEF7, lr;
	s5 =	simm.s32 $0xFFFFFFFF;
	p2 =	slt.u32 s8, $0xFFFFF086  }
0x1c: {  	p1 =	slt.u32 s9, $0xF7A;
	s5 =	simm.s32 @!p2 $0x0  }
0x1d: {  	s5 =	simm.s32 @p1 $0x1;
	p0 =	seq.s32 s7, s2  }
0x1e: {  	s7 =	smul.u32 @!p0 $0xF7A, s2;
	p2 =	seq.s32 @!p0 s5, $0x0  }
0x1f: {  	s9 =	smul.u32 $0xF7A, s1;
	s8 =	simm.s32 @!p0 $0x1BF5;
	p2 =	por !p2, p0  }
0x20: {  	[sflag:s8] =	ssyncset.s32 @!p0 $0xFFFFF086;
	s6 =	sadd.s32 @!p0 s3, s7;
	s7 =	simm.s32 @!p0 $0x108  }
0x21: {  	s3 =	sadd.s32 s3, s9;
	s6 =	sadd.s32 @!p0 $0x88, s6;
	s7 =	simm.s32 @p2 $0x1082  }
0x22: {  	[simem:s7], [sflag:s8] =	dma.local @!p0 [hbm:s6], $0xF7A  }
0x23: {  	s9 =	sor.u32 $0xD0000000, s2;
	s6 =	simm.s32 $0x108;
	_ =	swait.ge @!p0 [sflag:s8], $0x0  }
0x24: {  	s3 =	sadd.s32 $0x88, s3;
	s6 =	simm.s32 @!p1 $0x1082;
	[sflag:s4] =	ssyncset.s32 $0xFFFFF086  }
0x25: {  	[simem:s6], [sflag:s4] =	dma.local [hbm:s3], $0xF7A  }
0x26: {  	[smem:$0x3F94] =	sst s1;
	(tag) =	ssettag s2;
	_ =	strace s9  }
0x27: {  	s1 =	sld [smem:$0x3FA4]  }
0x28: {  	s2 =	sld [smem:$0x3FA5]  }
0x29: {  	s4 =	sld [smem:$0x3FA7]  }
0x2a: {  	p0 =	seq.s32 s5, $0x0;
	s5 =	sld [smem:$0x3FA8]  }
0x2b: {  	s6 =	sld [smem:$0x3FA9]  }
0x2c: {  	s7 =	sld [smem:$0x3FAA]  }
0x2d: {  	s3 =	simm.s32 $0x108;
	s8 =	sld [smem:$0x3FAB]  }
0x2e: {  	s3 =	simm.s32 @!p0 $0x1082;
	s9 =	sld [smem:$0x3FAC]  }
0x2f: {  	lr =	sadd.s32 s0, s3;
	s0 =	sld [smem:$0x3FA3]  }
0x30: {  	s3 =	sld [smem:$0x3FA6]  }
0x31: {  	[smem:$0x3FAF] =	sst s10  }
0x32: {  	s10 =	sld [smem:$0x3FAD];
	_ =	sdelay $0x3  }
0x33: {  	p0 =	seq.s32 s10, $0x1;
	s10 =	sld [smem:$0x3FAF];
	_ =	sdelay $0x3  }
0x34: {  	[smem:$0x3FAF] =	sst s10  }
0x35: {  	s10 =	sld [smem:$0x3FAE];
	_ =	sdelay $0x3  }
0x36: {  	p1 =	seq.s32 s10, $0x1;
	s10 =	sld [smem:$0x3FAF];
	_ =	sdelay $0x3  }
0x37: {  	[smem:$0x3FAF] =	sst s10  }
0x38: {  	s10 =	sld [smem:$0x3FB0]  }
0x39: {  	_ = 	snop;
	(pc) =	sbr.ind lr, $3  }
0x3a: {  	_ = 	snop  }
0x3b: {  	_ = 	snop  }
0x3c: {  	p2 =	seq.s32 s10, $0x1;
	s10 =	sld [smem:$0x3FAF]  }
0x3d: {  	_ =	shalt  }
0x3e: {  	_ =	shalt  }
0x3f: {  	_ =	shalt  }
0x40: {  	_ =	shalt  }
0x41: {  	_ =	shalt  }
0x42: {  	_ =	shalt  }
0x43: {  	_ =	shalt  }
0x44: {  	_ =	shalt  }
0x45: {  	_ =	shalt  }
0x46: {  	_ =	shalt  }
0x47: {  	_ =	shalt  }
0x48: {  	_ =	shalt  }
0x49: {  	_ =	shalt  }
0x4a: {  	_ =	shalt  }
0x4b: {  	_ =	shalt  }
0x4c: {  	_ =	shalt  }
0x4d: {  	_ =	shalt  }
0x4e: {  	_ =	shalt  }
0x4f: {  	_ =	shalt  }
0x50: {  	_ =	shalt  }
0x51: {  	_ =	shalt  }
0x52: {  	_ =	shalt  }
0x53: {  	_ =	shalt  }
0x54: {  	_ =	shalt  }
0x55: {  	_ =	shalt  }
0x56: {  	_ =	shalt  }
0x57: {  	_ =	shalt  }
0x58: {  	_ =	shalt  }
0x59: {  	_ =	shalt  }
0x5a: {  	_ =	shalt  }
0x5b: {  	_ =	shalt  }
0x5c: {  	_ =	shalt  }
0x5d: {  	_ =	shalt  }
0x5e: {  	_ =	shalt  }
0x5f: {  	_ =	shalt  }
0x60: {  	_ =	shalt  }
0x61: {  	_ =	shalt  }
0x62: {  	_ =	shalt  }
0x63: {  	_ =	shalt  }
0x64: {  	_ =	shalt  }
0x65: {  	_ =	shalt  }
0x66: {  	_ =	shalt  }
0x67: {  	_ =	shalt  }
0x68: {  	_ =	shalt  }
0x69: {  	_ =	shalt  }
0x6a: {  	_ =	shalt  }
0x6b: {  	_ =	shalt  }
0x6c: {  	_ =	shalt  }
0x6d: {  	_ =	shalt  }
0x6e: {  	_ =	shalt  }
0x6f: {  	_ =	shalt  }
0x70: {  	_ =	shalt  }
0x71: {  	_ =	shalt  }
0x72: {  	_ =	shalt  }
0x73: {  	_ =	shalt  }
0x74: {  	_ =	shalt  }
0x75: {  	_ =	shalt  }
0x76: {  	_ =	shalt  }
0x77: {  	_ =	shalt  }
0x78: {  	_ =	shalt  }
0x79: {  	_ =	shalt  }
0x7a: {  	_ =	shalt  }
0x7b: {  	_ =	shalt  }
0x7c: {  	_ =	shalt  }
0x7d: {  	_ =	shalt  }
0x7e: {  	_ =	shalt  }
0x7f: {  	_ =	shalt  }
0x80: {  	_ =	shalt  }
0x81: {  	_ =	shalt  }
0x82: {  	_ =	shalt  }
0x83: {  	_ =	shalt  }
0x84: {  	_ =	shalt  }
0x85: {  	_ =	shalt  }
0x86: {  	_ =	shalt  }
0x87: {  	_ =	shalt  }
.Lfunc_end0:
.L_simem_size_0:
called_computation.2_lowered:
.L_overlay_start_0:
0x88: {  	s2 =	sld [smem:$0x3FD9]  }
0x89: {  	s3 =	sld [smem:$0x3FFE];
	_ =	sdelay $0x1  }
0x8a: {  	s1 =	srdreg.scid  }
0x8b: {  	s0 =	sand.u32 $0x1, s1  }
0x8c: {  	s17 =	sshll.u32 s0, $0xA;
	s2 =	sadd.s32 s3, s2  }
0x8d: {  	s2 =	sadd.s32 s2, s17  }
0x8e: {  	[smem:$0x3FBB] =	sst s2  }
0x8f: {  	_ = 	snop  }
0x90: {  	s2 =	sld [smem:$0x3FD0];
	(tm) =	ssettm $0x1  }
0x91: {  	s18 =	sld [smem:$0x3FFB];
	_ =	sdelay $0x3  }
0x92: {  	_ =	strace s18  }
0x93: {  	s3 =	sld [smem:$0x3FFC];
	_ =	sdelay $0x3  }
0x94: {  	_ =	strace s3  }
0x95: {  	s3 =	sld [smem:$0x3FFD];
	_ =	sdelay $0x3  }
0x96: {  	_ =	strace s3  }
0x97: {  	_ =	strace $0x8FFFFFFF  }
0x98: {  	s19 =	sld [smem:$0x3FDB];
	_ =	sdelay $0x1  }
0x99: {  	s4 =	simm.s32 $_scs_section_size  }
0x9a: {  	s5 =	simm.s32 $_size__tile_overlayer_lowered;
	s6 =	simm.s32 $_tile_overlayer_lowered  }
0x9b: {  	s22 =	simm.s32 $0x1BFF;
	s21 =	sshll.u32 s6, $0x1;
	s3 =	sadd.s32 s4, s19  }
0x9c: {  	s7 =	simm.s32 $0x0;
	s20 =	sshll.u32 s5, $0x1;
	s5 =	sadd.s32 s21, s3  }
0x9d: {  	[timem:s7], [sflag:s22] =	dma.local [hbm:s5], s20  }
0x9e: {  	_ =	swait.ge [sflag:s22], s20  }
0x9f: {  	s4 =	ssub.s32 $0x0, s20;
	[sflag:s22] =	ssyncset.done $0x0  }
0xa0: {  	[sflag:s22] =	ssyncadd.s32 s4;
	_ =	sdelay $0x1  }
0xa1: {  	s23 =	simm.s32 $0x1B8B  }
0xa2: {  	_ =	swait.ge [sflag:s23], $0x1  }
0xa3: {  	[sflag:s23] =	ssyncset.done $0x0  }
0xa4: {  	s25 =	simm.s32 $0x1B8E;
	s24 =	sld [smem:$0x3FFE];
	[sflag:s23] =	ssyncadd.s32 $0xFFFFFFFF  }
0xa5: {  	s26 =	simm.s32 $execute0_lowered;
	[smem:$0x3FD2] =	sst s25  }
0xa6: {  	s5 =	sshll.u32 s26, $0x1;
	_ =	strace $0x8000004C;
	[dreg:$0x1] =	wrdreg $0xFFFFFFFF  }
0xa7: {  	s28 =	simm.s32 $_size_execute0_lowered;
	s3 =	sadd.s32 s3, s5;
	[dreg:$0x0] =	wrdreg $0x0  }
0xa8: {  	s5 =	sshll.u32 s28, $0x1;
	[dreg:$0x2] =	wrdreg s3  }
0xa9: {  	[dreg:$0x3] =	wrdreg s5  }
0xaa: {  	[dreg:$0x4] =	wrdreg $0xC0  }
0xab: {  	_ =	task [dreg:s7], $0x5FFFF  }
0xac: {  	[dreg:$0x1] =	wrdreg $0xFFFFFFFF  }
0xad: {  	[dreg:$0x0] =	wrdreg $0x60  }
0xae: {  	[dreg:$0x2] =	wrdreg s2  }
0xaf: {  	[dreg:$0x3] =	wrdreg s24  }
0xb0: {  	[dreg:$0x4] =	wrdreg $0x0  }
0xb1: {  	[dreg:$0x5] =	wrdreg $0x9  }
0xb2: {  	_ =	task.clear_ibuf [dreg:s7], $0x6FFFF;
	_ =	strace $0x9000004C  }
0xb3: {  	s29 =	simm.s32 $0x9;
	_ =	strace $0x8000004E  }
0xb4: {  	_ =	swait.ge [sflag:s29], $0x1  }
0xb5: {  	[sflag:s29] =	ssyncadd.s32 $0xFFFFFFFF  }
0xb6: {  	_ =	strace $0x9000004E  }
0xb7: {  	_ =	sfence  }
0xb8: {  	s30 =	sld [smem:$0x0];
	_ =	sdelay $0x2  }
0xb9: {  	s31 =	sshll.u32 s1, $0xD;
	s1 =	sshrl.u32 s1, $0x2  }
0xba: {  	s3 =	sand.u32 $0x4000, s31;
	s1 =	sadd.s32 s1, s30  }
0xbb: {  	s0 =	sor.u32 s3, s0;
	s1 =	sshll.u32 s1, $0x11  }
0xbc: {  	s0 =	sor.u32 s1, s0  }
0xbd: {  	s0 =	sadd.s32 $0x8F2B, s0  }
0xbe: {  	[sflag:s0] =	ssyncadd.remote.s32 $0x1  }
0xbf: {  	_ =	sfence.sel $0xFFFF  }
0xc0: {  	[dreg:$0x0] =	wrdreg $0xFFFFFFFF;
	(pc) =	sbr.abs _section_cstart, $3  }
0xc1: {  	[dreg:$0x1] =	wrdreg $0xFFFFFFFF  }
0xc2: {  	_ =	task.clear_ibuf [dreg:s7], $0x2FFFF;
	_ =	strace $0x9FFFFFFF  }
0xc3: {  	(tm) =	ssettm $0x7FFFFFFF  }
tec
execute0_lowered:
.L_overlay_start_1:
0x0: {  	(tag) =	ssettag $0x1  }
0x1: {  	s1 =	rddreg [dreg:$0x0]  }
0x2: {  	s0 =	rddreg [dreg:$0x1]  }
0x3: {  	s2 =	rddreg [dreg:$0x2];
	s4 =	simm.s32 $0x0  }
0x4: {  	s3 =	srdreg.scid;
	s11 =	stileid.u32;
	s28 =	simm.s32 $0x13C80  }
0x5: {  	s29 =	simm.s32 $0x13D80;
	s30 =	simm.s32 $0x17E00;
	s31 =	simm.s32 $0x2  }
0x6: {  	[smem:$0x7FF] =	sst s4;
	s3 =	sand.u32 $0x1, s3;
	s7 =	smul.u32 $0x2780, s11  }
0x7: {  	s5 =	sadd.s32 $0x4800, s0;
	s10 =	smul.u32 $0x4F000, s11;
	s12 =	sadd.s32 $0x18400, s0  }
0x8: {  	s19 =	sshll.u32 s11, $0x6;
	_ =	strace $0x8000004D;
	s6 =	sshll.u32 s3, $0x4  }
0x9: {  	s8 =	smul.u32 $0x27800, s3;
	s3 =	ssub.s32 $0x2, s3;
	[dreg:$0x4] =	wrdreg s12  }
0xa: {  	s9 =	sor.u32 s11, s6;
	s6 =	sadd.s32 $0xE600, s0;
	s17 =	sshrl.u32 s3, $0x1  }
0xb: {  	s18 =	sshrl.u32 s10, $0x2;
	s9 =	smul.u32 $0x2780, s9;
	s7 =	sadd.s32 s7, s8  }
0xc: {  	s3 =	ssub.s32 s3, s17;
	s20 =	sadd.s32 s18, s2;
	s8 =	sor.u32 $0x1C04, s19  }
0xd: {  	s0 =	sadd.s32 s7, s0;
	s15 =	sadd.s32 $0x180, s7;
	s16 =	smax.u32 s3, $0x1  }
0xe: {  	s19 =	sadd.s32 $0x100, s7;
	s20 =	sshrl.u32 s20, $0x3;
	s3 =	simm.s32 $0x0  }
0xf: {  	s9 =	sshrl.u32 s9, $0x3;
	s26 =	sshrl.u32 s15, $0x3;
	s15 =	sadd.s32 $0x41E00, s0  }
0x10: {  	s0 =	simm.s32 $0x3;
	s21 =	sadd.s32 $0x10, s9;
	s22 =	sadd.s32 s5, s9  }
0x11: {  	s23 =	sadd.s32 s6, s9;
	s9 =	sadd.s32 $0x4E0, s9;
	s17 =	sadd.s32 s26, s6  }
0x12: {  	s18 =	sadd.s32 s26, s5;
	s26 =	simm.s32 $0x1;
	[dreg:$0x5] =	wrdreg s22  }
0x13: {  	[dreg:$0x6] =	wrdreg s23;
	s24 =	sadd.s32 s5, s21;
	s25 =	sadd.s32 s6, s21  }
0x14: {  	s13 =	sadd.s32 s5, s9;
	s14 =	sadd.s32 s6, s9;
	s21 =	simm.s32 $0x4  }
0x15: {  	s22 =	simm.s32 $0x13C00;
	s23 =	simm.s32 $0x13D00;
	[dreg:$0x7] =	wrdreg s24  }
0x16: {  	[dreg:$0x8] =	wrdreg s25;
	s24 =	simm.s32 $0x80;
	s25 =	simm.s32 $0x13E00  }
.LBB2_1:
0x17: {  	s7 =	rddreg [dreg:$0x4]  }
0x18: {  	[spmem:s20], [sflag:s8] =	dma.local [hbm:s7], $0x2780  }
0x19: {  	_ =	swait.ge [sflag:s21], $0x2780  }
0x1a: {  	[sflag:s21] =	ssyncset.done $0x0  }
0x1b: {  	[sflag:s21] =	ssyncadd.s32 $0xFFFFD880  }
0x1c: {  	[bflag:$0x0] =	sbarrier.arrive $0xFFFF  }
0x1d: {  	s10 =	rddreg [dreg:$0x5]  }
0x1e: {  	[tilespmem:s22], [sflag:$0x4] =	stream.linear.gather [hbm4b:s10+s4], $0x80, $0x38;
	[tilespmem:$0x1BE00] =	vst v63  }
0x1f: {  	_ =	swait.ge [sflag:s21], $0x80  }
0x20: {  	[sflag:s21] =	ssyncset.done $0x0  }
0x21: {  	s11 =	rddreg [dreg:$0x6];
	[sflag:s21] =	ssyncadd.s32 $0xFFFFFF80  }
0x22: {  	[tilespmem:s23], [sflag:$0x4] =	stream.linear.gather [hbm4b:s11+s4], $0x80, $0x38;
	[tilespmem:$0x1BE00] =	vst v63  }
0x23: {  	_ =	swait.ge [sflag:s21], $0x80  }
0x24: {  	[sflag:s21] =	ssyncset.done $0x0  }
0x25: {  	[sflag:s21] =	ssyncadd.s32 $0xFFFFFF80  }
0x26: {  	[tilespmem:s25], [sflag:$0x1] =	stream.indirect.gather [hbm4b:s1+s24], $0x80, s22, s24, $0xb8;
	[tilespmem:$0x1BE00] =	vst v63  }
0x27: {  	_ =	swait.ge [sflag:s26], $0x4000  }
0x28: {  	[sflag:s26] =	ssyncset.done $0x0  }
0x29: {  	[sflag:s26] =	ssyncadd.s32 $0xFFFFC000  }
0x2a: {  	[spmem:s2] =	stream.indirect.scatter.add.f32 [tilespmem:s25], [sflag:$0x2], $0x80, s23, s24, $0xb8;
	[tilespmem:$0x1BE00] =	vst v63  }
0x2b: {  	s12 =	rddreg [dreg:$0x7]  }
0x2c: {  	[tilespmem:s28], [sflag:$0x4] =	stream.linear.gather [hbm4b:s12+s4], $0x80, $0x38;
	[tilespmem:$0x1BE00] =	vst v63  }
0x2d: {  	_ =	swait.ge [sflag:s21], $0x80  }
0x2e: {  	[sflag:s21] =	ssyncset.done $0x0  }
0x2f: {  	s9 =	rddreg [dreg:$0x8];
	[sflag:s21] =	ssyncadd.s32 $0xFFFFFF80  }
0x30: {  	[tilespmem:s29], [sflag:$0x4] =	stream.linear.gather [hbm4b:s9+s4], $0x80, $0x38;
	[tilespmem:$0x1BE00] =	vst v63  }
0x31: {  	_ =	swait.ge [sflag:s21], $0x80  }
0x32: {  	[sflag:s21] =	ssyncset.done $0x0  }
0x33: {  	[sflag:s21] =	ssyncadd.s32 $0xFFFFFF80  }
0x34: {  	[tilespmem:s30], [sflag:$0x1] =	stream.indirect.gather [hbm4b:s1+s24], $0x80, s28, s24, $0xb8;
	[tilespmem:$0x1BE00] =	vst v63  }
0x35: {  	_ =	swait.ge [sflag:s26], $0x4000  }
0x36: {  	[sflag:s26] =	ssyncset.done $0x0  }
0x37: {  	[sflag:s26] =	ssyncadd.s32 $0xFFFFC000  }
0x38: {  	[spmem:s2] =	stream.indirect.scatter.add.f32 [tilespmem:s30], [sflag:$0x3], $0x80, s29, s24, $0xb8;
	[tilespmem:$0x1BE00] =	vst v63  }
0x39: {  	_ =	swait.ge [sflag:s31], $0x4000  }
0x3a: {  	s10 =	sshrl.u32 s19, $0x3;
	[sflag:s31] =	ssyncset.done $0x0  }
0x3b: {  	s9 =	sadd.s32 s5, s10;
	[sflag:s31] =	ssyncadd.s32 $0xFFFFC000  }
0x3c: {  	[tilespmem:s22], [sflag:$0x4] =	stream.linear.gather [hbm4b:s9+s4], $0x80, $0x38;
	[tilespmem:$0x1BE00] =	vst v63  }
0x3d: {  	_ =	swait.ge [sflag:s21], $0x80  }
0x3e: {  	[sflag:s21] =	ssyncset.done $0x0  }
0x3f: {  	s7 =	sadd.s32 s6, s10;
	[sflag:s21] =	ssyncadd.s32 $0xFFFFFF80  }
0x40: {  	[tilespmem:s23], [sflag:$0x4] =	stream.linear.gather [hbm4b:s7+s4], $0x80, $0x38;
	[tilespmem:$0x1BE00] =	vst v63  }
0x41: {  	_ =	swait.ge [sflag:s21], $0x80  }
0x42: {  	[sflag:s21] =	ssyncset.done $0x0  }
0x43: {  	[sflag:s21] =	ssyncadd.s32 $0xFFFFFF80  }
0x44: {  	[tilespmem:s25], [sflag:$0x1] =	stream.indirect.gather [hbm4b:s1+s24], $0x80, s22, s24, $0xb8;
	[tilespmem:$0x1BE00] =	vst v63  }
0x45: {  	_ =	swait.ge [sflag:s26], $0x4000  }
0x46: {  	[sflag:s26] =	ssyncset.done $0x0  }
0x47: {  	[sflag:s26] =	ssyncadd.s32 $0xFFFFC000  }
0x48: {  	[spmem:s2] =	stream.indirect.scatter.add.f32 [tilespmem:s25], [sflag:$0x2], $0x80, s23, s24, $0xb8;
	[tilespmem:$0x1BE00] =	vst v63  }
0x49: {  	_ =	swait.ge [sflag:s0], $0x4000  }
0x4a: {  	[sflag:s0] =	ssyncset.done $0x0  }
0x4b: {  	s11 =	sadd.s32 $0x0, s18;
	[sflag:s0] =	ssyncadd.s32 $0xFFFFC000  }
0x4c: {  	[tilespmem:s28], [sflag:$0x4] =	stream.linear.gather [hbm4b:s11+s4], $0x80, $0x38;
	[tilespmem:$0x1BE00] =	vst v63  }
0x4d: {  	_ =	swait.ge [sflag:s21], $0x80  }
0x4e: {  	[sflag:s21] =	ssyncset.done $0x0  }
0x4f: {  	s12 =	sadd.s32 $0x0, s17;
	[sflag:s21] =	ssyncadd.s32 $0xFFFFFF80  }
0x50: {  	[tilespmem:s29], [sflag:$0x4] =	stream.linear.gather [hbm4b:s12+s4], $0x80, $0x38;
	[tilespmem:$0x1BE00] =	vst v63  }
0x51: {  	_ =	swait.ge [sflag:s21], $0x80  }
0x52: {  	[sflag:s21] =	ssyncset.done $0x0  }
0x53: {  	[sflag:s21] =	ssyncadd.s32 $0xFFFFFF80  }
0x54: {  	[tilespmem:s30], [sflag:$0x1] =	stream.indirect.gather [hbm4b:s1+s24], $0x80, s28, s24, $0xb8;
	[tilespmem:$0x1BE00] =	vst v63  }
0x55: {  	_ =	swait.ge [sflag:s26], $0x4000  }
0x56: {  	[sflag:s26] =	ssyncset.done $0x0  }
0x57: {  	s9 =	sadd.s32 $0x100, s19;
	s7 =	simm.s32 $0x20;
	[sflag:s26] =	ssyncadd.s32 $0xFFFFC000  }
.LBB2_2:
0x58: {  	[spmem:s2] =	stream.indirect.scatter.add.f32 [tilespmem:s30], [sflag:$0x3], $0x80, s29, s24, $0xb8;
	[tilespmem:$0x1BE00] =	vst v63  }
0x59: {  	s10 =	smov.u32 s7  }
0x5a: {  	p0 =	sne.s32 s7, $0x4A0;
	s7 =	sadd.s32 $0x20, s7;
	_ =	swait.ge [sflag:s31], $0x4000  }
0x5b: {  	s11 =	sshrl.u32 s9, $0x3;
	[sflag:s31] =	ssyncset.done $0x0  }
0x5c: {  	s12 =	sadd.s32 s5, s11;
	[sflag:s31] =	ssyncadd.s32 $0xFFFFC000  }
0x5d: {  	[tilespmem:s22], [sflag:$0x4] =	stream.linear.gather [hbm4b:s12+s4], $0x80, $0x38;
	[tilespmem:$0x1BE00] =	vst v63  }
0x5e: {  	_ =	swait.ge [sflag:s21], $0x80  }
0x5f: {  	[sflag:s21] =	ssyncset.done $0x0  }
0x60: {  	s11 =	sadd.s32 s6, s11;
	[sflag:s21] =	ssyncadd.s32 $0xFFFFFF80  }
0x61: {  	[tilespmem:s23], [sflag:$0x4] =	stream.linear.gather [hbm4b:s11+s4], $0x80, $0x38;
	[tilespmem:$0x1BE00] =	vst v63  }
0x62: {  	_ =	swait.ge [sflag:s21], $0x80  }
0x63: {  	[sflag:s21] =	ssyncset.done $0x0  }
0x64: {  	[sflag:s21] =	ssyncadd.s32 $0xFFFFFF80  }
0x65: {  	[tilespmem:s25], [sflag:$0x1] =	stream.indirect.gather [hbm4b:s1+s24], $0x80, s22, s24, $0xb8;
	[tilespmem:$0x1BE00] =	vst v63  }
0x66: {  	_ =	swait.ge [sflag:s26], $0x4000  }
0x67: {  	[sflag:s26] =	ssyncset.done $0x0  }
0x68: {  	[sflag:s26] =	ssyncadd.s32 $0xFFFFC000  }
0x69: {  	[spmem:s2] =	stream.indirect.scatter.add.f32 [tilespmem:s25], [sflag:$0x2], $0x80, s23, s24, $0xb8;
	[tilespmem:$0x1BE00] =	vst v63  }
0x6a: {  	_ =	swait.ge [sflag:s0], $0x4000  }
0x6b: {  	[sflag:s0] =	ssyncset.done $0x0  }
0x6c: {  	s11 =	sadd.s32 s10, s18;
	[sflag:s0] =	ssyncadd.s32 $0xFFFFC000  }
0x6d: {  	[tilespmem:s28], [sflag:$0x4] =	stream.linear.gather [hbm4b:s11+s4], $0x80, $0x38;
	[tilespmem:$0x1BE00] =	vst v63  }
0x6e: {  	_ =	swait.ge [sflag:s21], $0x80  }
0x6f: {  	[sflag:s21] =	ssyncset.done $0x0  }
0x70: {  	s10 =	sadd.s32 s10, s17;
	[sflag:s21] =	ssyncadd.s32 $0xFFFFFF80  }
0x71: {  	[tilespmem:s29], [sflag:$0x4] =	stream.linear.gather [hbm4b:s10+s4], $0x80, $0x38;
	[tilespmem:$0x1BE00] =	vst v63  }
0x72: {  	_ =	swait.ge [sflag:s21], $0x80  }
0x73: {  	[sflag:s21] =	ssyncset.done $0x0  }
.Ltmp0:
0x74: {  	[sflag:s21] =	ssyncadd.s32 $0xFFFFFF80;
	(pc) =	sbr.rel @p0 .LBB2_2-.Ltmp0, $4  }
0x75: {  	[tilespmem:s30], [sflag:$0x1] =	stream.indirect.gather [hbm4b:s1+s24], $0x80, s28, s24, $0xb8;
	[tilespmem:$0x1BE00] =	vst v63  }
0x76: {  	_ =	swait.ge [sflag:s26], $0x4000  }
0x77: {  	[sflag:s26] =	ssyncset.done $0x0  }
0x78: {  	s9 =	sadd.s32 $0x100, s9;
	[sflag:s26] =	ssyncadd.s32 $0xFFFFC000  }
0x79: {  	[spmem:s2] =	stream.indirect.scatter.add.f32 [tilespmem:s30], [sflag:$0x3], $0x80, s29, s24, $0xb8;
	[tilespmem:$0x1BE00] =	vst v63  }
0x7a: {  	_ =	swait.ge [sflag:s31], $0x4000  }
0x7b: {  	[sflag:s31] =	ssyncset.done $0x0  }
0x7c: {  	[sflag:s31] =	ssyncadd.s32 $0xFFFFC000  }
0x7d: {  	[tilespmem:s22], [sflag:$0x4] =	stream.linear.gather [hbm4b:s13+s4], $0x80, $0x38;
	[tilespmem:$0x1BE00] =	vst v63  }
0x7e: {  	_ =	swait.ge [sflag:s21], $0x80  }
0x7f: {  	[sflag:s21] =	ssyncset.done $0x0  }
0x80: {  	[sflag:s21] =	ssyncadd.s32 $0xFFFFFF80  }
0x81: {  	[tilespmem:s23], [sflag:$0x4] =	stream.linear.gather [hbm4b:s14+s4], $0x80, $0x38;
	[tilespmem:$0x1BE00] =	vst v63  }
0x82: {  	_ =	swait.ge [sflag:s21], $0x80  }
0x83: {  	[sflag:s21] =	ssyncset.done $0x0  }
0x84: {  	[sflag:s21] =	ssyncadd.s32 $0xFFFFFF80  }
0x85: {  	[tilespmem:s25], [sflag:$0x1] =	stream.indirect.gather [hbm4b:s1+s24], $0x80, s22, s24, $0xb8;
	[tilespmem:$0x1BE00] =	vst v63  }
0x86: {  	_ =	swait.ge [sflag:s26], $0x4000  }
0x87: {  	[sflag:s26] =	ssyncset.done $0x0  }
0x88: {  	[sflag:s26] =	ssyncadd.s32 $0xFFFFC000  }
0x89: {  	[spmem:s2] =	stream.indirect.scatter.add.f32 [tilespmem:s25], [sflag:$0x2], $0x80, s23, s24, $0xb8;
	[tilespmem:$0x1BE00] =	vst v63  }
0x8a: {  	_ =	swait.ge [sflag:s31], $0x4000  }
0x8b: {  	[sflag:s31] =	ssyncset.done $0x0  }
0x8c: {  	[sflag:s31] =	ssyncadd.s32 $0xFFFFC000  }
0x8d: {  	_ =	swait.ge [sflag:s0], $0x4000  }
0x8e: {  	s3 =	sadd.s32 $0x1, s3;
	[sflag:s0] =	ssyncset.done $0x0  }
0x8f: {  	p0 =	sne.s32 s3, s16;
	[sflag:s0] =	ssyncadd.s32 $0xFFFFC000  }
.Ltmp1:
0x90: {  	[bflag:$0x0] =	sbarrier.arrive $0xFFFF;
	(pc) =	sbr.rel @p0 .LBB2_1-.Ltmp1, $4  }
0x91: {  	[hbm:s15], [sflag:s8] =	dma.local [spmem:s20], $0x2780  }
0x92: {  	_ =	swait.ge [sflag:s21], $0x2780  }
0x93: {  	[sflag:s21] =	ssyncset.done $0x0  }
0x94: {  	[sflag:s21] =	ssyncadd.s32 $0xFFFFD880  }
0x95: {  	_ =	sfence.sel $0x180000  }
0x96: {  	[bflag:$0x0] =	sbarrier.arrive $0xFFFF  }
0x97: {  	_ =	strace $0x9000004D  }
0x98: {  	s0 =	stileid.u32;
	[bflag:$0x2] =	sbarrier.arrive $0xFFFF  }
0x99: {  	p0 =	sne.s32 s0, $0x0;
	s0 =	rddreg [dreg:$0x3]  }
0x9a: {  	s0 =	sadd.s32 @!p0 $0x100000, s0  }
0x9b: {  	[sflag:s0] =	ssyncadd.tile.s32 @!p0 $0x1;
	_ =	shalt  }
.Lfunc_end2:
_tile_overlayer_lowered:
.L_overlay_start_2:
0x9c: {  	(tag) =	ssettag $0x2  }
0x9d: {  	s0 =	rddreg [dreg:$0x0];
	s2 =	stileid.u32  }
0x9e: {  	s1 =	rddreg [dreg:$0x1];
	p0 =	sne.s32 s2, $0x0  }
0x9f: {  	s3 =	rddreg [dreg:$0x2];
	[bflag:$0x3] =	sbarrier.arrive $0xFFFF;
	s2 =	simm.s32 @!p0 $0x1C04  }
0xa0: {  	[timem:s3], [sflag:s2] =	dma.local @!p0 [hbm:s0], s1  }
0xa1: {  	s0 =	simm.s32 @!p0 $0x4  }
0xa2: {  	_ =	swait.ge @!p0 [sflag:s0], s1  }
0xa3: {  	s1 =	ssub.s32 @!p0 $0x0, s1;
	[sflag:s0] =	ssyncset.done @!p0 $0x0  }
0xa4: {  	[sflag:s0] =	ssyncadd.s32 @!p0 s1  }
0xa5: {  	[bflag:$0x3] =	sbarrier.arrive $0xFFFF  }
0xa6: {  	_ =	shalt  }

// kernel: kernel.19.cloned.1.call-start
scs
__scs_entry_jumppad:
0x0: {  	(pc) =	sbr.rel $0x88, $3  }
0x1: {  	(tag) =	ssettag $0x0;
	lr =	simm.s32 $0x1  }
0x2: {  	[smem:$0x3F94] =	sst lr;
	_ =	strace $0xD0000000  }
0x3: {  	_ = 	snop  }
0x4: {  	_ = 	snop  }
0x5: {  	_ = 	snop  }
0x6: {  	_ = 	snop  }
0x7: {  	_ = 	snop  }
__scs_overlays_trampoline_lowered:
0x8: {  	[smem:$0x3FA3] =	sst s0  }
0x9: {  	[smem:$0x3FA4] =	sst s1  }
0xa: {  	[smem:$0x3FA5] =	sst s2  }
0xb: {  	[smem:$0x3FA6] =	sst s3  }
0xc: {  	[smem:$0x3FA7] =	sst s4  }
0xd: {  	[smem:$0x3FA8] =	sst s5  }
0xe: {  	[smem:$0x3FA9] =	sst s6  }
0xf: {  	[smem:$0x3FAA] =	sst s7  }
0x10: {  	[smem:$0x3FAB] =	sst s8  }
0x11: {  	[smem:$0x3FAC] =	sst s9;
	s0 =	simm.s32 @!p0 $0x0  }
0x12: {  	s1 =	sld [smem:$0x3F92];
	s0 =	simm.s32 @p0 $0x1  }
0x13: {  	[smem:$0x3FAD] =	sst s0;
	s0 =	simm.s32 @!p1 $0x0  }
0x14: {  	s2 =	sld [smem:$0x3F91];
	s0 =	simm.s32 @p1 $0x1  }
0x15: {  	[smem:$0x3FAE] =	sst s0;
	s0 =	simm.s32 @!p2 $0x0  }
0x16: {  	s3 =	sld [smem:$0x3FDB];
	s0 =	simm.s32 @p2 $0x1  }
0x17: {  	s4 =	simm.s32 $0x1BF5;
	[smem:$0x3FB0] =	sst s0  }
0x18: {  	s0 =	sld [smem:$0x3F93];
	_ =	swait.ge [sflag:s4], $0x0  }
0x19: {  	s7 =	sld [smem:$0x3F94]  }
0x1a: {  	s8 =	sadd.s32 $0xFFFFE003, lr  }
0x1b: {  	s9 =	sadd.s32 $0xFFFFFEF7, lr;
	s5 =	simm.s32 $0xFFFFFFFF;
	p2 =	slt.u32 s8, $0xFFFFF086  }
0x1c: {  	p1 =	slt.u32 s9, $0xF7A;
	s5 =	simm.s32 @!p2 $0x0  }
0x1d: {  	s5 =	simm.s32 @p1 $0x1;
	p0 =	seq.s32 s7, s2  }
0x1e: {  	s7 =	smul.u32 @!p0 $0xF7A, s2;
	p2 =	seq.s32 @!p0 s5, $0x0  }
0x1f: {  	s9 =	smul.u32 $0xF7A, s1;
	s8 =	simm.s32 @!p0 $0x1BF5;
	p2 =	por !p2, p0  }
0x20: {  	[sflag:s8] =	ssyncset.s32 @!p0 $0xFFFFF086;
	s6 =	sadd.s32 @!p0 s3, s7;
	s7 =	simm.s32 @!p0 $0x108  }
0x21: {  	s3 =	sadd.s32 s3, s9;
	s6 =	sadd.s32 @!p0 $0x88, s6;
	s7 =	simm.s32 @p2 $0x1082  }
0x22: {  	[simem:s7], [sflag:s8] =	dma.local @!p0 [hbm:s6], $0xF7A  }
0x23: {  	s9 =	sor.u32 $0xD0000000, s2;
	s6 =	simm.s32 $0x108;
	_ =	swait.ge @!p0 [sflag:s8], $0x0  }
0x24: {  	s3 =	sadd.s32 $0x88, s3;
	s6 =	simm.s32 @!p1 $0x1082;
	[sflag:s4] =	ssyncset.s32 $0xFFFFF086  }
0x25: {  	[simem:s6], [sflag:s4] =	dma.local [hbm:s3], $0xF7A  }
0x26: {  	[smem:$0x3F94] =	sst s1;
	(tag) =	ssettag s2;
	_ =	strace s9  }
0x27: {  	s1 =	sld [smem:$0x3FA4]  }
0x28: {  	s2 =	sld [smem:$0x3FA5]  }
0x29: {  	s4 =	sld [smem:$0x3FA7]  }
0x2a: {  	p0 =	seq.s32 s5, $0x0;
	s5 =	sld [smem:$0x3FA8]  }
0x2b: {  	s6 =	sld [smem:$0x3FA9]  }
0x2c: {  	s7 =	sld [smem:$0x3FAA]  }
0x2d: {  	s3 =	simm.s32 $0x108;
	s8 =	sld [smem:$0x3FAB]  }
0x2e: {  	s3 =	simm.s32 @!p0 $0x1082;
	s9 =	sld [smem:$0x3FAC]  }
0x2f: {  	lr =	sadd.s32 s0, s3;
	s0 =	sld [smem:$0x3FA3]  }
0x30: {  	s3 =	sld [smem:$0x3FA6]  }
0x31: {  	[smem:$0x3FAF] =	sst s10  }
0x32: {  	s10 =	sld [smem:$0x3FAD];
	_ =	sdelay $0x3  }
0x33: {  	p0 =	seq.s32 s10, $0x1;
	s10 =	sld [smem:$0x3FAF];
	_ =	sdelay $0x3  }
0x34: {  	[smem:$0x3FAF] =	sst s10  }
0x35: {  	s10 =	sld [smem:$0x3FAE];
	_ =	sdelay $0x3  }
0x36: {  	p1 =	seq.s32 s10, $0x1;
	s10 =	sld [smem:$0x3FAF];
	_ =	sdelay $0x3  }
0x37: {  	[smem:$0x3FAF] =	sst s10  }
0x38: {  	s10 =	sld [smem:$0x3FB0]  }
0x39: {  	_ = 	snop;
	(pc) =	sbr.ind lr, $3  }
0x3a: {  	_ = 	snop  }
0x3b: {  	_ = 	snop  }
0x3c: {  	p2 =	seq.s32 s10, $0x1;
	s10 =	sld [smem:$0x3FAF]  }
0x3d: {  	_ =	shalt  }
0x3e: {  	_ =	shalt  }
0x3f: {  	_ =	shalt  }
0x40: {  	_ =	shalt  }
0x41: {  	_ =	shalt  }
0x42: {  	_ =	shalt  }
0x43: {  	_ =	shalt  }
0x44: {  	_ =	shalt  }
0x45: {  	_ =	shalt  }
0x46: {  	_ =	shalt  }
0x47: {  	_ =	shalt  }
0x48: {  	_ =	shalt  }
0x49: {  	_ =	shalt  }
0x4a: {  	_ =	shalt  }
0x4b: {  	_ =	shalt  }
0x4c: {  	_ =	shalt  }
0x4d: {  	_ =	shalt  }
0x4e: {  	_ =	shalt  }
0x4f: {  	_ =	shalt  }
0x50: {  	_ =	shalt  }
0x51: {  	_ =	shalt  }
0x52: {  	_ =	shalt  }
0x53: {  	_ =	shalt  }
0x54: {  	_ =	shalt  }
0x55: {  	_ =	shalt  }
0x56: {  	_ =	shalt  }
0x57: {  	_ =	shalt  }
0x58: {  	_ =	shalt  }
0x59: {  	_ =	shalt  }
0x5a: {  	_ =	shalt  }
0x5b: {  	_ =	shalt  }
0x5c: {  	_ =	shalt  }
0x5d: {  	_ =	shalt  }
0x5e: {  	_ =	shalt  }
0x5f: {  	_ =	shalt  }
0x60: {  	_ =	shalt  }
0x61: {  	_ =	shalt  }
0x62: {  	_ =	shalt  }
0x63: {  	_ =	shalt  }
0x64: {  	_ =	shalt  }
0x65: {  	_ =	shalt  }
0x66: {  	_ =	shalt  }
0x67: {  	_ =	shalt  }
0x68: {  	_ =	shalt  }
0x69: {  	_ =	shalt  }
0x6a: {  	_ =	shalt  }
0x6b: {  	_ =	shalt  }
0x6c: {  	_ =	shalt  }
0x6d: {  	_ =	shalt  }
0x6e: {  	_ =	shalt  }
0x6f: {  	_ =	shalt  }
0x70: {  	_ =	shalt  }
0x71: {  	_ =	shalt  }
0x72: {  	_ =	shalt  }
0x73: {  	_ =	shalt  }
0x74: {  	_ =	shalt  }
0x75: {  	_ =	shalt  }
0x76: {  	_ =	shalt  }
0x77: {  	_ =	shalt  }
0x78: {  	_ =	shalt  }
0x79: {  	_ =	shalt  }
0x7a: {  	_ =	shalt  }
0x7b: {  	_ =	shalt  }
0x7c: {  	_ =	shalt  }
0x7d: {  	_ =	shalt  }
0x7e: {  	_ =	shalt  }
0x7f: {  	_ =	shalt  }
0x80: {  	_ =	shalt  }
0x81: {  	_ =	shalt  }
0x82: {  	_ =	shalt  }
0x83: {  	_ =	shalt  }
0x84: {  	_ =	shalt  }
0x85: {  	_ =	shalt  }
0x86: {  	_ =	shalt  }
0x87: {  	_ =	shalt  }
.Lfunc_end0:
.L_simem_size_0:
called_computation.3_lowered:
.L_overlay_start_0:
0x88: {  	s2 =	sld [smem:$0x3FD9]  }
0x89: {  	s3 =	sld [smem:$0x3FFE];
	_ =	sdelay $0x1  }
0x8a: {  	s1 =	srdreg.scid  }
0x8b: {  	s0 =	sand.u32 $0x1, s1  }
0x8c: {  	s17 =	sshll.u32 s0, $0xA;
	s2 =	sadd.s32 s3, s2  }
0x8d: {  	s2 =	sadd.s32 s2, s17  }
0x8e: {  	[smem:$0x3FBB] =	sst s2  }
0x8f: {  	_ = 	snop  }
0x90: {  	s2 =	sld [smem:$0x3FD0];
	(tm) =	ssettm $0x1  }
0x91: {  	s18 =	sld [smem:$0x3FFB];
	_ =	sdelay $0x3  }
0x92: {  	_ =	strace s18  }
0x93: {  	s3 =	sld [smem:$0x3FFC];
	_ =	sdelay $0x3  }
0x94: {  	_ =	strace s3  }
0x95: {  	s3 =	sld [smem:$0x3FFD];
	_ =	sdelay $0x3  }
0x96: {  	_ =	strace s3  }
0x97: {  	_ =	strace $0x8FFFFFFF  }
0x98: {  	s19 =	sld [smem:$0x3FDB];
	_ =	sdelay $0x1  }
0x99: {  	s4 =	simm.s32 $_scs_section_size  }
0x9a: {  	s5 =	simm.s32 $_size__tile_overlayer_lowered;
	s6 =	simm.s32 $_tile_overlayer_lowered  }
0x9b: {  	s22 =	simm.s32 $0x1BFF;
	s21 =	sshll.u32 s6, $0x1;
	s3 =	sadd.s32 s4, s19  }
0x9c: {  	s7 =	simm.s32 $0x0;
	s20 =	sshll.u32 s5, $0x1;
	s5 =	sadd.s32 s21, s3  }
0x9d: {  	[timem:s7], [sflag:s22] =	dma.local [hbm:s5], s20  }
0x9e: {  	_ =	swait.ge [sflag:s22], s20  }
0x9f: {  	s4 =	ssub.s32 $0x0, s20;
	[sflag:s22] =	ssyncset.done $0x0  }
0xa0: {  	[sflag:s22] =	ssyncadd.s32 s4;
	_ =	sdelay $0x1  }
0xa1: {  	s23 =	simm.s32 $0x1B8B  }
0xa2: {  	_ =	swait.ge [sflag:s23], $0x1  }
0xa3: {  	[sflag:s23] =	ssyncset.done $0x0  }
0xa4: {  	s25 =	simm.s32 $0x1B8E;
	s24 =	sld [smem:$0x3FFE];
	[sflag:s23] =	ssyncadd.s32 $0xFFFFFFFF  }
0xa5: {  	s26 =	simm.s32 $execute0_lowered;
	[smem:$0x3FD2] =	sst s25  }
0xa6: {  	s5 =	sshll.u32 s26, $0x1;
	_ =	strace $0x8000004F;
	[dreg:$0x1] =	wrdreg $0xFFFFFFFF  }
0xa7: {  	s28 =	simm.s32 $_size_execute0_lowered;
	s3 =	sadd.s32 s3, s5;
	[dreg:$0x0] =	wrdreg $0x0  }
0xa8: {  	s5 =	sshll.u32 s28, $0x1;
	[dreg:$0x2] =	wrdreg s3  }
0xa9: {  	[dreg:$0x3] =	wrdreg s5  }
0xaa: {  	[dreg:$0x4] =	wrdreg $0xC0  }
0xab: {  	_ =	task [dreg:s7], $0x5FFFF  }
0xac: {  	[dreg:$0x1] =	wrdreg $0xFFFFFFFF  }
0xad: {  	[dreg:$0x0] =	wrdreg $0x60  }
0xae: {  	[dreg:$0x2] =	wrdreg s2  }
0xaf: {  	[dreg:$0x3] =	wrdreg s24  }
0xb0: {  	[dreg:$0x4] =	wrdreg $0x0  }
0xb1: {  	[dreg:$0x5] =	wrdreg $0x9  }
0xb2: {  	_ =	task.clear_ibuf [dreg:s7], $0x6FFFF;
	_ =	strace $0x9000004F  }
0xb3: {  	s29 =	simm.s32 $0x9;
	_ =	strace $0x80000051  }
0xb4: {  	_ =	swait.ge [sflag:s29], $0x1  }
0xb5: {  	[sflag:s29] =	ssyncadd.s32 $0xFFFFFFFF  }
0xb6: {  	_ =	strace $0x90000051  }
0xb7: {  	_ =	sfence  }
0xb8: {  	s30 =	sld [smem:$0x0];
	_ =	sdelay $0x2  }
0xb9: {  	s31 =	sshll.u32 s1, $0xD;
	s1 =	sshrl.u32 s1, $0x2  }
0xba: {  	s3 =	sand.u32 $0x4000, s31;
	s1 =	sadd.s32 s1, s30  }
0xbb: {  	s0 =	sor.u32 s3, s0;
	s1 =	sshll.u32 s1, $0x11  }
0xbc: {  	s0 =	sor.u32 s1, s0  }
0xbd: {  	s0 =	sadd.s32 $0x8F2B, s0  }
0xbe: {  	[sflag:s0] =	ssyncadd.remote.s32 $0x1  }
0xbf: {  	_ =	sfence.sel $0xFFFF  }
0xc0: {  	[dreg:$0x0] =	wrdreg $0xFFFFFFFF;
	(pc) =	sbr.abs _section_cstart, $3  }
0xc1: {  	[dreg:$0x1] =	wrdreg $0xFFFFFFFF  }
0xc2: {  	_ =	task.clear_ibuf [dreg:s7], $0x2FFFF;
	_ =	strace $0x9FFFFFFF  }
0xc3: {  	(tm) =	ssettm $0x7FFFFFFF  }
tec
execute0_lowered:
.L_overlay_start_1:
0x0: {  	(tag) =	ssettag $0x1  }
0x1: {  	s1 =	rddreg [dreg:$0x0]  }
0x2: {  	s0 =	rddreg [dreg:$0x1]  }
0x3: {  	s2 =	rddreg [dreg:$0x2];
	s4 =	simm.s32 $0x0  }
0x4: {  	s3 =	srdreg.scid;
	s11 =	stileid.u32;
	s28 =	simm.s32 $0x13C80  }
0x5: {  	s29 =	simm.s32 $0x13D80;
	s30 =	simm.s32 $0x17E00;
	s31 =	simm.s32 $0x2  }
0x6: {  	[smem:$0x7FF] =	sst s4;
	s3 =	sand.u32 $0x1, s3;
	s7 =	smul.u32 $0x2780, s11  }
0x7: {  	s5 =	sadd.s32 $0x4800, s0;
	s10 =	smul.u32 $0x4F000, s11;
	s12 =	sadd.s32 $0x18400, s0  }
0x8: {  	s19 =	sshll.u32 s11, $0x6;
	_ =	strace $0x80000050;
	s6 =	sshll.u32 s3, $0x4  }
0x9: {  	s8 =	smul.u32 $0x27800, s3;
	s3 =	ssub.s32 $0x2, s3;
	[dreg:$0x4] =	wrdreg s12  }
0xa: {  	s9 =	sor.u32 s11, s6;
	s6 =	sadd.s32 $0xE600, s0;
	s17 =	sshrl.u32 s3, $0x1  }
0xb: {  	s18 =	sshrl.u32 s10, $0x2;
	s9 =	smul.u32 $0x2780, s9;
	s7 =	sadd.s32 s7, s8  }
0xc: {  	s3 =	ssub.s32 s3, s17;
	s20 =	sadd.s32 s18, s2;
	s8 =	sor.u32 $0x1C04, s19  }
0xd: {  	s0 =	sadd.s32 s7, s0;
	s15 =	sadd.s32 $0x180, s7;
	s16 =	smax.u32 s3, $0x1  }
0xe: {  	s19 =	sadd.s32 $0x100, s7;
	s20 =	sshrl.u32 s20, $0x3;
	s3 =	simm.s32 $0x0  }
0xf: {  	s9 =	sshrl.u32 s9, $0x3;
	s26 =	sshrl.u32 s15, $0x3;
	s15 =	sadd.s32 $0x41E00, s0  }
0x10: {  	s0 =	simm.s32 $0x3;
	s21 =	sadd.s32 $0x10, s9;
	s22 =	sadd.s32 s5, s9  }
0x11: {  	s23 =	sadd.s32 s6, s9;
	s9 =	sadd.s32 $0x4E0, s9;
	s17 =	sadd.s32 s26, s6  }
0x12: {  	s18 =	sadd.s32 s26, s5;
	s26 =	simm.s32 $0x1;
	[dreg:$0x5] =	wrdreg s22  }
0x13: {  	[dreg:$0x6] =	wrdreg s23;
	s24 =	sadd.s32 s5, s21;
	s25 =	sadd.s32 s6, s21  }
0x14: {  	s13 =	sadd.s32 s5, s9;
	s14 =	sadd.s32 s6, s9;
	s21 =	simm.s32 $0x4  }
0x15: {  	s22 =	simm.s32 $0x13C00;
	s23 =	simm.s32 $0x13D00;
	[dreg:$0x7] =	wrdreg s24  }
0x16: {  	[dreg:$0x8] =	wrdreg s25;
	s24 =	simm.s32 $0x80;
	s25 =	simm.s32 $0x13E00  }
.LBB2_1:
0x17: {  	s7 =	rddreg [dreg:$0x4]  }
0x18: {  	[spmem:s20], [sflag:s8] =	dma.local [hbm:s7], $0x2780  }
0x19: {  	_ =	swait.ge [sflag:s21], $0x2780  }
0x1a: {  	[sflag:s21] =	ssyncset.done $0x0  }
0x1b: {  	[sflag:s21] =	ssyncadd.s32 $0xFFFFD880  }
0x1c: {  	[bflag:$0x0] =	sbarrier.arrive $0xFFFF  }
0x1d: {  	s10 =	rddreg [dreg:$0x5]  }
0x1e: {  	[tilespmem:s22], [sflag:$0x4] =	stream.linear.gather [hbm4b:s10+s4], $0x80, $0x38;
	[tilespmem:$0x1BE00] =	vst v63  }
0x1f: {  	_ =	swait.ge [sflag:s21], $0x80  }
0x20: {  	[sflag:s21] =	ssyncset.done $0x0  }
0x21: {  	s11 =	rddreg [dreg:$0x6];
	[sflag:s21] =	ssyncadd.s32 $0xFFFFFF80  }
0x22: {  	[tilespmem:s23], [sflag:$0x4] =	stream.linear.gather [hbm4b:s11+s4], $0x80, $0x38;
	[tilespmem:$0x1BE00] =	vst v63  }
0x23: {  	_ =	swait.ge [sflag:s21], $0x80  }
0x24: {  	[sflag:s21] =	ssyncset.done $0x0  }
0x25: {  	[sflag:s21] =	ssyncadd.s32 $0xFFFFFF80  }
0x26: {  	[tilespmem:s25], [sflag:$0x1] =	stream.indirect.gather [hbm4b:s1+s24], $0x80, s22, s24, $0xb8;
	[tilespmem:$0x1BE00] =	vst v63  }
0x27: {  	_ =	swait.ge [sflag:s26], $0x4000  }
0x28: {  	[sflag:s26] =	ssyncset.done $0x0  }
0x29: {  	[sflag:s26] =	ssyncadd.s32 $0xFFFFC000  }
0x2a: {  	[spmem:s2] =	stream.indirect.scatter.add.f32 [tilespmem:s25], [sflag:$0x2], $0x80, s23, s24, $0xb8;
	[tilespmem:$0x1BE00] =	vst v63  }
0x2b: {  	s12 =	rddreg [dreg:$0x7]  }
0x2c: {  	[tilespmem:s28], [sflag:$0x4] =	stream.linear.gather [hbm4b:s12+s4], $0x80, $0x38;
	[tilespmem:$0x1BE00] =	vst v63  }
0x2d: {  	_ =	swait.ge [sflag:s21], $0x80  }
0x2e: {  	[sflag:s21] =	ssyncset.done $0x0  }
0x2f: {  	s9 =	rddreg [dreg:$0x8];
	[sflag:s21] =	ssyncadd.s32 $0xFFFFFF80  }
0x30: {  	[tilespmem:s29], [sflag:$0x4] =	stream.linear.gather [hbm4b:s9+s4], $0x80, $0x38;
	[tilespmem:$0x1BE00] =	vst v63  }
0x31: {  	_ =	swait.ge [sflag:s21], $0x80  }
0x32: {  	[sflag:s21] =	ssyncset.done $0x0  }
0x33: {  	[sflag:s21] =	ssyncadd.s32 $0xFFFFFF80  }
0x34: {  	[tilespmem:s30], [sflag:$0x1] =	stream.indirect.gather [hbm4b:s1+s24], $0x80, s28, s24, $0xb8;
	[tilespmem:$0x1BE00] =	vst v63  }
0x35: {  	_ =	swait.ge [sflag:s26], $0x4000  }
0x36: {  	[sflag:s26] =	ssyncset.done $0x0  }
0x37: {  	[sflag:s26] =	ssyncadd.s32 $0xFFFFC000  }
0x38: {  	[spmem:s2] =	stream.indirect.scatter.add.f32 [tilespmem:s30], [sflag:$0x3], $0x80, s29, s24, $0xb8;
	[tilespmem:$0x1BE00] =	vst v63  }
0x39: {  	_ =	swait.ge [sflag:s31], $0x4000  }
0x3a: {  	s10 =	sshrl.u32 s19, $0x3;
	[sflag:s31] =	ssyncset.done $0x0  }
0x3b: {  	s9 =	sadd.s32 s5, s10;
	[sflag:s31] =	ssyncadd.s32 $0xFFFFC000  }
0x3c: {  	[tilespmem:s22], [sflag:$0x4] =	stream.linear.gather [hbm4b:s9+s4], $0x80, $0x38;
	[tilespmem:$0x1BE00] =	vst v63  }
0x3d: {  	_ =	swait.ge [sflag:s21], $0x80  }
0x3e: {  	[sflag:s21] =	ssyncset.done $0x0  }
0x3f: {  	s7 =	sadd.s32 s6, s10;
	[sflag:s21] =	ssyncadd.s32 $0xFFFFFF80  }
0x40: {  	[tilespmem:s23], [sflag:$0x4] =	stream.linear.gather [hbm4b:s7+s4], $0x80, $0x38;
	[tilespmem:$0x1BE00] =	vst v63  }
0x41: {  	_ =	swait.ge [sflag:s21], $0x80  }
0x42: {  	[sflag:s21] =	ssyncset.done $0x0  }
0x43: {  	[sflag:s21] =	ssyncadd.s32 $0xFFFFFF80  }
0x44: {  	[tilespmem:s25], [sflag:$0x1] =	stream.indirect.gather [hbm4b:s1+s24], $0x80, s22, s24, $0xb8;
	[tilespmem:$0x1BE00] =	vst v63  }
0x45: {  	_ =	swait.ge [sflag:s26], $0x4000  }
0x46: {  	[sflag:s26] =	ssyncset.done $0x0  }
0x47: {  	[sflag:s26] =	ssyncadd.s32 $0xFFFFC000  }
0x48: {  	[spmem:s2] =	stream.indirect.scatter.add.f32 [tilespmem:s25], [sflag:$0x2], $0x80, s23, s24, $0xb8;
	[tilespmem:$0x1BE00] =	vst v63  }
0x49: {  	_ =	swait.ge [sflag:s0], $0x4000  }
0x4a: {  	[sflag:s0] =	ssyncset.done $0x0  }
0x4b: {  	s11 =	sadd.s32 $0x0, s18;
	[sflag:s0] =	ssyncadd.s32 $0xFFFFC000  }
0x4c: {  	[tilespmem:s28], [sflag:$0x4] =	stream.linear.gather [hbm4b:s11+s4], $0x80, $0x38;
	[tilespmem:$0x1BE00] =	vst v63  }
0x4d: {  	_ =	swait.ge [sflag:s21], $0x80  }
0x4e: {  	[sflag:s21] =	ssyncset.done $0x0  }
0x4f: {  	s12 =	sadd.s32 $0x0, s17;
	[sflag:s21] =	ssyncadd.s32 $0xFFFFFF80  }
0x50: {  	[tilespmem:s29], [sflag:$0x4] =	stream.linear.gather [hbm4b:s12+s4], $0x80, $0x38;
	[tilespmem:$0x1BE00] =	vst v63  }
0x51: {  	_ =	swait.ge [sflag:s21], $0x80  }
0x52: {  	[sflag:s21] =	ssyncset.done $0x0  }
0x53: {  	[sflag:s21] =	ssyncadd.s32 $0xFFFFFF80  }
0x54: {  	[tilespmem:s30], [sflag:$0x1] =	stream.indirect.gather [hbm4b:s1+s24], $0x80, s28, s24, $0xb8;
	[tilespmem:$0x1BE00] =	vst v63  }
0x55: {  	_ =	swait.ge [sflag:s26], $0x4000  }
0x56: {  	[sflag:s26] =	ssyncset.done $0x0  }
0x57: {  	s9 =	sadd.s32 $0x100, s19;
	s7 =	simm.s32 $0x20;
	[sflag:s26] =	ssyncadd.s32 $0xFFFFC000  }
.LBB2_2:
0x58: {  	[spmem:s2] =	stream.indirect.scatter.add.f32 [tilespmem:s30], [sflag:$0x3], $0x80, s29, s24, $0xb8;
	[tilespmem:$0x1BE00] =	vst v63  }
0x59: {  	s10 =	smov.u32 s7  }
0x5a: {  	p0 =	sne.s32 s7, $0x4A0;
	s7 =	sadd.s32 $0x20, s7;
	_ =	swait.ge [sflag:s31], $0x4000  }
0x5b: {  	s11 =	sshrl.u32 s9, $0x3;
	[sflag:s31] =	ssyncset.done $0x0  }
0x5c: {  	s12 =	sadd.s32 s5, s11;
	[sflag:s31] =	ssyncadd.s32 $0xFFFFC000  }
0x5d: {  	[tilespmem:s22], [sflag:$0x4] =	stream.linear.gather [hbm4b:s12+s4], $0x80, $0x38;
	[tilespmem:$0x1BE00] =	vst v63  }
0x5e: {  	_ =	swait.ge [sflag:s21], $0x80  }
0x5f: {  	[sflag:s21] =	ssyncset.done $0x0  }
0x60: {  	s11 =	sadd.s32 s6, s11;
	[sflag:s21] =	ssyncadd.s32 $0xFFFFFF80  }
0x61: {  	[tilespmem:s23], [sflag:$0x4] =	stream.linear.gather [hbm4b:s11+s4], $0x80, $0x38;
	[tilespmem:$0x1BE00] =	vst v63  }
0x62: {  	_ =	swait.ge [sflag:s21], $0x80  }
0x63: {  	[sflag:s21] =	ssyncset.done $0x0  }
0x64: {  	[sflag:s21] =	ssyncadd.s32 $0xFFFFFF80  }
0x65: {  	[tilespmem:s25], [sflag:$0x1] =	stream.indirect.gather [hbm4b:s1+s24], $0x80, s22, s24, $0xb8;
	[tilespmem:$0x1BE00] =	vst v63  }
0x66: {  	_ =	swait.ge [sflag:s26], $0x4000  }
0x67: {  	[sflag:s26] =	ssyncset.done $0x0  }
0x68: {  	[sflag:s26] =	ssyncadd.s32 $0xFFFFC000  }
0x69: {  	[spmem:s2] =	stream.indirect.scatter.add.f32 [tilespmem:s25], [sflag:$0x2], $0x80, s23, s24, $0xb8;
	[tilespmem:$0x1BE00] =	vst v63  }
0x6a: {  	_ =	swait.ge [sflag:s0], $0x4000  }
0x6b: {  	[sflag:s0] =	ssyncset.done $0x0  }
0x6c: {  	s11 =	sadd.s32 s10, s18;
	[sflag:s0] =	ssyncadd.s32 $0xFFFFC000  }
0x6d: {  	[tilespmem:s28], [sflag:$0x4] =	stream.linear.gather [hbm4b:s11+s4], $0x80, $0x38;
	[tilespmem:$0x1BE00] =	vst v63  }
0x6e: {  	_ =	swait.ge [sflag:s21], $0x80  }
0x6f: {  	[sflag:s21] =	ssyncset.done $0x0  }
0x70: {  	s10 =	sadd.s32 s10, s17;
	[sflag:s21] =	ssyncadd.s32 $0xFFFFFF80  }
0x71: {  	[tilespmem:s29], [sflag:$0x4] =	stream.linear.gather [hbm4b:s10+s4], $0x80, $0x38;
	[tilespmem:$0x1BE00] =	vst v63  }
0x72: {  	_ =	swait.ge [sflag:s21], $0x80  }
0x73: {  	[sflag:s21] =	ssyncset.done $0x0  }
.Ltmp0:
0x74: {  	[sflag:s21] =	ssyncadd.s32 $0xFFFFFF80;
	(pc) =	sbr.rel @p0 .LBB2_2-.Ltmp0, $4  }
0x75: {  	[tilespmem:s30], [sflag:$0x1] =	stream.indirect.gather [hbm4b:s1+s24], $0x80, s28, s24, $0xb8;
	[tilespmem:$0x1BE00] =	vst v63  }
0x76: {  	_ =	swait.ge [sflag:s26], $0x4000  }
0x77: {  	[sflag:s26] =	ssyncset.done $0x0  }
0x78: {  	s9 =	sadd.s32 $0x100, s9;
	[sflag:s26] =	ssyncadd.s32 $0xFFFFC000  }
0x79: {  	[spmem:s2] =	stream.indirect.scatter.add.f32 [tilespmem:s30], [sflag:$0x3], $0x80, s29, s24, $0xb8;
	[tilespmem:$0x1BE00] =	vst v63  }
0x7a: {  	_ =	swait.ge [sflag:s31], $0x4000  }
0x7b: {  	[sflag:s31] =	ssyncset.done $0x0  }
0x7c: {  	[sflag:s31] =	ssyncadd.s32 $0xFFFFC000  }
0x7d: {  	[tilespmem:s22], [sflag:$0x4] =	stream.linear.gather [hbm4b:s13+s4], $0x80, $0x38;
	[tilespmem:$0x1BE00] =	vst v63  }
0x7e: {  	_ =	swait.ge [sflag:s21], $0x80  }
0x7f: {  	[sflag:s21] =	ssyncset.done $0x0  }
0x80: {  	[sflag:s21] =	ssyncadd.s32 $0xFFFFFF80  }
0x81: {  	[tilespmem:s23], [sflag:$0x4] =	stream.linear.gather [hbm4b:s14+s4], $0x80, $0x38;
	[tilespmem:$0x1BE00] =	vst v63  }
0x82: {  	_ =	swait.ge [sflag:s21], $0x80  }
0x83: {  	[sflag:s21] =	ssyncset.done $0x0  }
0x84: {  	[sflag:s21] =	ssyncadd.s32 $0xFFFFFF80  }
0x85: {  	[tilespmem:s25], [sflag:$0x1] =	stream.indirect.gather [hbm4b:s1+s24], $0x80, s22, s24, $0xb8;
	[tilespmem:$0x1BE00] =	vst v63  }
0x86: {  	_ =	swait.ge [sflag:s26], $0x4000  }
0x87: {  	[sflag:s26] =	ssyncset.done $0x0  }
0x88: {  	[sflag:s26] =	ssyncadd.s32 $0xFFFFC000  }
0x89: {  	[spmem:s2] =	stream.indirect.scatter.add.f32 [tilespmem:s25], [sflag:$0x2], $0x80, s23, s24, $0xb8;
	[tilespmem:$0x1BE00] =	vst v63  }
0x8a: {  	_ =	swait.ge [sflag:s31], $0x4000  }
0x8b: {  	[sflag:s31] =	ssyncset.done $0x0  }
0x8c: {  	[sflag:s31] =	ssyncadd.s32 $0xFFFFC000  }
0x8d: {  	_ =	swait.ge [sflag:s0], $0x4000  }
0x8e: {  	s3 =	sadd.s32 $0x1, s3;
	[sflag:s0] =	ssyncset.done $0x0  }
0x8f: {  	p0 =	sne.s32 s3, s16;
	[sflag:s0] =	ssyncadd.s32 $0xFFFFC000  }
.Ltmp1:
0x90: {  	[bflag:$0x0] =	sbarrier.arrive $0xFFFF;
	(pc) =	sbr.rel @p0 .LBB2_1-.Ltmp1, $4  }
0x91: {  	[hbm:s15], [sflag:s8] =	dma.local [spmem:s20], $0x2780  }
0x92: {  	_ =	swait.ge [sflag:s21], $0x2780  }
0x93: {  	[sflag:s21] =	ssyncset.done $0x0  }
0x94: {  	[sflag:s21] =	ssyncadd.s32 $0xFFFFD880  }
0x95: {  	_ =	sfence.sel $0x180000  }
0x96: {  	[bflag:$0x0] =	sbarrier.arrive $0xFFFF  }
0x97: {  	_ =	strace $0x90000050  }
0x98: {  	s0 =	stileid.u32;
	[bflag:$0x2] =	sbarrier.arrive $0xFFFF  }
0x99: {  	p0 =	sne.s32 s0, $0x0;
	s0 =	rddreg [dreg:$0x3]  }
0x9a: {  	s0 =	sadd.s32 @!p0 $0x100000, s0  }
0x9b: {  	[sflag:s0] =	ssyncadd.tile.s32 @!p0 $0x1;
	_ =	shalt  }
.Lfunc_end2:
_tile_overlayer_lowered:
.L_overlay_start_2:
0x9c: {  	(tag) =	ssettag $0x2  }
0x9d: {  	s0 =	rddreg [dreg:$0x0];
	s2 =	stileid.u32  }
0x9e: {  	s1 =	rddreg [dreg:$0x1];
	p0 =	sne.s32 s2, $0x0  }
0x9f: {  	s3 =	rddreg [dreg:$0x2];
	[bflag:$0x3] =	sbarrier.arrive $0xFFFF;
	s2 =	simm.s32 @!p0 $0x1C04  }
0xa0: {  	[timem:s3], [sflag:s2] =	dma.local @!p0 [hbm:s0], s1  }
0xa1: {  	s0 =	simm.s32 @!p0 $0x4  }
0xa2: {  	_ =	swait.ge @!p0 [sflag:s0], s1  }
0xa3: {  	s1 =	ssub.s32 @!p0 $0x0, s1;
	[sflag:s0] =	ssyncset.done @!p0 $0x0  }
0xa4: {  	[sflag:s0] =	ssyncadd.s32 @!p0 s1  }
0xa5: {  	[bflag:$0x3] =	sbarrier.arrive $0xFFFF  }
0xa6: {  	_ =	shalt  }

</sc_bundles>
